<compile_context>
chip_gen: v7x
topology: tpu7x:2x2x1
jax: 0.10.2.dev20260603
libtpu: 0.0.44.dev20260713+nightly
codegen_flags: <defaults>
</compile_context>

<pallas_src>
import functools

import jax
import jax.numpy as jnp
from jax import lax
from jax.experimental import pallas as pl
from jax.experimental.pallas import tpu as pltpu
from jax.experimental.pallas import tpu_sc as plsc

N = 8192
NUM_CLASSES = 13
RADIUS2 = 0.25
KNN = 16
BETA = 0.5
NUM_SEED = 50
N_ITERS = 5
RBLK = 128
BIG = 1e30


def _msp_kernel(logits_ref, msp_ref, stop_ref):
    l = logits_ref[...]
    m = jnp.max(l, axis=1, keepdims=True)
    s = jnp.sum(jnp.exp(l - m), axis=1, keepdims=True)
    msp = 1.0 / s[:, 0]
    msp_ref[...] = msp
    mean = jnp.sum(msp) / N
    var = jnp.sum((msp - mean) * (msp - mean)) / N
    stop = mean - BETA * jnp.sqrt(jnp.maximum(var, 0.0))
    stop_ref[...] = jnp.full((1, 128), stop, jnp.float32)


def _msp_call(seg_logits):
    return pl.pallas_call(
        _msp_kernel,
        out_shape=(
            jax.ShapeDtypeStruct((N,), jnp.float32),
            jax.ShapeDtypeStruct((1, 128), jnp.float32),
        ),
    )(seg_logits)


def _ball_kernel(cblk_ref, ct_ref, mspf_ref, mspb_ref, dice_ref,
                 nbr_ref, mask0_ref):
    i = pl.program_id(0)
    cblk = cblk_ref[...]
    ct = ct_ref[...]
    sqf = jnp.sum(ct * ct, axis=0)[None, :]
    sqb = jnp.sum(cblk * cblk, axis=1)[:, None]
    d2 = sqb + sqf - 2.0 * jnp.dot(cblk, ct, preferred_element_type=jnp.float32)
    jl = lax.broadcasted_iota(jnp.int32, (RBLK, N), 1)
    d2v = jnp.where(d2 <= RADIUS2, d2, BIG)
    cols = []
    for _ in range(KNN):
        m = jnp.min(d2v, axis=1, keepdims=True)
        idx = jnp.min(jnp.where(d2v == m, jl, N), axis=1, keepdims=True)
        cols.append(jnp.where(m[:, 0] < 0.5 * BIG, idx[:, 0], -1))
        d2v = jnp.where(jl == idx, BIG, d2v)
    nbr_blk = jnp.stack(cols, axis=1).astype(jnp.int32)
    nbr_ref[...] = jnp.concatenate(
        [nbr_blk, jnp.full((RBLK, 128 - KNN), -1, jnp.int32)], axis=1)

    mspf = mspf_ref[0, :][None, :]
    mspb = mspb_ref[...][:, None]
    gi = i * RBLK + lax.broadcasted_iota(jnp.int32, (RBLK, 1), 0)
    rank = (jnp.sum((mspf < mspb).astype(jnp.int32), axis=1)
            + jnp.sum(((mspf == mspb) & (jl < gi)).astype(jnp.int32), axis=1))
    dice = dice_ref[...]
    hit = jnp.any(rank[:, None] == dice, axis=1)
    mask0_ref[...] = hit.astype(jnp.int32)


def _ball_call(coord, msp, dice2):
    coordT = coord.T
    msp2 = msp.reshape(1, N)
    grid = (N // RBLK,)
    return pl.pallas_call(
        _ball_kernel,
        grid=grid,
        in_specs=[
            pl.BlockSpec((RBLK, 3), lambda i: (i, 0)),
            pl.BlockSpec((3, N), lambda i: (0, 0)),
            pl.BlockSpec((1, N), lambda i: (0, 0)),
            pl.BlockSpec((RBLK,), lambda i: (i,)),
            pl.BlockSpec((1, 64), lambda i: (0, 0)),
        ],
        out_specs=(
            pl.BlockSpec((RBLK, 128), lambda i: (i, 0)),
            pl.BlockSpec((RBLK,), lambda i: (i,)),
        ),
        out_shape=(
            jax.ShapeDtypeStruct((N, 128), jnp.int32),
            jax.ShapeDtypeStruct((N,), jnp.int32),
        ),
    )(coord, coordT, msp2, msp, dice2)


NG = N // 16


def _sdiv(a, b):
    return (jnp.full((16,), a, jnp.float32) / jnp.full((16,), b, jnp.float32))[0]


def _vsqrt(a):
    a = jnp.maximum(a, 1e-30)
    i = plsc.bitcast(a, jnp.int32)
    y = plsc.bitcast(0x5F3759DF - (i >> 1), jnp.float32)
    for _ in range(3):
        y = y * (1.5 - 0.5 * a * y * y)
    return a * y


def _sc_grow_body(x_h, y_h, z_h, s_h, nbr_h, mask0_h, params_h, out_h,
                  x_v, y_v, z_v, s_v, d_v, sim_v, csim_v,
                  mask_v, cand_v, idxl_v, buf_v, sem):
    tile0 = (lax.axis_index("c") == 0) & (lax.axis_index("s") == 0)

    @pl.when(tile0)
    def _():
        pltpu.sync_copy(x_h, x_v)
        pltpu.sync_copy(y_h, y_v)
        pltpu.sync_copy(z_h, z_v)
        pltpu.sync_copy(s_h, s_v)
        pltpu.sync_copy(mask0_h, mask_v)
        pltpu.sync_copy(params_h, csim_v.at[pl.ds(0, 16)])
        stop_cond = csim_v[pl.ds(0, 16)][0]
        zeros_i = jnp.zeros((16,), jnp.int32)
        zeros_f = jnp.zeros((16,), jnp.float32)
        ones_i = jnp.ones((16,), jnp.int32)
        lane = lax.iota(jnp.int32, 16)

        def iteration(_, carry):
            def red_body(g, acc):
                cnt_a, sx_a, sy_a, sz_a, ss_a = acc
                mv = mask_v[pl.ds(g * 16, 16)] > 0
                f = jnp.where(mv, 1.0, 0.0)
                return (cnt_a + f,
                        sx_a + jnp.where(mv, x_v[pl.ds(g * 16, 16)], 0.0),
                        sy_a + jnp.where(mv, y_v[pl.ds(g * 16, 16)], 0.0),
                        sz_a + jnp.where(mv, z_v[pl.ds(g * 16, 16)], 0.0),
                        ss_a + jnp.where(mv, s_v[pl.ds(g * 16, 16)], 0.0))

            cnt_a, sx_a, sy_a, sz_a, ss_a = lax.fori_loop(
                0, NG, red_body, (zeros_f, zeros_f, zeros_f, zeros_f, zeros_f),
                unroll=4)
            cnt = jnp.sum(cnt_a)
            denom = jnp.maximum(cnt, 1.0)
            rden = _sdiv(1.0, denom)
            mx = jnp.sum(sx_a) * rden
            my = jnp.sum(sy_a) * rden
            mz = jnp.sum(sz_a) * rden
            ms = jnp.sum(ss_a) * rden
            cond_met = ((ms > stop_cond) & (cnt > 0.01 * N) & (cnt > 50.0))

            @pl.when(jnp.logical_not(cond_met))
            def _grow():
                def cz_body(g, nm):
                    cand_v[pl.ds(g * 16, 16)] = zeros_i
                    mv = mask_v[pl.ds(g * 16, 16)] > 0
                    mi = jnp.where(mv, 1, 0)
                    pos = nm + plsc.cumsum(mi) - 1
                    plsc.store_scatter(idxl_v, [pos], g * 16 + lane, mask=mv)
                    return nm + jnp.sum(mi)

                nm = lax.fori_loop(0, NG, cz_body, jnp.int32(0), unroll=4)
                for t in range(8):
                    idxl_v[pl.ds(nm + t * 16, 16)] = zeros_i

                def chunk_body(c, _):
                    pltpu.async_copy(
                        nbr_h.at[idxl_v.at[pl.ds(c * 128, 128)]], buf_v,
                        sem).wait()

                    def row_body(r, __):
                        tgt = buf_v[r, pl.ds(0, 16)]
                        valid = tgt >= 0
                        plsc.store_scatter(cand_v,
                                           [jnp.where(valid, tgt, 0)],
                                           ones_i, mask=valid)
                        return 0

                    rhi = jnp.minimum(128, nm - c * 128)
                    lax.fori_loop(0, rhi, row_body, 0)
                    return 0

                nchunks = (nm + 127) >> 7
                lax.fori_loop(0, nchunks, chunk_body, 0)

                def dm_body(g, acc):
                    dmin_a, dmax_a = acc
                    sl = pl.ds(g * 16, 16)
                    cv = (cand_v[sl] > 0) & (mask_v[sl] == 0)
                    cand_v[sl] = jnp.where(cv, 1, 0)
                    dx = x_v[sl] - mx
                    dy = y_v[sl] - my
                    dz = z_v[sl] - mz
                    d = _vsqrt(dx * dx + dy * dy + dz * dz)
                    d_v[sl] = d
                    return (jnp.minimum(dmin_a, jnp.where(cv, d, BIG)),
                            jnp.maximum(dmax_a, jnp.where(cv, d, -BIG)))

                dmin_a, dmax_a = lax.fori_loop(
                    0, NG, dm_body,
                    (jnp.full((16,), BIG, jnp.float32),
                     jnp.full((16,), -BIG, jnp.float32)), unroll=4)
                dmin = jnp.min(dmin_a)
                dmax = jnp.max(dmax_a)

                inv_rng = _sdiv(1.0, dmax - dmin + 0.001)

                def sim_body(g, nc):
                    sl = pl.ds(g * 16, 16)
                    cv = cand_v[sl] > 0
                    dist_sim = 1.0 - (d_v[sl] - dmin) * inv_rng
                    conf_sim = jnp.exp(-jnp.abs(s_v[sl] - ms))
                    sim = 0.4 * dist_sim + 0.6 * conf_sim
                    sim = jnp.where(cv, sim, 0.0)
                    sim_v[sl] = sim
                    ci = jnp.where(cv, 1, 0)
                    pos = nc + plsc.cumsum(ci) - 1
                    plsc.store_scatter(csim_v, [pos], sim, mask=cv)
                    return nc + jnp.sum(ci)

                nc = lax.fori_loop(0, NG, sim_body, jnp.int32(0), unroll=4)
                csim_v[pl.ds(nc, 16)] = zeros_f

                k_sel = (0.4 * nc.astype(jnp.float32)).astype(jnp.int32)
                ncg = (nc + 15) >> 4

                def bs_body(_, lohi):
                    lo, hi = lohi
                    mid = (lo + hi) >> 1
                    midf = lax.bitcast_convert_type(mid, jnp.float32)

                    def cb(g, a):
                        return a + jnp.where(csim_v[pl.ds(g * 16, 16)] >= midf,
                                             1, 0)

                    c = jnp.sum(lax.fori_loop(0, ncg, cb, zeros_i))
                    take = c >= k_sel
                    return (jnp.where(take, mid, lo), jnp.where(take, hi, mid))

                lo, _hi = lax.fori_loop(0, 31, bs_body,
                                        (jnp.int32(0), jnp.int32(0x3F800001)))
                thr = lax.bitcast_convert_type(lo, jnp.float32)
                do_sel = k_sel > 0

                def sel_body(g, _):
                    sl = pl.ds(g * 16, 16)
                    sel = (cand_v[sl] > 0) & (sim_v[sl] >= thr) & do_sel
                    mask_v[sl] = jnp.where(sel, 1, mask_v[sl])
                    return 0

                lax.fori_loop(0, NG, sel_body, 0, unroll=4)

            return carry

        lax.fori_loop(0, N_ITERS, iteration, 0)
        pltpu.sync_copy(mask_v, out_h)


def _sc_grow_call(xs, ys, zs, ss, nbr, mask0, params):
    mesh = plsc.VectorSubcoreMesh(core_axis_name="c", subcore_axis_name="s",
                                  num_cores=2, num_subcores=16)
    f32 = jnp.float32
    i32 = jnp.int32
    kern = pl.kernel(
        _sc_grow_body,
        out_type=jax.ShapeDtypeStruct((N,), i32),
        mesh=mesh,
        scratch_types=[
            pltpu.VMEM((N,), f32),
            pltpu.VMEM((N,), f32),
            pltpu.VMEM((N,), f32),
            pltpu.VMEM((N,), f32),
            pltpu.VMEM((N,), f32),
            pltpu.VMEM((N,), f32),
            pltpu.VMEM((N + 16,), f32),
            pltpu.VMEM((N,), i32),
            pltpu.VMEM((N,), i32),
            pltpu.VMEM((N + 128,), i32),
            pltpu.VMEM((128, 128), i32),
            pltpu.SemaphoreType.DMA,
        ],
        compiler_params=pltpu.CompilerParams(needs_layout_passes=False),
    )
    return kern(xs, ys, zs, ss, nbr, mask0, params)


def _final_kernel(lf_ref, seg_ref, pseudo_ref, score_ref, loss_ref):
    lf = lf_ref[...]
    m = jnp.max(lf, axis=1, keepdims=True)
    ex = jnp.exp(lf - m)
    s = jnp.sum(ex, axis=1, keepdims=True)
    logp = lf - m - jnp.log(s)
    tgt = jnp.where(pseudo_ref[...] > 0, NUM_CLASSES, seg_ref[...])
    cols = lax.broadcasted_iota(jnp.int32, (N, NUM_CLASSES + 1), 1)
    nll = -jnp.sum(jnp.where(cols == tgt[:, None], logp, 0.0), axis=1)
    loss_ref[...] = jnp.full((1, 128), jnp.sum(nll) / N, jnp.float32)
    score_ref[...] = ex[:, NUM_CLASSES] / s[:, 0]


def _final_call(logits_full, segment, pseudo):
    return pl.pallas_call(
        _final_kernel,
        out_shape=(
            jax.ShapeDtypeStruct((N,), jnp.float32),
            jax.ShapeDtypeStruct((1, 128), jnp.float32),
        ),
    )(logits_full, segment, pseudo)


def kernel(coord, seg_logits, score, segment):
    msp, stop2 = _msp_call(seg_logits)
    dice = jax.random.randint(jax.random.key(1), (NUM_SEED,), 0,
                              int(0.2 * N)).astype(jnp.int32)
    dice2 = jnp.concatenate(
        [dice, jnp.full((64 - NUM_SEED,), -1, jnp.int32)]).reshape(1, 64)
    nbr, mask0 = _ball_call(coord, msp, dice2)
    coordT = coord.T
    pseudo = _sc_grow_call(coordT[0], coordT[1], coordT[2], msp, nbr, mask0,
                           stop2.reshape(128)[:16])
    logits_full = jnp.concatenate([seg_logits, score], axis=-1)
    score_out, loss2 = _final_call(logits_full, segment.astype(jnp.int32),
                                   pseudo)
    return (score_out, loss2[0, 0])

# --- scband reference (transcript-rebuilt; emitter-appended) ---
"""Pipeline reference for scband-point-pdf-v1-51711406244268 (READ-ONLY COPY).

The authoritative reference and input builder live on the scoring server;
editing this copy changes nothing except your own understanding.
"""

import jax
import jax.numpy as jnp
import numpy as np
from jax import lax

N = 8192
NUM_CLASSES = 13
RADIUS = 0.5
KNN = 16
BETA = 0.5
SEED_RANGE = 0.2
NUM_SEED = 50
ALPHA = 1.0
N_ITERS = 5


def setup_inputs(seed: int = 0):
    key = jax.random.key(seed)
    k1, k2, k3, k4 = jax.random.split(key, 4)
    coord = jax.random.normal(k1, (N, 3), dtype=jnp.float32) * 2.0
    seg_logits = jax.random.normal(k2, (N, NUM_CLASSES), dtype=jnp.float32)
    score = jax.random.normal(k3, (N, 1), dtype=jnp.float32)
    segment = jax.random.randint(k4, (N,), 0, NUM_CLASSES)
    return {"coord": coord, "seg_logits": seg_logits, "score": score, "segment": segment}


def _ball_query(coord):
    # brute-force ball query: K nearest within radius, -1 padded (tp.ball_query analogue)
    sq = jnp.sum(coord * coord, axis=1)
    d2 = sq[:, None] + sq[None, :] - 2.0 * (coord @ coord.T)
    neg, idx = lax.top_k(-d2, KNN)
    valid = (-neg) <= RADIUS * RADIUS
    return jnp.where(valid, idx, -1)


def _pseudo_mask(coord, seg_logits):
    # corresponds to get_pseudo_mask / pseudo_labeling (runs under torch.no_grad)
    coord = lax.stop_gradient(coord)
    seg_logits = lax.stop_gradient(seg_logits)
    n = coord.shape[0]
    nbr = _ball_query(coord)
    msp = jnp.max(jax.nn.softmax(seg_logits, axis=-1), axis=-1)
    stop_cond = jnp.mean(msp) - BETA * jnp.std(msp)
    dice = jax.random.randint(jax.random.key(1), (NUM_SEED,), 0, int(SEED_RANGE * n))
    seed_idx = jnp.argsort(msp)[dice]
    mask0 = jnp.zeros((n,), dtype=bool).at[seed_idx].set(True)
    scores = msp

    def body(i, mask):
        fmask = mask.astype(jnp.float32)
        cnt = jnp.sum(fmask)
        denom = jnp.maximum(cnt, 1.0)
        mean_c = jnp.sum(coord * fmask[:, None], axis=0) / denom
        mean_s = jnp.sum(scores * fmask) / denom
        cond_met = (mean_s > stop_cond) & (cnt > 0.01 * n) & (cnt > 50.0)
        src = (mask[:, None] & (nbr >= 0)).reshape(-1)
        tgt = jnp.maximum(nbr, 0).reshape(-1)
        cand = (jnp.zeros((n,), jnp.int32).at[tgt].add(src.astype(jnp.int32)) > 0) & (~mask)
        d = jnp.linalg.norm(coord - mean_c[None, :], axis=-1)
        dmin = jnp.min(jnp.where(cand, d, jnp.inf))
        dmax = jnp.max(jnp.where(cand, d, -jnp.inf))
        dist_sim = 1.0 - (d - dmin) / (dmax - dmin + 0.001)
        conf_sim = jnp.exp(-jnp.abs(scores - mean_s))
        sim = jnp.where(cand, 0.4 * dist_sim + 0.6 * conf_sim, -jnp.inf)
        num_cand = jnp.sum(cand.astype(jnp.int32))
        k_sel = (0.4 * num_cand.astype(jnp.float32)).astype(jnp.int32)
        order = jnp.argsort(-sim)
        rank = jnp.zeros((n,), jnp.int32).at[order].set(jnp.arange(n, dtype=jnp.int32))
        select = cand & (rank < k_sel)
        new_mask = mask | select
        return jnp.where(cond_met, mask, new_mask)

    return lax.fori_loop(0, N_ITERS, body, mask0)


def reference(coord, seg_logits, score, segment):
    pseudo = _pseudo_mask(coord, seg_logits)
    logits_full = jnp.concatenate([seg_logits, score], axis=-1)
    tgt = jnp.where(pseudo, NUM_CLASSES, segment).astype(jnp.int32)
    logp = jax.nn.log_softmax(logits_full, axis=-1)
    nll = -jnp.take_along_axis(logp, tgt[:, None], axis=1)[:, 0]
    loss = jnp.mean(nll) * ALPHA
    score_out = jax.nn.softmax(logits_full, axis=-1)[:, -1]
    return (score_out, loss)

if __name__ == "__main__":
    import jax
    _d = setup_inputs()
    print(jax.jit(kernel)(*tuple(_d.values())))

</pallas_src>

<mosaic_0001>
#map = affine_map<(d0, d1) -> (0)>
#map1 = affine_map<(d0, d1) -> (0, 0)>
module attributes {stable_mosaic.version = 14 : i64} {
  func.func @_sc_grow_body(%arg0: i32, %arg1: i32, %arg2: memref<8192xf32, #tpu.memory_space<hbm>>, %arg3: memref<8192xf32, #tpu.memory_space<hbm>>, %arg4: memref<8192xf32, #tpu.memory_space<hbm>>, %arg5: memref<8192xf32, #tpu.memory_space<hbm>>, %arg6: memref<8192x128xi32, #tpu.memory_space<hbm>>, %arg7: memref<8192xi32, #tpu.memory_space<hbm>>, %arg8: memref<16xf32, #tpu.memory_space<hbm>>, %arg9: memref<8192xi32, #tpu.memory_space<hbm>>, %arg10: memref<8192xf32, #tpu.memory_space<vmem>>, %arg11: memref<8192xf32, #tpu.memory_space<vmem>>, %arg12: memref<8192xf32, #tpu.memory_space<vmem>>, %arg13: memref<8192xf32, #tpu.memory_space<vmem>>, %arg14: memref<8192xf32, #tpu.memory_space<vmem>>, %arg15: memref<8192xf32, #tpu.memory_space<vmem>>, %arg16: memref<8208xf32, #tpu.memory_space<vmem>>, %arg17: memref<8192xi32, #tpu.memory_space<vmem>>, %arg18: memref<8192xi32, #tpu.memory_space<vmem>>, %arg19: memref<8320xi32, #tpu.memory_space<vmem>>, %arg20: memref<128x128xi32, #tpu.memory_space<vmem>>, %arg21: memref<!tpu.dma_semaphore, #tpu.memory_space<semaphore_mem>>) attributes {dimension_semantics = [#tpu.dimension_semantics<core_parallel>, #tpu.dimension_semantics<subcore_parallel>], iteration_bounds = array<i64: 2, 16>, scalar_prefetch = 0 : i64, scratch_operands = 12 : i64, tpu.core_type = #tpu.core_type<sc_vector_subcore>, window_params = [{transform_indices = #map}, {transform_indices = #map}, {transform_indices = #map}, {transform_indices = #map}, {transform_indices = #map1}, {transform_indices = #map}, {transform_indices = #map}, {transform_indices = #map}]} {
    %eq3A = arith.constant 0 : i32
    %eq3A_0 = arith.cmpi eq, %arg0, %eq3A : i32
    %eq3A_1 = arith.constant 0 : i32
    %eq3A_2 = arith.cmpi eq, %arg1, %eq3A_1 : i32
    %and3A = arith.andi %eq3A_0, %eq3A_2 : i1
    %convert_element_type3A = arith.extui %and3A : i1 to i32
    %cond3A = arith.constant 0 : i32
    %cond3A_3 = arith.cmpi ne, %convert_element_type3A, %cond3A : i32
    scf.if %cond3A_3 {
      "tpu.region"() ({
        %run_scoped3A = tpu.sem_alloc : memref<!tpu.dma_semaphore, #tpu.memory_space<semaphore_mem>>
        tpu.enqueue_dma source(%arg2 : memref<8192xf32, #tpu.memory_space<hbm>>) target(%arg10 : memref<8192xf32, #tpu.memory_space<vmem>>) target_semaphore(%run_scoped3A : memref<!tpu.dma_semaphore, #tpu.memory_space<semaphore_mem>>)
        tpu.wait_dma2 semaphore(%run_scoped3A : memref<!tpu.dma_semaphore, #tpu.memory_space<semaphore_mem>>) src(%arg2 : memref<8192xf32, #tpu.memory_space<hbm>>) dst(%arg10 : memref<8192xf32, #tpu.memory_space<vmem>>)
        tpu.yield
      }) : () -> ()
      "tpu.region"() ({
        %run_scoped3A = tpu.sem_alloc : memref<!tpu.dma_semaphore, #tpu.memory_space<semaphore_mem>>
        tpu.enqueue_dma source(%arg3 : memref<8192xf32, #tpu.memory_space<hbm>>) target(%arg11 : memref<8192xf32, #tpu.memory_space<vmem>>) target_semaphore(%run_scoped3A : memref<!tpu.dma_semaphore, #tpu.memory_space<semaphore_mem>>)
        tpu.wait_dma2 semaphore(%run_scoped3A : memref<!tpu.dma_semaphore, #tpu.memory_space<semaphore_mem>>) src(%arg3 : memref<8192xf32, #tpu.memory_space<hbm>>) dst(%arg11 : memref<8192xf32, #tpu.memory_space<vmem>>)
        tpu.yield
      }) : () -> ()
      "tpu.region"() ({
        %run_scoped3A = tpu.sem_alloc : memref<!tpu.dma_semaphore, #tpu.memory_space<semaphore_mem>>
        tpu.enqueue_dma source(%arg4 : memref<8192xf32, #tpu.memory_space<hbm>>) target(%arg12 : memref<8192xf32, #tpu.memory_space<vmem>>) target_semaphore(%run_scoped3A : memref<!tpu.dma_semaphore, #tpu.memory_space<semaphore_mem>>)
        tpu.wait_dma2 semaphore(%run_scoped3A : memref<!tpu.dma_semaphore, #tpu.memory_space<semaphore_mem>>) src(%arg4 : memref<8192xf32, #tpu.memory_space<hbm>>) dst(%arg12 : memref<8192xf32, #tpu.memory_space<vmem>>)
        tpu.yield
      }) : () -> ()
      "tpu.region"() ({
        %run_scoped3A = tpu.sem_alloc : memref<!tpu.dma_semaphore, #tpu.memory_space<semaphore_mem>>
        tpu.enqueue_dma source(%arg5 : memref<8192xf32, #tpu.memory_space<hbm>>) target(%arg13 : memref<8192xf32, #tpu.memory_space<vmem>>) target_semaphore(%run_scoped3A : memref<!tpu.dma_semaphore, #tpu.memory_space<semaphore_mem>>)
        tpu.wait_dma2 semaphore(%run_scoped3A : memref<!tpu.dma_semaphore, #tpu.memory_space<semaphore_mem>>) src(%arg5 : memref<8192xf32, #tpu.memory_space<hbm>>) dst(%arg13 : memref<8192xf32, #tpu.memory_space<vmem>>)
        tpu.yield
      }) : () -> ()
      "tpu.region"() ({
        %run_scoped3A = tpu.sem_alloc : memref<!tpu.dma_semaphore, #tpu.memory_space<semaphore_mem>>
        tpu.enqueue_dma source(%arg7 : memref<8192xi32, #tpu.memory_space<hbm>>) target(%arg17 : memref<8192xi32, #tpu.memory_space<vmem>>) target_semaphore(%run_scoped3A : memref<!tpu.dma_semaphore, #tpu.memory_space<semaphore_mem>>)
        tpu.wait_dma2 semaphore(%run_scoped3A : memref<!tpu.dma_semaphore, #tpu.memory_space<semaphore_mem>>) src(%arg7 : memref<8192xi32, #tpu.memory_space<hbm>>) dst(%arg17 : memref<8192xi32, #tpu.memory_space<vmem>>)
        tpu.yield
      }) : () -> ()
      "tpu.region"() ({
        %run_scoped3A = tpu.sem_alloc : memref<!tpu.dma_semaphore, #tpu.memory_space<semaphore_mem>>
        %dma_start3A = arith.constant 0 : i32
        %dma_start3A_15 = tpu.memref_slice %arg16[%dma_start3A] : memref<8208xf32, #tpu.memory_space<vmem>> -> memref<16xf32, #tpu.memory_space<vmem>>
        %dma_start3A_16 = arith.constant 0 : i32
        %dma_start3A_17 = tpu.memref_slice %arg16[%dma_start3A_16] : memref<8208xf32, #tpu.memory_space<vmem>> -> memref<16xf32, #tpu.memory_space<vmem>>
        tpu.enqueue_dma source(%arg8 : memref<16xf32, #tpu.memory_space<hbm>>) target(%dma_start3A_17 : memref<16xf32, #tpu.memory_space<vmem>>) target_semaphore(%run_scoped3A : memref<!tpu.dma_semaphore, #tpu.memory_space<semaphore_mem>>)
        %dma_wait3A = arith.constant 0 : i32
        %dma_wait3A_18 = tpu.memref_slice %arg16[%dma_wait3A] : memref<8208xf32, #tpu.memory_space<vmem>> -> memref<16xf32, #tpu.memory_space<vmem>>
        %dma_wait3A_19 = arith.constant 0 : i32
        %dma_wait3A_20 = tpu.memref_slice %arg16[%dma_wait3A_19] : memref<8208xf32, #tpu.memory_space<vmem>> -> memref<16xf32, #tpu.memory_space<vmem>>
        tpu.wait_dma2 semaphore(%run_scoped3A : memref<!tpu.dma_semaphore, #tpu.memory_space<semaphore_mem>>) src(%arg8 : memref<16xf32, #tpu.memory_space<hbm>>) dst(%dma_wait3A_20 : memref<16xf32, #tpu.memory_space<vmem>>)
        tpu.yield
      }) : () -> ()
      %get3A = arith.constant 0 : index
      %get3A_4 = tpu.vector_load %arg16[%get3A] {strides = array<i32>} : memref<8208xf32, #tpu.memory_space<vmem>>, vector<16xf32>,
      %slice3A = vector.extract_strided_slice %get3A_4 {offsets = [0], sizes = [1], strides = [1]} : vector<16xf32> to vector<1xf32>
      %squeeze3A = vector.extract %slice3A[0] : f32 from vector<1xf32>
      %broadcast_in_dim3A = arith.constant 0 : i32
      %broadcast_in_dim3A_5 = vector.broadcast %broadcast_in_dim3A : i32 to vector<16xi32>
      %broadcast_in_dim3A_6 = arith.constant 0.000000e+00 : f32
      %broadcast_in_dim3A_7 = vector.broadcast %broadcast_in_dim3A_6 : f32 to vector<16xf32>
      %broadcast_in_dim3A_8 = arith.constant 1 : i32
      %broadcast_in_dim3A_9 = vector.broadcast %broadcast_in_dim3A_8 : i32 to vector<16xi32>
      %iota3A = tpu.iota {dimensions = array<i32: 0>} : vector<16xi32>
      %scan3A = arith.constant 0 : i32
      %scan3A_10 = arith.constant 0 : i32
      %scan3A_11 = arith.constant 5 : i32
      %scan3A_12 = arith.addi %scan3A_10, %scan3A_11 : i32
      %scan3A_13 = arith.constant 1 : i32
      scf.for %scan3A_15 = %scan3A_10 to %scan3A_12 step %scan3A_13  : i32 {
        %scan3A_16 = arith.constant 0 : i32
        %scan3A_17 = arith.constant 512 : i32
        %scan3A_18 = arith.addi %scan3A_16, %scan3A_17 : i32
        %scan3A_19 = arith.constant 4 : i32
        %scan3A_20:5 = scf.for %scan3A_60 = %scan3A_16 to %scan3A_18 step %scan3A_19 iter_args(%scan3A_61 = %broadcast_in_dim3A_7, %scan3A_62 = %broadcast_in_dim3A_7, %scan3A_63 = %broadcast_in_dim3A_7, %scan3A_64 = %broadcast_in_dim3A_7, %scan3A_65 = %broadcast_in_dim3A_7) -> (vector<16xf32>, vector<16xf32>, vector<16xf32>, vector<16xf32>, vector<16xf32>)  : i32 {
          %mul3A_66 = arith.constant 16 : i32
          %mul3A_67 = arith.muli %scan3A_60, %mul3A_66 : i32
          %get3A_68 = arith.index_cast %mul3A_67 : i32 to index
          %get3A_69 = tpu.vector_load %arg17[%get3A_68] {strides = array<i32>} : memref<8192xi32, #tpu.memory_space<vmem>>, vector<16xi32>,
          %gt3A_70 = arith.constant 0 : i32
          %gt3A_71 = vector.broadcast %gt3A_70 : i32 to vector<16xi32>
          %gt3A_72 = arith.cmpi sgt, %get3A_69, %gt3A_71 : vector<16xi32>
          %jit3A = arith.constant 1.000000e+00 : f32
          %jit3A_73 = arith.constant 0.000000e+00 : f32
          %broadcast_in_dim3A_74 = vector.broadcast %jit3A : f32 to vector<16xf32>
          %broadcast_in_dim3A_75 = vector.broadcast %jit3A_73 : f32 to vector<16xf32>
          %select_n3A = arith.select %gt3A_72, %broadcast_in_dim3A_74, %broadcast_in_dim3A_75 : vector<16xi1>, vector<16xf32>
          %add3A = arith.addf %scan3A_61, %select_n3A : vector<16xf32>
          %mul3A_76 = arith.constant 16 : i32
          %mul3A_77 = arith.muli %scan3A_60, %mul3A_76 : i32
          %get3A_78 = arith.index_cast %mul3A_77 : i32 to index
          %get3A_79 = tpu.vector_load %arg10[%get3A_78] {strides = array<i32>} : memref<8192xf32, #tpu.memory_space<vmem>>, vector<16xf32>,
          %jit3A_80 = arith.constant 0.000000e+00 : f32
          %broadcast_in_dim3A_81 = vector.broadcast %jit3A_80 : f32 to vector<16xf32>
          %select_n3A_82 = arith.select %gt3A_72, %get3A_79, %broadcast_in_dim3A_81 : vector<16xi1>, vector<16xf32>
          %add3A_83 = arith.addf %scan3A_62, %select_n3A_82 : vector<16xf32>
          %mul3A_84 = arith.constant 16 : i32
          %mul3A_85 = arith.muli %scan3A_60, %mul3A_84 : i32
          %get3A_86 = arith.index_cast %mul3A_85 : i32 to index
          %get3A_87 = tpu.vector_load %arg11[%get3A_86] {strides = array<i32>} : memref<8192xf32, #tpu.memory_space<vmem>>, vector<16xf32>,
          %jit3A_88 = arith.constant 0.000000e+00 : f32
          %broadcast_in_dim3A_89 = vector.broadcast %jit3A_88 : f32 to vector<16xf32>
          %select_n3A_90 = arith.select %gt3A_72, %get3A_87, %broadcast_in_dim3A_89 : vector<16xi1>, vector<16xf32>
          %add3A_91 = arith.addf %scan3A_63, %select_n3A_90 : vector<16xf32>
          %mul3A_92 = arith.constant 16 : i32
          %mul3A_93 = arith.muli %scan3A_60, %mul3A_92 : i32
          %get3A_94 = arith.index_cast %mul3A_93 : i32 to index
          %get3A_95 = tpu.vector_load %arg12[%get3A_94] {strides = array<i32>} : memref<8192xf32, #tpu.memory_space<vmem>>, vector<16xf32>,
          %jit3A_96 = arith.constant 0.000000e+00 : f32
          %broadcast_in_dim3A_97 = vector.broadcast %jit3A_96 : f32 to vector<16xf32>
          %select_n3A_98 = arith.select %gt3A_72, %get3A_95, %broadcast_in_dim3A_97 : vector<16xi1>, vector<16xf32>
          %add3A_99 = arith.addf %scan3A_64, %select_n3A_98 : vector<16xf32>
          %mul3A_100 = arith.constant 16 : i32
          %mul3A_101 = arith.muli %scan3A_60, %mul3A_100 : i32
          %get3A_102 = arith.index_cast %mul3A_101 : i32 to index
          %get3A_103 = tpu.vector_load %arg13[%get3A_102] {strides = array<i32>} : memref<8192xf32, #tpu.memory_space<vmem>>, vector<16xf32>,
          %jit3A_104 = arith.constant 0.000000e+00 : f32
          %broadcast_in_dim3A_105 = vector.broadcast %jit3A_104 : f32 to vector<16xf32>
          %select_n3A_106 = arith.select %gt3A_72, %get3A_103, %broadcast_in_dim3A_105 : vector<16xi1>, vector<16xf32>
          %add3A_107 = arith.addf %scan3A_65, %select_n3A_106 : vector<16xf32>
          %scan3A_108 = arith.constant 1 : i32
          %scan3A_109 = arith.addi %scan3A_60, %scan3A_108 : i32
          %mul3A_110 = arith.constant 16 : i32
          %mul3A_111 = arith.muli %scan3A_109, %mul3A_110 : i32
          %get3A_112 = arith.index_cast %mul3A_111 : i32 to index
          %get3A_113 = tpu.vector_load %arg17[%get3A_112] {strides = array<i32>} : memref<8192xi32, #tpu.memory_space<vmem>>, vector<16xi32>,
          %gt3A_114 = arith.constant 0 : i32
          %gt3A_115 = vector.broadcast %gt3A_114 : i32 to vector<16xi32>
          %gt3A_116 = arith.cmpi sgt, %get3A_113, %gt3A_115 : vector<16xi32>
          %jit3A_117 = arith.constant 1.000000e+00 : f32
          %jit3A_118 = arith.constant 0.000000e+00 : f32
          %broadcast_in_dim3A_119 = vector.broadcast %jit3A_117 : f32 to vector<16xf32>
          %broadcast_in_dim3A_120 = vector.broadcast %jit3A_118 : f32 to vector<16xf32>
          %select_n3A_121 = arith.select %gt3A_116, %broadcast_in_dim3A_119, %broadcast_in_dim3A_120 : vector<16xi1>, vector<16xf32>
          %add3A_122 = arith.addf %add3A, %select_n3A_121 : vector<16xf32>
          %mul3A_123 = arith.constant 16 : i32
          %mul3A_124 = arith.muli %scan3A_109, %mul3A_123 : i32
          %get3A_125 = arith.index_cast %mul3A_124 : i32 to index
          %get3A_126 = tpu.vector_load %arg10[%get3A_125] {strides = array<i32>} : memref<8192xf32, #tpu.memory_space<vmem>>, vector<16xf32>,
          %jit3A_127 = arith.constant 0.000000e+00 : f32
          %broadcast_in_dim3A_128 = vector.broadcast %jit3A_127 : f32 to vector<16xf32>
          %select_n3A_129 = arith.select %gt3A_116, %get3A_126, %broadcast_in_dim3A_128 : vector<16xi1>, vector<16xf32>
          %add3A_130 = arith.addf %add3A_83, %select_n3A_129 : vector<16xf32>
          %mul3A_131 = arith.constant 16 : i32
          %mul3A_132 = arith.muli %scan3A_109, %mul3A_131 : i32
          %get3A_133 = arith.index_cast %mul3A_132 : i32 to index
          %get3A_134 = tpu.vector_load %arg11[%get3A_133] {strides = array<i32>} : memref<8192xf32, #tpu.memory_space<vmem>>, vector<16xf32>,
          %jit3A_135 = arith.constant 0.000000e+00 : f32
          %broadcast_in_dim3A_136 = vector.broadcast %jit3A_135 : f32 to vector<16xf32>
          %select_n3A_137 = arith.select %gt3A_116, %get3A_134, %broadcast_in_dim3A_136 : vector<16xi1>, vector<16xf32>
          %add3A_138 = arith.addf %add3A_91, %select_n3A_137 : vector<16xf32>
          %mul3A_139 = arith.constant 16 : i32
          %mul3A_140 = arith.muli %scan3A_109, %mul3A_139 : i32
          %get3A_141 = arith.index_cast %mul3A_140 : i32 to index
          %get3A_142 = tpu.vector_load %arg12[%get3A_141] {strides = array<i32>} : memref<8192xf32, #tpu.memory_space<vmem>>, vector<16xf32>,
          %jit3A_143 = arith.constant 0.000000e+00 : f32
          %broadcast_in_dim3A_144 = vector.broadcast %jit3A_143 : f32 to vector<16xf32>
          %select_n3A_145 = arith.select %gt3A_116, %get3A_142, %broadcast_in_dim3A_144 : vector<16xi1>, vector<16xf32>
          %add3A_146 = arith.addf %add3A_99, %select_n3A_145 : vector<16xf32>
          %mul3A_147 = arith.constant 16 : i32
          %mul3A_148 = arith.muli %scan3A_109, %mul3A_147 : i32
          %get3A_149 = arith.index_cast %mul3A_148 : i32 to index
          %get3A_150 = tpu.vector_load %arg13[%get3A_149] {strides = array<i32>} : memref<8192xf32, #tpu.memory_space<vmem>>, vector<16xf32>,
          %jit3A_151 = arith.constant 0.000000e+00 : f32
          %broadcast_in_dim3A_152 = vector.broadcast %jit3A_151 : f32 to vector<16xf32>
          %select_n3A_153 = arith.select %gt3A_116, %get3A_150, %broadcast_in_dim3A_152 : vector<16xi1>, vector<16xf32>
          %add3A_154 = arith.addf %add3A_107, %select_n3A_153 : vector<16xf32>
          %scan3A_155 = arith.constant 2 : i32
          %scan3A_156 = arith.addi %scan3A_60, %scan3A_155 : i32
          %mul3A_157 = arith.constant 16 : i32
          %mul3A_158 = arith.muli %scan3A_156, %mul3A_157 : i32
          %get3A_159 = arith.index_cast %mul3A_158 : i32 to index
          %get3A_160 = tpu.vector_load %arg17[%get3A_159] {strides = array<i32>} : memref<8192xi32, #tpu.memory_space<vmem>>, vector<16xi32>,
          %gt3A_161 = arith.constant 0 : i32
          %gt3A_162 = vector.broadcast %gt3A_161 : i32 to vector<16xi32>
          %gt3A_163 = arith.cmpi sgt, %get3A_160, %gt3A_162 : vector<16xi32>
          %jit3A_164 = arith.constant 1.000000e+00 : f32
          %jit3A_165 = arith.constant 0.000000e+00 : f32
          %broadcast_in_dim3A_166 = vector.broadcast %jit3A_164 : f32 to vector<16xf32>
          %broadcast_in_dim3A_167 = vector.broadcast %jit3A_165 : f32 to vector<16xf32>
          %select_n3A_168 = arith.select %gt3A_163, %broadcast_in_dim3A_166, %broadcast_in_dim3A_167 : vector<16xi1>, vector<16xf32>
          %add3A_169 = arith.addf %add3A_122, %select_n3A_168 : vector<16xf32>
          %mul3A_170 = arith.constant 16 : i32
          %mul3A_171 = arith.muli %scan3A_156, %mul3A_170 : i32
          %get3A_172 = arith.index_cast %mul3A_171 : i32 to index
          %get3A_173 = tpu.vector_load %arg10[%get3A_172] {strides = array<i32>} : memref<8192xf32, #tpu.memory_space<vmem>>, vector<16xf32>,
          %jit3A_174 = arith.constant 0.000000e+00 : f32
          %broadcast_in_dim3A_175 = vector.broadcast %jit3A_174 : f32 to vector<16xf32>
          %select_n3A_176 = arith.select %gt3A_163, %get3A_173, %broadcast_in_dim3A_175 : vector<16xi1>, vector<16xf32>
          %add3A_177 = arith.addf %add3A_130, %select_n3A_176 : vector<16xf32>
          %mul3A_178 = arith.constant 16 : i32
          %mul3A_179 = arith.muli %scan3A_156, %mul3A_178 : i32
          %get3A_180 = arith.index_cast %mul3A_179 : i32 to index
          %get3A_181 = tpu.vector_load %arg11[%get3A_180] {strides = array<i32>} : memref<8192xf32, #tpu.memory_space<vmem>>, vector<16xf32>,
          %jit3A_182 = arith.constant 0.000000e+00 : f32
          %broadcast_in_dim3A_183 = vector.broadcast %jit3A_182 : f32 to vector<16xf32>
          %select_n3A_184 = arith.select %gt3A_163, %get3A_181, %broadcast_in_dim3A_183 : vector<16xi1>, vector<16xf32>
          %add3A_185 = arith.addf %add3A_138, %select_n3A_184 : vector<16xf32>
          %mul3A_186 = arith.constant 16 : i32
          %mul3A_187 = arith.muli %scan3A_156, %mul3A_186 : i32
          %get3A_188 = arith.index_cast %mul3A_187 : i32 to index
          %get3A_189 = tpu.vector_load %arg12[%get3A_188] {strides = array<i32>} : memref<8192xf32, #tpu.memory_space<vmem>>, vector<16xf32>,
          %jit3A_190 = arith.constant 0.000000e+00 : f32
          %broadcast_in_dim3A_191 = vector.broadcast %jit3A_190 : f32 to vector<16xf32>
          %select_n3A_192 = arith.select %gt3A_163, %get3A_189, %broadcast_in_dim3A_191 : vector<16xi1>, vector<16xf32>
          %add3A_193 = arith.addf %add3A_146, %select_n3A_192 : vector<16xf32>
          %mul3A_194 = arith.constant 16 : i32
          %mul3A_195 = arith.muli %scan3A_156, %mul3A_194 : i32
          %get3A_196 = arith.index_cast %mul3A_195 : i32 to index
          %get3A_197 = tpu.vector_load %arg13[%get3A_196] {strides = array<i32>} : memref<8192xf32, #tpu.memory_space<vmem>>, vector<16xf32>,
          %jit3A_198 = arith.constant 0.000000e+00 : f32
          %broadcast_in_dim3A_199 = vector.broadcast %jit3A_198 : f32 to vector<16xf32>
          %select_n3A_200 = arith.select %gt3A_163, %get3A_197, %broadcast_in_dim3A_199 : vector<16xi1>, vector<16xf32>
          %add3A_201 = arith.addf %add3A_154, %select_n3A_200 : vector<16xf32>
          %scan3A_202 = arith.constant 3 : i32
          %scan3A_203 = arith.addi %scan3A_60, %scan3A_202 : i32
          %mul3A_204 = arith.constant 16 : i32
          %mul3A_205 = arith.muli %scan3A_203, %mul3A_204 : i32
          %get3A_206 = arith.index_cast %mul3A_205 : i32 to index
          %get3A_207 = tpu.vector_load %arg17[%get3A_206] {strides = array<i32>} : memref<8192xi32, #tpu.memory_space<vmem>>, vector<16xi32>,
          %gt3A_208 = arith.constant 0 : i32
          %gt3A_209 = vector.broadcast %gt3A_208 : i32 to vector<16xi32>
          %gt3A_210 = arith.cmpi sgt, %get3A_207, %gt3A_209 : vector<16xi32>
          %jit3A_211 = arith.constant 1.000000e+00 : f32
          %jit3A_212 = arith.constant 0.000000e+00 : f32
          %broadcast_in_dim3A_213 = vector.broadcast %jit3A_211 : f32 to vector<16xf32>
          %broadcast_in_dim3A_214 = vector.broadcast %jit3A_212 : f32 to vector<16xf32>
          %select_n3A_215 = arith.select %gt3A_210, %broadcast_in_dim3A_213, %broadcast_in_dim3A_214 : vector<16xi1>, vector<16xf32>
          %add3A_216 = arith.addf %add3A_169, %select_n3A_215 : vector<16xf32>
          %mul3A_217 = arith.constant 16 : i32
          %mul3A_218 = arith.muli %scan3A_203, %mul3A_217 : i32
          %get3A_219 = arith.index_cast %mul3A_218 : i32 to index
          %get3A_220 = tpu.vector_load %arg10[%get3A_219] {strides = array<i32>} : memref<8192xf32, #tpu.memory_space<vmem>>, vector<16xf32>,
          %jit3A_221 = arith.constant 0.000000e+00 : f32
          %broadcast_in_dim3A_222 = vector.broadcast %jit3A_221 : f32 to vector<16xf32>
          %select_n3A_223 = arith.select %gt3A_210, %get3A_220, %broadcast_in_dim3A_222 : vector<16xi1>, vector<16xf32>
          %add3A_224 = arith.addf %add3A_177, %select_n3A_223 : vector<16xf32>
          %mul3A_225 = arith.constant 16 : i32
          %mul3A_226 = arith.muli %scan3A_203, %mul3A_225 : i32
          %get3A_227 = arith.index_cast %mul3A_226 : i32 to index
          %get3A_228 = tpu.vector_load %arg11[%get3A_227] {strides = array<i32>} : memref<8192xf32, #tpu.memory_space<vmem>>, vector<16xf32>,
          %jit3A_229 = arith.constant 0.000000e+00 : f32
          %broadcast_in_dim3A_230 = vector.broadcast %jit3A_229 : f32 to vector<16xf32>
          %select_n3A_231 = arith.select %gt3A_210, %get3A_228, %broadcast_in_dim3A_230 : vector<16xi1>, vector<16xf32>
          %add3A_232 = arith.addf %add3A_185, %select_n3A_231 : vector<16xf32>
          %mul3A_233 = arith.constant 16 : i32
          %mul3A_234 = arith.muli %scan3A_203, %mul3A_233 : i32
          %get3A_235 = arith.index_cast %mul3A_234 : i32 to index
          %get3A_236 = tpu.vector_load %arg12[%get3A_235] {strides = array<i32>} : memref<8192xf32, #tpu.memory_space<vmem>>, vector<16xf32>,
          %jit3A_237 = arith.constant 0.000000e+00 : f32
          %broadcast_in_dim3A_238 = vector.broadcast %jit3A_237 : f32 to vector<16xf32>
          %select_n3A_239 = arith.select %gt3A_210, %get3A_236, %broadcast_in_dim3A_238 : vector<16xi1>, vector<16xf32>
          %add3A_240 = arith.addf %add3A_193, %select_n3A_239 : vector<16xf32>
          %mul3A_241 = arith.constant 16 : i32
          %mul3A_242 = arith.muli %scan3A_203, %mul3A_241 : i32
          %get3A_243 = arith.index_cast %mul3A_242 : i32 to index
          %get3A_244 = tpu.vector_load %arg13[%get3A_243] {strides = array<i32>} : memref<8192xf32, #tpu.memory_space<vmem>>, vector<16xf32>,
          %jit3A_245 = arith.constant 0.000000e+00 : f32
          %broadcast_in_dim3A_246 = vector.broadcast %jit3A_245 : f32 to vector<16xf32>
          %select_n3A_247 = arith.select %gt3A_210, %get3A_244, %broadcast_in_dim3A_246 : vector<16xi1>, vector<16xf32>
          %add3A_248 = arith.addf %add3A_201, %select_n3A_247 : vector<16xf32>
          scf.yield %add3A_216, %add3A_224, %add3A_232, %add3A_240, %add3A_248 : vector<16xf32>, vector<16xf32>, vector<16xf32>, vector<16xf32>, vector<16xf32>
        }
        %scan3A_21 = arith.constant 512 : i32
        %reduce_sum3A = arith.constant true
        %reduce_sum3A_22 = vector.broadcast %reduce_sum3A : i1 to vector<16xi1>
        %reduce_sum3A_23 = tpu.scan <sum>, %scan3A_20#0 masked %reduce_sum3A_22 : vector<16xf32>, vector<16xi1> -> vector<16xf32>
        %reduce_sum3A_24 = vector.extract %reduce_sum3A_23[15] : f32 from vector<16xf32>
        %max3A = arith.constant 1.000000e+00 : f32
        %max3A_25 = arith.maximumf %reduce_sum3A_24, %max3A : f32
        %broadcast_in_dim3A_26 = arith.constant 1.000000e+00 : f32
        %broadcast_in_dim3A_27 = vector.broadcast %broadcast_in_dim3A_26 : f32 to vector<16xf32>
        %broadcast_in_dim3A_28 = vector.broadcast %max3A_25 : f32 to vector<16xf32>
        %div3A = arith.divf %broadcast_in_dim3A_27, %broadcast_in_dim3A_28 : vector<16xf32>
        %slice3A_29 = vector.extract_strided_slice %div3A {offsets = [0], sizes = [1], strides = [1]} : vector<16xf32> to vector<1xf32>
        %squeeze3A_30 = vector.extract %slice3A_29[0] : f32 from vector<1xf32>
        %reduce_sum3A_31 = arith.constant true
        %reduce_sum3A_32 = vector.broadcast %reduce_sum3A_31 : i1 to vector<16xi1>
        %reduce_sum3A_33 = tpu.scan <sum>, %scan3A_20#1 masked %reduce_sum3A_32 : vector<16xf32>, vector<16xi1> -> vector<16xf32>
        %reduce_sum3A_34 = vector.extract %reduce_sum3A_33[15] : f32 from vector<16xf32>
        %mul3A = arith.mulf %reduce_sum3A_34, %squeeze3A_30 : f32
        %reduce_sum3A_35 = arith.constant true
        %reduce_sum3A_36 = vector.broadcast %reduce_sum3A_35 : i1 to vector<16xi1>
        %reduce_sum3A_37 = tpu.scan <sum>, %scan3A_20#2 masked %reduce_sum3A_36 : vector<16xf32>, vector<16xi1> -> vector<16xf32>
        %reduce_sum3A_38 = vector.extract %reduce_sum3A_37[15] : f32 from vector<16xf32>
        %mul3A_39 = arith.mulf %reduce_sum3A_38, %squeeze3A_30 : f32
        %reduce_sum3A_40 = arith.constant true
        %reduce_sum3A_41 = vector.broadcast %reduce_sum3A_40 : i1 to vector<16xi1>
        %reduce_sum3A_42 = tpu.scan <sum>, %scan3A_20#3 masked %reduce_sum3A_41 : vector<16xf32>, vector<16xi1> -> vector<16xf32>
        %reduce_sum3A_43 = vector.extract %reduce_sum3A_42[15] : f32 from vector<16xf32>
        %mul3A_44 = arith.mulf %reduce_sum3A_43, %squeeze3A_30 : f32
        %reduce_sum3A_45 = arith.constant true
        %reduce_sum3A_46 = vector.broadcast %reduce_sum3A_45 : i1 to vector<16xi1>
        %reduce_sum3A_47 = tpu.scan <sum>, %scan3A_20#4 masked %reduce_sum3A_46 : vector<16xf32>, vector<16xi1> -> vector<16xf32>
        %reduce_sum3A_48 = vector.extract %reduce_sum3A_47[15] : f32 from vector<16xf32>
        %mul3A_49 = arith.mulf %reduce_sum3A_48, %squeeze3A_30 : f32
        %gt3A = arith.cmpf ogt, %mul3A_49, %squeeze3A : f32
        %gt3A_50 = arith.constant 81.9199981 : f32
        %gt3A_51 = arith.cmpf ogt, %reduce_sum3A_24, %gt3A_50 : f32
        %and3A_52 = arith.andi %gt3A, %gt3A_51 : i1
        %gt3A_53 = arith.constant 5.000000e+01 : f32
        %gt3A_54 = arith.cmpf ogt, %reduce_sum3A_24, %gt3A_53 : f32
        %and3A_55 = arith.andi %and3A_52, %gt3A_54 : i1
        %not3A = arith.constant true
        %not3A_56 = arith.xori %and3A_55, %not3A : i1
        %convert_element_type3A_57 = arith.extui %not3A_56 : i1 to i32
        %cond3A_58 = arith.constant 0 : i32
        %cond3A_59 = arith.cmpi ne, %convert_element_type3A_57, %cond3A_58 : i32
        scf.if %cond3A_59 {
          %scan3A_60 = arith.constant 0 : i32
          %scan3A_61 = arith.constant 0 : i32
          %scan3A_62 = arith.constant 512 : i32
          %scan3A_63 = arith.addi %scan3A_61, %scan3A_62 : i32
          %scan3A_64 = arith.constant 4 : i32
          %scan3A_65 = scf.for %scan3A_169 = %scan3A_61 to %scan3A_63 step %scan3A_64 iter_args(%scan3A_170 = %scan3A_60) -> (i32)  : i32 {
            %mul3A_171 = arith.constant 16 : i32
            %mul3A_172 = arith.muli %scan3A_169, %mul3A_171 : i32
            %swap3A_173 = arith.index_cast %mul3A_172 : i32 to index
            %swap3A_174 = tpu.vector_load %arg18[%swap3A_173] {strides = array<i32>} : memref<8192xi32, #tpu.memory_space<vmem>>, vector<16xi32>,
            tpu.vector_store %arg18[%swap3A_173], %broadcast_in_dim3A_5 {strides = array<i32>} : memref<8192xi32, #tpu.memory_space<vmem>>, vector<16xi32>,
            %mul3A_175 = arith.constant 16 : i32
            %mul3A_176 = arith.muli %scan3A_169, %mul3A_175 : i32
            %get3A_177 = arith.index_cast %mul3A_176 : i32 to index
            %get3A_178 = tpu.vector_load %arg17[%get3A_177] {strides = array<i32>} : memref<8192xi32, #tpu.memory_space<vmem>>, vector<16xi32>,
            %gt3A_179 = arith.constant 0 : i32
            %gt3A_180 = vector.broadcast %gt3A_179 : i32 to vector<16xi32>
            %gt3A_181 = arith.cmpi sgt, %get3A_178, %gt3A_180 : vector<16xi32>
            %jit3A = arith.constant 1 : i32
            %jit3A_182 = arith.constant 0 : i32
            %broadcast_in_dim3A_183 = vector.broadcast %jit3A : i32 to vector<16xi32>
            %broadcast_in_dim3A_184 = vector.broadcast %jit3A_182 : i32 to vector<16xi32>
            %select_n3A = arith.select %gt3A_181, %broadcast_in_dim3A_183, %broadcast_in_dim3A_184 : vector<16xi1>, vector<16xi32>
            %broadcast_in_dim3A_185 = arith.constant true
            %broadcast_in_dim3A_186 = vector.broadcast %broadcast_in_dim3A_185 : i1 to vector<16xi1>
            %masked_cumsum3A = tpu.scan <sum>, %select_n3A masked %broadcast_in_dim3A_186 : vector<16xi32>, vector<16xi1> -> vector<16xi32>
            %add3A_187 = vector.broadcast %scan3A_170 : i32 to vector<16xi32>
            %add3A_188 = arith.addi %add3A_187, %masked_cumsum3A : vector<16xi32>
            %sub3A_189 = arith.constant 1 : i32
            %sub3A_190 = vector.broadcast %sub3A_189 : i32 to vector<16xi32>
            %sub3A_191 = arith.subi %add3A_188, %sub3A_190 : vector<16xi32>
            %mul3A_192 = arith.constant 16 : i32
            %mul3A_193 = arith.muli %scan3A_169, %mul3A_192 : i32
            %add3A_194 = vector.broadcast %mul3A_193 : i32 to vector<16xi32>
            %add3A_195 = arith.addi %add3A_194, %iota3A : vector<16xi32>
            tpu.vector_store_idx %arg19[%sub3A_191], %add3A_195 masked %gt3A_181 : memref<8320xi32, #tpu.memory_space<vmem>>[vector<16xi32>], vector<16xi32>, vector<16xi1>
            %reduce_sum3A_196 = arith.constant true
            %reduce_sum3A_197 = vector.broadcast %reduce_sum3A_196 : i1 to vector<16xi1>
            %reduce_sum3A_198 = tpu.scan <sum>, %select_n3A masked %reduce_sum3A_197 : vector<16xi32>, vector<16xi1> -> vector<16xi32>
            %reduce_sum3A_199 = vector.extract %reduce_sum3A_198[15] : i32 from vector<16xi32>
            %add3A_200 = arith.addi %scan3A_170, %reduce_sum3A_199 : i32
            %scan3A_201 = arith.constant 1 : i32
            %scan3A_202 = arith.addi %scan3A_169, %scan3A_201 : i32
            %mul3A_203 = arith.constant 16 : i32
            %mul3A_204 = arith.muli %scan3A_202, %mul3A_203 : i32
            %swap3A_205 = arith.index_cast %mul3A_204 : i32 to index
            %swap3A_206 = tpu.vector_load %arg18[%swap3A_205] {strides = array<i32>} : memref<8192xi32, #tpu.memory_space<vmem>>, vector<16xi32>,
            tpu.vector_store %arg18[%swap3A_205], %broadcast_in_dim3A_5 {strides = array<i32>} : memref<8192xi32, #tpu.memory_space<vmem>>, vector<16xi32>,
            %mul3A_207 = arith.constant 16 : i32
            %mul3A_208 = arith.muli %scan3A_202, %mul3A_207 : i32
            %get3A_209 = arith.index_cast %mul3A_208 : i32 to index
            %get3A_210 = tpu.vector_load %arg17[%get3A_209] {strides = array<i32>} : memref<8192xi32, #tpu.memory_space<vmem>>, vector<16xi32>,
            %gt3A_211 = arith.constant 0 : i32
            %gt3A_212 = vector.broadcast %gt3A_211 : i32 to vector<16xi32>
            %gt3A_213 = arith.cmpi sgt, %get3A_210, %gt3A_212 : vector<16xi32>
            %jit3A_214 = arith.constant 1 : i32
            %jit3A_215 = arith.constant 0 : i32
            %broadcast_in_dim3A_216 = vector.broadcast %jit3A_214 : i32 to vector<16xi32>
            %broadcast_in_dim3A_217 = vector.broadcast %jit3A_215 : i32 to vector<16xi32>
            %select_n3A_218 = arith.select %gt3A_213, %broadcast_in_dim3A_216, %broadcast_in_dim3A_217 : vector<16xi1>, vector<16xi32>
            %broadcast_in_dim3A_219 = arith.constant true
            %broadcast_in_dim3A_220 = vector.broadcast %broadcast_in_dim3A_219 : i1 to vector<16xi1>
            %masked_cumsum3A_221 = tpu.scan <sum>, %select_n3A_218 masked %broadcast_in_dim3A_220 : vector<16xi32>, vector<16xi1> -> vector<16xi32>
            %add3A_222 = vector.broadcast %add3A_200 : i32 to vector<16xi32>
            %add3A_223 = arith.addi %add3A_222, %masked_cumsum3A_221 : vector<16xi32>
            %sub3A_224 = arith.constant 1 : i32
            %sub3A_225 = vector.broadcast %sub3A_224 : i32 to vector<16xi32>
            %sub3A_226 = arith.subi %add3A_223, %sub3A_225 : vector<16xi32>
            %mul3A_227 = arith.constant 16 : i32
            %mul3A_228 = arith.muli %scan3A_202, %mul3A_227 : i32
            %add3A_229 = vector.broadcast %mul3A_228 : i32 to vector<16xi32>
            %add3A_230 = arith.addi %add3A_229, %iota3A : vector<16xi32>
            tpu.vector_store_idx %arg19[%sub3A_226], %add3A_230 masked %gt3A_213 : memref<8320xi32, #tpu.memory_space<vmem>>[vector<16xi32>], vector<16xi32>, vector<16xi1>
            %reduce_sum3A_231 = arith.constant true
            %reduce_sum3A_232 = vector.broadcast %reduce_sum3A_231 : i1 to vector<16xi1>
            %reduce_sum3A_233 = tpu.scan <sum>, %select_n3A_218 masked %reduce_sum3A_232 : vector<16xi32>, vector<16xi1> -> vector<16xi32>
            %reduce_sum3A_234 = vector.extract %reduce_sum3A_233[15] : i32 from vector<16xi32>
            %add3A_235 = arith.addi %add3A_200, %reduce_sum3A_234 : i32
            %scan3A_236 = arith.constant 2 : i32
            %scan3A_237 = arith.addi %scan3A_169, %scan3A_236 : i32
            %mul3A_238 = arith.constant 16 : i32
            %mul3A_239 = arith.muli %scan3A_237, %mul3A_238 : i32
            %swap3A_240 = arith.index_cast %mul3A_239 : i32 to index
            %swap3A_241 = tpu.vector_load %arg18[%swap3A_240] {strides = array<i32>} : memref<8192xi32, #tpu.memory_space<vmem>>, vector<16xi32>,
            tpu.vector_store %arg18[%swap3A_240], %broadcast_in_dim3A_5 {strides = array<i32>} : memref<8192xi32, #tpu.memory_space<vmem>>, vector<16xi32>,
            %mul3A_242 = arith.constant 16 : i32
            %mul3A_243 = arith.muli %scan3A_237, %mul3A_242 : i32
            %get3A_244 = arith.index_cast %mul3A_243 : i32 to index
            %get3A_245 = tpu.vector_load %arg17[%get3A_244] {strides = array<i32>} : memref<8192xi32, #tpu.memory_space<vmem>>, vector<16xi32>,
            %gt3A_246 = arith.constant 0 : i32
            %gt3A_247 = vector.broadcast %gt3A_246 : i32 to vector<16xi32>
            %gt3A_248 = arith.cmpi sgt, %get3A_245, %gt3A_247 : vector<16xi32>
            %jit3A_249 = arith.constant 1 : i32
            %jit3A_250 = arith.constant 0 : i32
            %broadcast_in_dim3A_251 = vector.broadcast %jit3A_249 : i32 to vector<16xi32>
            %broadcast_in_dim3A_252 = vector.broadcast %jit3A_250 : i32 to vector<16xi32>
            %select_n3A_253 = arith.select %gt3A_248, %broadcast_in_dim3A_251, %broadcast_in_dim3A_252 : vector<16xi1>, vector<16xi32>
            %broadcast_in_dim3A_254 = arith.constant true
            %broadcast_in_dim3A_255 = vector.broadcast %broadcast_in_dim3A_254 : i1 to vector<16xi1>
            %masked_cumsum3A_256 = tpu.scan <sum>, %select_n3A_253 masked %broadcast_in_dim3A_255 : vector<16xi32>, vector<16xi1> -> vector<16xi32>
            %add3A_257 = vector.broadcast %add3A_235 : i32 to vector<16xi32>
            %add3A_258 = arith.addi %add3A_257, %masked_cumsum3A_256 : vector<16xi32>
            %sub3A_259 = arith.constant 1 : i32
            %sub3A_260 = vector.broadcast %sub3A_259 : i32 to vector<16xi32>
            %sub3A_261 = arith.subi %add3A_258, %sub3A_260 : vector<16xi32>
            %mul3A_262 = arith.constant 16 : i32
            %mul3A_263 = arith.muli %scan3A_237, %mul3A_262 : i32
            %add3A_264 = vector.broadcast %mul3A_263 : i32 to vector<16xi32>
            %add3A_265 = arith.addi %add3A_264, %iota3A : vector<16xi32>
            tpu.vector_store_idx %arg19[%sub3A_261], %add3A_265 masked %gt3A_248 : memref<8320xi32, #tpu.memory_space<vmem>>[vector<16xi32>], vector<16xi32>, vector<16xi1>
            %reduce_sum3A_266 = arith.constant true
            %reduce_sum3A_267 = vector.broadcast %reduce_sum3A_266 : i1 to vector<16xi1>
            %reduce_sum3A_268 = tpu.scan <sum>, %select_n3A_253 masked %reduce_sum3A_267 : vector<16xi32>, vector<16xi1> -> vector<16xi32>
            %reduce_sum3A_269 = vector.extract %reduce_sum3A_268[15] : i32 from vector<16xi32>
            %add3A_270 = arith.addi %add3A_235, %reduce_sum3A_269 : i32
            %scan3A_271 = arith.constant 3 : i32
            %scan3A_272 = arith.addi %scan3A_169, %scan3A_271 : i32
            %mul3A_273 = arith.constant 16 : i32
            %mul3A_274 = arith.muli %scan3A_272, %mul3A_273 : i32
            %swap3A_275 = arith.index_cast %mul3A_274 : i32 to index
            %swap3A_276 = tpu.vector_load %arg18[%swap3A_275] {strides = array<i32>} : memref<8192xi32, #tpu.memory_space<vmem>>, vector<16xi32>,
            tpu.vector_store %arg18[%swap3A_275], %broadcast_in_dim3A_5 {strides = array<i32>} : memref<8192xi32, #tpu.memory_space<vmem>>, vector<16xi32>,
            %mul3A_277 = arith.constant 16 : i32
            %mul3A_278 = arith.muli %scan3A_272, %mul3A_277 : i32
            %get3A_279 = arith.index_cast %mul3A_278 : i32 to index
            %get3A_280 = tpu.vector_load %arg17[%get3A_279] {strides = array<i32>} : memref<8192xi32, #tpu.memory_space<vmem>>, vector<16xi32>,
            %gt3A_281 = arith.constant 0 : i32
            %gt3A_282 = vector.broadcast %gt3A_281 : i32 to vector<16xi32>
            %gt3A_283 = arith.cmpi sgt, %get3A_280, %gt3A_282 : vector<16xi32>
            %jit3A_284 = arith.constant 1 : i32
            %jit3A_285 = arith.constant 0 : i32
            %broadcast_in_dim3A_286 = vector.broadcast %jit3A_284 : i32 to vector<16xi32>
            %broadcast_in_dim3A_287 = vector.broadcast %jit3A_285 : i32 to vector<16xi32>
            %select_n3A_288 = arith.select %gt3A_283, %broadcast_in_dim3A_286, %broadcast_in_dim3A_287 : vector<16xi1>, vector<16xi32>
            %broadcast_in_dim3A_289 = arith.constant true
            %broadcast_in_dim3A_290 = vector.broadcast %broadcast_in_dim3A_289 : i1 to vector<16xi1>
            %masked_cumsum3A_291 = tpu.scan <sum>, %select_n3A_288 masked %broadcast_in_dim3A_290 : vector<16xi32>, vector<16xi1> -> vector<16xi32>
            %add3A_292 = vector.broadcast %add3A_270 : i32 to vector<16xi32>
            %add3A_293 = arith.addi %add3A_292, %masked_cumsum3A_291 : vector<16xi32>
            %sub3A_294 = arith.constant 1 : i32
            %sub3A_295 = vector.broadcast %sub3A_294 : i32 to vector<16xi32>
            %sub3A_296 = arith.subi %add3A_293, %sub3A_295 : vector<16xi32>
            %mul3A_297 = arith.constant 16 : i32
            %mul3A_298 = arith.muli %scan3A_272, %mul3A_297 : i32
            %add3A_299 = vector.broadcast %mul3A_298 : i32 to vector<16xi32>
            %add3A_300 = arith.addi %add3A_299, %iota3A : vector<16xi32>
            tpu.vector_store_idx %arg19[%sub3A_296], %add3A_300 masked %gt3A_283 : memref<8320xi32, #tpu.memory_space<vmem>>[vector<16xi32>], vector<16xi32>, vector<16xi1>
            %reduce_sum3A_301 = arith.constant true
            %reduce_sum3A_302 = vector.broadcast %reduce_sum3A_301 : i1 to vector<16xi1>
            %reduce_sum3A_303 = tpu.scan <sum>, %select_n3A_288 masked %reduce_sum3A_302 : vector<16xi32>, vector<16xi1> -> vector<16xi32>
            %reduce_sum3A_304 = vector.extract %reduce_sum3A_303[15] : i32 from vector<16xi32>
            %add3A_305 = arith.addi %add3A_270, %reduce_sum3A_304 : i32
            scf.yield %add3A_305 : i32
          }
          %scan3A_66 = arith.constant 512 : i32
          %add3A = arith.constant 0 : i32
          %add3A_67 = arith.addi %scan3A_65, %add3A : i32
          %swap3A = arith.index_cast %add3A_67 : i32 to index
          %swap3A_68 = tpu.vector_load %arg19[%swap3A] {strides = array<i32>} : memref<8320xi32, #tpu.memory_space<vmem>>, vector<16xi32>,
          tpu.vector_store %arg19[%swap3A], %broadcast_in_dim3A_5 {strides = array<i32>} : memref<8320xi32, #tpu.memory_space<vmem>>, vector<16xi32>,
          %add3A_69 = arith.constant 16 : i32
          %add3A_70 = arith.addi %scan3A_65, %add3A_69 : i32
          %swap3A_71 = arith.index_cast %add3A_70 : i32 to index
          %swap3A_72 = tpu.vector_load %arg19[%swap3A_71] {strides = array<i32>} : memref<8320xi32, #tpu.memory_space<vmem>>, vector<16xi32>,
          tpu.vector_store %arg19[%swap3A_71], %broadcast_in_dim3A_5 {strides = array<i32>} : memref<8320xi32, #tpu.memory_space<vmem>>, vector<16xi32>,
          %add3A_73 = arith.constant 32 : i32
          %add3A_74 = arith.addi %scan3A_65, %add3A_73 : i32
          %swap3A_75 = arith.index_cast %add3A_74 : i32 to index
          %swap3A_76 = tpu.vector_load %arg19[%swap3A_75] {strides = array<i32>} : memref<8320xi32, #tpu.memory_space<vmem>>, vector<16xi32>,
          tpu.vector_store %arg19[%swap3A_75], %broadcast_in_dim3A_5 {strides = array<i32>} : memref<8320xi32, #tpu.memory_space<vmem>>, vector<16xi32>,
          %add3A_77 = arith.constant 48 : i32
          %add3A_78 = arith.addi %scan3A_65, %add3A_77 : i32
          %swap3A_79 = arith.index_cast %add3A_78 : i32 to index
          %swap3A_80 = tpu.vector_load %arg19[%swap3A_79] {strides = array<i32>} : memref<8320xi32, #tpu.memory_space<vmem>>, vector<16xi32>,
          tpu.vector_store %arg19[%swap3A_79], %broadcast_in_dim3A_5 {strides = array<i32>} : memref<8320xi32, #tpu.memory_space<vmem>>, vector<16xi32>,
          %add3A_81 = arith.constant 64 : i32
          %add3A_82 = arith.addi %scan3A_65, %add3A_81 : i32
          %swap3A_83 = arith.index_cast %add3A_82 : i32 to index
          %swap3A_84 = tpu.vector_load %arg19[%swap3A_83] {strides = array<i32>} : memref<8320xi32, #tpu.memory_space<vmem>>, vector<16xi32>,
          tpu.vector_store %arg19[%swap3A_83], %broadcast_in_dim3A_5 {strides = array<i32>} : memref<8320xi32, #tpu.memory_space<vmem>>, vector<16xi32>,
          %add3A_85 = arith.constant 80 : i32
          %add3A_86 = arith.addi %scan3A_65, %add3A_85 : i32
          %swap3A_87 = arith.index_cast %add3A_86 : i32 to index
          %swap3A_88 = tpu.vector_load %arg19[%swap3A_87] {strides = array<i32>} : memref<8320xi32, #tpu.memory_space<vmem>>, vector<16xi32>,
          tpu.vector_store %arg19[%swap3A_87], %broadcast_in_dim3A_5 {strides = array<i32>} : memref<8320xi32, #tpu.memory_space<vmem>>, vector<16xi32>,
          %add3A_89 = arith.constant 96 : i32
          %add3A_90 = arith.addi %scan3A_65, %add3A_89 : i32
          %swap3A_91 = arith.index_cast %add3A_90 : i32 to index
          %swap3A_92 = tpu.vector_load %arg19[%swap3A_91] {strides = array<i32>} : memref<8320xi32, #tpu.memory_space<vmem>>, vector<16xi32>,
          tpu.vector_store %arg19[%swap3A_91], %broadcast_in_dim3A_5 {strides = array<i32>} : memref<8320xi32, #tpu.memory_space<vmem>>, vector<16xi32>,
          %add3A_93 = arith.constant 112 : i32
          %add3A_94 = arith.addi %scan3A_65, %add3A_93 : i32
          %swap3A_95 = arith.index_cast %add3A_94 : i32 to index
          %swap3A_96 = tpu.vector_load %arg19[%swap3A_95] {strides = array<i32>} : memref<8320xi32, #tpu.memory_space<vmem>>, vector<16xi32>,
          tpu.vector_store %arg19[%swap3A_95], %broadcast_in_dim3A_5 {strides = array<i32>} : memref<8320xi32, #tpu.memory_space<vmem>>, vector<16xi32>,
          %add3A_97 = arith.constant 127 : i32
          %add3A_98 = arith.addi %scan3A_65, %add3A_97 : i32
          %shift_right_arithmetic3A = arith.constant 7 : i32
          %shift_right_arithmetic3A_99 = arith.shrsi %add3A_98, %shift_right_arithmetic3A : i32
          %while3A = arith.constant 0 : i32
          %while3A_100 = arith.constant 0 : i32
          %while3A_101 = arith.subi %shift_right_arithmetic3A_99, %while3A : i32
          %while3A_102 = arith.addi %while3A, %while3A_101 : i32
          %while3A_103 = arith.constant 1 : i32
          %while3A_104 = arith.divsi %while3A_101, %while3A_103 : i32
          %while3A_105 = arith.muli %while3A_104, %while3A_103 : i32
          %while3A_106 = arith.addi %while3A, %while3A_105 : i32
          %while3A_107 = arith.constant 1 : i32
          %while3A_108 = scf.for %while3A_169 = %while3A to %while3A_106 step %while3A_107 iter_args(%while3A_170 = %while3A_100) -> (i32)  : i32 {
            %mul3A_171 = arith.constant 128 : i32
            %mul3A_172 = arith.muli %while3A_169, %mul3A_171 : i32
            %dma_start3A = tpu.memref_slice %arg19[%mul3A_172] : memref<8320xi32, #tpu.memory_space<vmem>> -> memref<128xi32, #tpu.memory_space<vmem>>
            %dma_start3A_173 = arith.constant 0 : i32
            %dma_start3A_174 = arith.constant 0 : i32
            %dma_start3A_175 = tpu.memref_slice %arg6[%dma_start3A_173, %dma_start3A_174] : memref<8192x128xi32, #tpu.memory_space<hbm>> -> memref<8192x128xi32, #tpu.memory_space<hbm>>
            tpu.enqueue_indirect_dma source(%dma_start3A_175 : memref<8192x128xi32, #tpu.memory_space<hbm>>) target(%arg20 : memref<128x128xi32, #tpu.memory_space<vmem>>) offsets(%dma_start3A : memref<128xi32, #tpu.memory_space<vmem>>) semaphore(%arg21 : memref<!tpu.dma_semaphore, #tpu.memory_space<semaphore_mem>>)
            %dma_wait3A = tpu.memref_slice %arg19[%mul3A_172] : memref<8320xi32, #tpu.memory_space<vmem>> -> memref<128xi32, #tpu.memory_space<vmem>>
            %dma_wait3A_176 = arith.constant 0 : i32
            %dma_wait3A_177 = arith.constant 0 : i32
            %dma_wait3A_178 = tpu.memref_slice %arg6[%dma_wait3A_176, %dma_wait3A_177] : memref<8192x128xi32, #tpu.memory_space<hbm>> -> memref<8192x128xi32, #tpu.memory_space<hbm>>
            tpu.wait_indirect_dma semaphore(%arg21 : memref<!tpu.dma_semaphore, #tpu.memory_space<semaphore_mem>>) src(%dma_wait3A_178 : memref<8192x128xi32, #tpu.memory_space<hbm>>) dst(%arg20 : memref<128x128xi32, #tpu.memory_space<vmem>>)
            %mul3A_179 = arith.constant 128 : i32
            %mul3A_180 = arith.muli %while3A_169, %mul3A_179 : i32
            %sub3A_181 = arith.subi %scan3A_65, %mul3A_180 : i32
            %min3A = arith.constant 128 : i32
            %min3A_182 = arith.minsi %min3A, %sub3A_181 : i32
            %while3A_183 = arith.constant 0 : i32
            %while3A_184 = arith.constant 0 : i32
            %while3A_185 = arith.subi %min3A_182, %while3A_183 : i32
            %while3A_186 = arith.addi %while3A_183, %while3A_185 : i32
            %while3A_187 = arith.constant 1 : i32
            %while3A_188 = arith.divsi %while3A_185, %while3A_187 : i32
            %while3A_189 = arith.muli %while3A_188, %while3A_187 : i32
            %while3A_190 = arith.addi %while3A_183, %while3A_189 : i32
            %while3A_191 = arith.constant 1 : i32
            %while3A_192 = scf.for %while3A_196 = %while3A_183 to %while3A_190 step %while3A_191 iter_args(%while3A_197 = %while3A_184) -> (i32)  : i32 {
              %get3A_198 = arith.index_cast %while3A_196 : i32 to index
              %get3A_199 = arith.constant 0 : index
              %get3A_200 = tpu.vector_load %arg20[%get3A_198, %get3A_199] {strides = array<i32>} : memref<128x128xi32, #tpu.memory_space<vmem>>, vector<16xi32>,
              %ge3A = arith.constant 0 : i32
              %ge3A_201 = vector.broadcast %ge3A : i32 to vector<16xi32>
              %ge3A_202 = arith.cmpi sge, %get3A_200, %ge3A_201 : vector<16xi32>
              %jit3A = arith.constant 0 : i32
              %broadcast_in_dim3A_203 = vector.broadcast %jit3A : i32 to vector<16xi32>
              %select_n3A = arith.select %ge3A_202, %get3A_200, %broadcast_in_dim3A_203 : vector<16xi1>, vector<16xi32>
              tpu.vector_store_idx %arg18[%select_n3A], %broadcast_in_dim3A_9 masked %ge3A_202 : memref<8192xi32, #tpu.memory_space<vmem>>[vector<16xi32>], vector<16xi32>, vector<16xi1>
              %while3A_204 = arith.constant 0 : i32
              scf.yield %while3A_204 : i32
            }
            %while3A_193 = arith.constant 1 : i32
            %while3A_194 = scf.for %while3A_196 = %while3A_190 to %while3A_186 step %while3A_193 iter_args(%while3A_197 = %while3A_192) -> (i32)  : i32 {
              %get3A_198 = arith.index_cast %while3A_196 : i32 to index
              %get3A_199 = arith.constant 0 : index
              %get3A_200 = tpu.vector_load %arg20[%get3A_198, %get3A_199] {strides = array<i32>} : memref<128x128xi32, #tpu.memory_space<vmem>>, vector<16xi32>,
              %ge3A = arith.constant 0 : i32
              %ge3A_201 = vector.broadcast %ge3A : i32 to vector<16xi32>
              %ge3A_202 = arith.cmpi sge, %get3A_200, %ge3A_201 : vector<16xi32>
              %jit3A = arith.constant 0 : i32
              %broadcast_in_dim3A_203 = vector.broadcast %jit3A : i32 to vector<16xi32>
              %select_n3A = arith.select %ge3A_202, %get3A_200, %broadcast_in_dim3A_203 : vector<16xi1>, vector<16xi32>
              tpu.vector_store_idx %arg18[%select_n3A], %broadcast_in_dim3A_9 masked %ge3A_202 : memref<8192xi32, #tpu.memory_space<vmem>>[vector<16xi32>], vector<16xi32>, vector<16xi1>
              %while3A_204 = arith.constant 0 : i32
              scf.yield %while3A_204 : i32
            }
            %while3A_195 = arith.constant 0 : i32
            scf.yield %while3A_195 : i32
          }
          %while3A_109 = arith.constant 1 : i32
          %while3A_110 = scf.for %while3A_169 = %while3A_106 to %while3A_102 step %while3A_109 iter_args(%while3A_170 = %while3A_108) -> (i32)  : i32 {
            %mul3A_171 = arith.constant 128 : i32
            %mul3A_172 = arith.muli %while3A_169, %mul3A_171 : i32
            %dma_start3A = tpu.memref_slice %arg19[%mul3A_172] : memref<8320xi32, #tpu.memory_space<vmem>> -> memref<128xi32, #tpu.memory_space<vmem>>
            %dma_start3A_173 = arith.constant 0 : i32
            %dma_start3A_174 = arith.constant 0 : i32
            %dma_start3A_175 = tpu.memref_slice %arg6[%dma_start3A_173, %dma_start3A_174] : memref<8192x128xi32, #tpu.memory_space<hbm>> -> memref<8192x128xi32, #tpu.memory_space<hbm>>
            tpu.enqueue_indirect_dma source(%dma_start3A_175 : memref<8192x128xi32, #tpu.memory_space<hbm>>) target(%arg20 : memref<128x128xi32, #tpu.memory_space<vmem>>) offsets(%dma_start3A : memref<128xi32, #tpu.memory_space<vmem>>) semaphore(%arg21 : memref<!tpu.dma_semaphore, #tpu.memory_space<semaphore_mem>>)
            %dma_wait3A = tpu.memref_slice %arg19[%mul3A_172] : memref<8320xi32, #tpu.memory_space<vmem>> -> memref<128xi32, #tpu.memory_space<vmem>>
            %dma_wait3A_176 = arith.constant 0 : i32
            %dma_wait3A_177 = arith.constant 0 : i32
            %dma_wait3A_178 = tpu.memref_slice %arg6[%dma_wait3A_176, %dma_wait3A_177] : memref<8192x128xi32, #tpu.memory_space<hbm>> -> memref<8192x128xi32, #tpu.memory_space<hbm>>
            tpu.wait_indirect_dma semaphore(%arg21 : memref<!tpu.dma_semaphore, #tpu.memory_space<semaphore_mem>>) src(%dma_wait3A_178 : memref<8192x128xi32, #tpu.memory_space<hbm>>) dst(%arg20 : memref<128x128xi32, #tpu.memory_space<vmem>>)
            %mul3A_179 = arith.constant 128 : i32
            %mul3A_180 = arith.muli %while3A_169, %mul3A_179 : i32
            %sub3A_181 = arith.subi %scan3A_65, %mul3A_180 : i32
            %min3A = arith.constant 128 : i32
            %min3A_182 = arith.minsi %min3A, %sub3A_181 : i32
            %while3A_183 = arith.constant 0 : i32
            %while3A_184 = arith.constant 0 : i32
            %while3A_185 = arith.subi %min3A_182, %while3A_183 : i32
            %while3A_186 = arith.addi %while3A_183, %while3A_185 : i32
            %while3A_187 = arith.constant 1 : i32
            %while3A_188 = arith.divsi %while3A_185, %while3A_187 : i32
            %while3A_189 = arith.muli %while3A_188, %while3A_187 : i32
            %while3A_190 = arith.addi %while3A_183, %while3A_189 : i32
            %while3A_191 = arith.constant 1 : i32
            %while3A_192 = scf.for %while3A_196 = %while3A_183 to %while3A_190 step %while3A_191 iter_args(%while3A_197 = %while3A_184) -> (i32)  : i32 {
              %get3A_198 = arith.index_cast %while3A_196 : i32 to index
              %get3A_199 = arith.constant 0 : index
              %get3A_200 = tpu.vector_load %arg20[%get3A_198, %get3A_199] {strides = array<i32>} : memref<128x128xi32, #tpu.memory_space<vmem>>, vector<16xi32>,
              %ge3A = arith.constant 0 : i32
              %ge3A_201 = vector.broadcast %ge3A : i32 to vector<16xi32>
              %ge3A_202 = arith.cmpi sge, %get3A_200, %ge3A_201 : vector<16xi32>
              %jit3A = arith.constant 0 : i32
              %broadcast_in_dim3A_203 = vector.broadcast %jit3A : i32 to vector<16xi32>
              %select_n3A = arith.select %ge3A_202, %get3A_200, %broadcast_in_dim3A_203 : vector<16xi1>, vector<16xi32>
              tpu.vector_store_idx %arg18[%select_n3A], %broadcast_in_dim3A_9 masked %ge3A_202 : memref<8192xi32, #tpu.memory_space<vmem>>[vector<16xi32>], vector<16xi32>, vector<16xi1>
              %while3A_204 = arith.constant 0 : i32
              scf.yield %while3A_204 : i32
            }
            %while3A_193 = arith.constant 1 : i32
            %while3A_194 = scf.for %while3A_196 = %while3A_190 to %while3A_186 step %while3A_193 iter_args(%while3A_197 = %while3A_192) -> (i32)  : i32 {
              %get3A_198 = arith.index_cast %while3A_196 : i32 to index
              %get3A_199 = arith.constant 0 : index
              %get3A_200 = tpu.vector_load %arg20[%get3A_198, %get3A_199] {strides = array<i32>} : memref<128x128xi32, #tpu.memory_space<vmem>>, vector<16xi32>,
              %ge3A = arith.constant 0 : i32
              %ge3A_201 = vector.broadcast %ge3A : i32 to vector<16xi32>
              %ge3A_202 = arith.cmpi sge, %get3A_200, %ge3A_201 : vector<16xi32>
              %jit3A = arith.constant 0 : i32
              %broadcast_in_dim3A_203 = vector.broadcast %jit3A : i32 to vector<16xi32>
              %select_n3A = arith.select %ge3A_202, %get3A_200, %broadcast_in_dim3A_203 : vector<16xi1>, vector<16xi32>
              tpu.vector_store_idx %arg18[%select_n3A], %broadcast_in_dim3A_9 masked %ge3A_202 : memref<8192xi32, #tpu.memory_space<vmem>>[vector<16xi32>], vector<16xi32>, vector<16xi1>
              %while3A_204 = arith.constant 0 : i32
              scf.yield %while3A_204 : i32
            }
            %while3A_195 = arith.constant 0 : i32
            scf.yield %while3A_195 : i32
          }
          %broadcast_in_dim3A_111 = arith.constant 1.000000e+30 : f32
          %broadcast_in_dim3A_112 = vector.broadcast %broadcast_in_dim3A_111 : f32 to vector<16xf32>
          %broadcast_in_dim3A_113 = arith.constant -1.000000e+30 : f32
          %broadcast_in_dim3A_114 = vector.broadcast %broadcast_in_dim3A_113 : f32 to vector<16xf32>
          %scan3A_115 = arith.constant 0 : i32
          %scan3A_116 = arith.constant 512 : i32
          %scan3A_117 = arith.addi %scan3A_115, %scan3A_116 : i32
          %scan3A_118 = arith.constant 4 : i32
          %scan3A_119:2 = scf.for %scan3A_169 = %scan3A_115 to %scan3A_117 step %scan3A_118 iter_args(%scan3A_170 = %broadcast_in_dim3A_112, %scan3A_171 = %broadcast_in_dim3A_114) -> (vector<16xf32>, vector<16xf32>)  : i32 {
            %mul3A_172 = arith.constant 16 : i32
            %mul3A_173 = arith.muli %scan3A_169, %mul3A_172 : i32
            %get3A_174 = arith.index_cast %mul3A_173 : i32 to index
            %get3A_175 = tpu.vector_load %arg18[%get3A_174] {strides = array<i32>} : memref<8192xi32, #tpu.memory_space<vmem>>, vector<16xi32>,
            %gt3A_176 = arith.constant 0 : i32
            %gt3A_177 = vector.broadcast %gt3A_176 : i32 to vector<16xi32>
            %gt3A_178 = arith.cmpi sgt, %get3A_175, %gt3A_177 : vector<16xi32>
            %get3A_179 = arith.index_cast %mul3A_173 : i32 to index
            %get3A_180 = tpu.vector_load %arg17[%get3A_179] {strides = array<i32>} : memref<8192xi32, #tpu.memory_space<vmem>>, vector<16xi32>,
            %eq3A_181 = arith.constant 0 : i32
            %eq3A_182 = vector.broadcast %eq3A_181 : i32 to vector<16xi32>
            %eq3A_183 = arith.cmpi eq, %get3A_180, %eq3A_182 : vector<16xi32>
            %and3A_184 = arith.andi %gt3A_178, %eq3A_183 : vector<16xi1>
            %jit3A = arith.constant 1 : i32
            %jit3A_185 = arith.constant 0 : i32
            %broadcast_in_dim3A_186 = vector.broadcast %jit3A : i32 to vector<16xi32>
            %broadcast_in_dim3A_187 = vector.broadcast %jit3A_185 : i32 to vector<16xi32>
            %select_n3A = arith.select %and3A_184, %broadcast_in_dim3A_186, %broadcast_in_dim3A_187 : vector<16xi1>, vector<16xi32>
            %swap3A_188 = arith.index_cast %mul3A_173 : i32 to index
            %swap3A_189 = tpu.vector_load %arg18[%swap3A_188] {strides = array<i32>} : memref<8192xi32, #tpu.memory_space<vmem>>, vector<16xi32>,
            tpu.vector_store %arg18[%swap3A_188], %select_n3A {strides = array<i32>} : memref<8192xi32, #tpu.memory_space<vmem>>, vector<16xi32>,
            %get3A_190 = arith.index_cast %mul3A_173 : i32 to index
            %get3A_191 = tpu.vector_load %arg10[%get3A_190] {strides = array<i32>} : memref<8192xf32, #tpu.memory_space<vmem>>, vector<16xf32>,
            %sub3A_192 = vector.broadcast %mul3A : f32 to vector<16xf32>
            %sub3A_193 = arith.subf %get3A_191, %sub3A_192 : vector<16xf32>
            %get3A_194 = arith.index_cast %mul3A_173 : i32 to index
            %get3A_195 = tpu.vector_load %arg11[%get3A_194] {strides = array<i32>} : memref<8192xf32, #tpu.memory_space<vmem>>, vector<16xf32>,
            %sub3A_196 = vector.broadcast %mul3A_39 : f32 to vector<16xf32>
            %sub3A_197 = arith.subf %get3A_195, %sub3A_196 : vector<16xf32>
            %get3A_198 = arith.index_cast %mul3A_173 : i32 to index
            %get3A_199 = tpu.vector_load %arg12[%get3A_198] {strides = array<i32>} : memref<8192xf32, #tpu.memory_space<vmem>>, vector<16xf32>,
            %sub3A_200 = vector.broadcast %mul3A_44 : f32 to vector<16xf32>
            %sub3A_201 = arith.subf %get3A_199, %sub3A_200 : vector<16xf32>
            %mul3A_202 = arith.mulf %sub3A_193, %sub3A_193 : vector<16xf32>
            %mul3A_203 = arith.mulf %sub3A_197, %sub3A_197 : vector<16xf32>
            %add3A_204 = arith.addf %mul3A_202, %mul3A_203 : vector<16xf32>
            %mul3A_205 = arith.mulf %sub3A_201, %sub3A_201 : vector<16xf32>
            %add3A_206 = arith.addf %add3A_204, %mul3A_205 : vector<16xf32>
            %max3A_207 = arith.constant 1.000000e-30 : f32
            %max3A_208 = vector.broadcast %max3A_207 : f32 to vector<16xf32>
            %max3A_209 = arith.maximumf %add3A_206, %max3A_208 : vector<16xf32>
            %bitcast3A = vector.bitcast %max3A_209 : vector<16xf32> to vector<16xi32>
            %shift_right_arithmetic3A_210 = arith.constant 1 : i32
            %shift_right_arithmetic3A_211 = vector.broadcast %shift_right_arithmetic3A_210 : i32 to vector<16xi32>
            %shift_right_arithmetic3A_212 = arith.shrsi %bitcast3A, %shift_right_arithmetic3A_211 : vector<16xi32>
            %sub3A_213 = arith.constant 1597463007 : i32
            %sub3A_214 = vector.broadcast %sub3A_213 : i32 to vector<16xi32>
            %sub3A_215 = arith.subi %sub3A_214, %shift_right_arithmetic3A_212 : vector<16xi32>
            %bitcast3A_216 = vector.bitcast %sub3A_215 : vector<16xi32> to vector<16xf32>
            %mul3A_217 = arith.constant 5.000000e-01 : f32
            %mul3A_218 = vector.broadcast %mul3A_217 : f32 to vector<16xf32>
            %mul3A_219 = arith.mulf %mul3A_218, %max3A_209 : vector<16xf32>
            %mul3A_220 = arith.mulf %mul3A_219, %bitcast3A_216 : vector<16xf32>
            %mul3A_221 = arith.mulf %mul3A_220, %bitcast3A_216 : vector<16xf32>
            %sub3A_222 = arith.constant 1.500000e+00 : f32
            %sub3A_223 = vector.broadcast %sub3A_222 : f32 to vector<16xf32>
            %sub3A_224 = arith.subf %sub3A_223, %mul3A_221 : vector<16xf32>
            %mul3A_225 = arith.mulf %bitcast3A_216, %sub3A_224 : vector<16xf32>
            %mul3A_226 = arith.constant 5.000000e-01 : f32
            %mul3A_227 = vector.broadcast %mul3A_226 : f32 to vector<16xf32>
            %mul3A_228 = arith.mulf %mul3A_227, %max3A_209 : vector<16xf32>
            %mul3A_229 = arith.mulf %mul3A_228, %mul3A_225 : vector<16xf32>
            %mul3A_230 = arith.mulf %mul3A_229, %mul3A_225 : vector<16xf32>
            %sub3A_231 = arith.constant 1.500000e+00 : f32
            %sub3A_232 = vector.broadcast %sub3A_231 : f32 to vector<16xf32>
            %sub3A_233 = arith.subf %sub3A_232, %mul3A_230 : vector<16xf32>
            %mul3A_234 = arith.mulf %mul3A_225, %sub3A_233 : vector<16xf32>
            %mul3A_235 = arith.constant 5.000000e-01 : f32
            %mul3A_236 = vector.broadcast %mul3A_235 : f32 to vector<16xf32>
            %mul3A_237 = arith.mulf %mul3A_236, %max3A_209 : vector<16xf32>
            %mul3A_238 = arith.mulf %mul3A_237, %mul3A_234 : vector<16xf32>
            %mul3A_239 = arith.mulf %mul3A_238, %mul3A_234 : vector<16xf32>
            %sub3A_240 = arith.constant 1.500000e+00 : f32
            %sub3A_241 = vector.broadcast %sub3A_240 : f32 to vector<16xf32>
            %sub3A_242 = arith.subf %sub3A_241, %mul3A_239 : vector<16xf32>
            %mul3A_243 = arith.mulf %mul3A_234, %sub3A_242 : vector<16xf32>
            %mul3A_244 = arith.mulf %max3A_209, %mul3A_243 : vector<16xf32>
            %swap3A_245 = arith.index_cast %mul3A_173 : i32 to index
            %swap3A_246 = tpu.vector_load %arg14[%swap3A_245] {strides = array<i32>} : memref<8192xf32, #tpu.memory_space<vmem>>, vector<16xf32>,
            tpu.vector_store %arg14[%swap3A_245], %mul3A_244 {strides = array<i32>} : memref<8192xf32, #tpu.memory_space<vmem>>, vector<16xf32>,
            %jit3A_247 = arith.constant 1.000000e+30 : f32
            %broadcast_in_dim3A_248 = vector.broadcast %jit3A_247 : f32 to vector<16xf32>
            %select_n3A_249 = arith.select %and3A_184, %mul3A_244, %broadcast_in_dim3A_248 : vector<16xi1>, vector<16xf32>
            %min3A = arith.minimumf %scan3A_170, %select_n3A_249 : vector<16xf32>
            %jit3A_250 = arith.constant -1.000000e+30 : f32
            %broadcast_in_dim3A_251 = vector.broadcast %jit3A_250 : f32 to vector<16xf32>
            %select_n3A_252 = arith.select %and3A_184, %mul3A_244, %broadcast_in_dim3A_251 : vector<16xi1>, vector<16xf32>
            %max3A_253 = arith.maximumf %scan3A_171, %select_n3A_252 : vector<16xf32>
            %scan3A_254 = arith.constant 1 : i32
            %scan3A_255 = arith.addi %scan3A_169, %scan3A_254 : i32
            %mul3A_256 = arith.constant 16 : i32
            %mul3A_257 = arith.muli %scan3A_255, %mul3A_256 : i32
            %get3A_258 = arith.index_cast %mul3A_257 : i32 to index
            %get3A_259 = tpu.vector_load %arg18[%get3A_258] {strides = array<i32>} : memref<8192xi32, #tpu.memory_space<vmem>>, vector<16xi32>,
            %gt3A_260 = arith.constant 0 : i32
            %gt3A_261 = vector.broadcast %gt3A_260 : i32 to vector<16xi32>
            %gt3A_262 = arith.cmpi sgt, %get3A_259, %gt3A_261 : vector<16xi32>
            %get3A_263 = arith.index_cast %mul3A_257 : i32 to index
            %get3A_264 = tpu.vector_load %arg17[%get3A_263] {strides = array<i32>} : memref<8192xi32, #tpu.memory_space<vmem>>, vector<16xi32>,
            %eq3A_265 = arith.constant 0 : i32
            %eq3A_266 = vector.broadcast %eq3A_265 : i32 to vector<16xi32>
            %eq3A_267 = arith.cmpi eq, %get3A_264, %eq3A_266 : vector<16xi32>
            %and3A_268 = arith.andi %gt3A_262, %eq3A_267 : vector<16xi1>
            %jit3A_269 = arith.constant 1 : i32
            %jit3A_270 = arith.constant 0 : i32
            %broadcast_in_dim3A_271 = vector.broadcast %jit3A_269 : i32 to vector<16xi32>
            %broadcast_in_dim3A_272 = vector.broadcast %jit3A_270 : i32 to vector<16xi32>
            %select_n3A_273 = arith.select %and3A_268, %broadcast_in_dim3A_271, %broadcast_in_dim3A_272 : vector<16xi1>, vector<16xi32>
            %swap3A_274 = arith.index_cast %mul3A_257 : i32 to index
            %swap3A_275 = tpu.vector_load %arg18[%swap3A_274] {strides = array<i32>} : memref<8192xi32, #tpu.memory_space<vmem>>, vector<16xi32>,
            tpu.vector_store %arg18[%swap3A_274], %select_n3A_273 {strides = array<i32>} : memref<8192xi32, #tpu.memory_space<vmem>>, vector<16xi32>,
            %get3A_276 = arith.index_cast %mul3A_257 : i32 to index
            %get3A_277 = tpu.vector_load %arg10[%get3A_276] {strides = array<i32>} : memref<8192xf32, #tpu.memory_space<vmem>>, vector<16xf32>,
            %sub3A_278 = vector.broadcast %mul3A : f32 to vector<16xf32>
            %sub3A_279 = arith.subf %get3A_277, %sub3A_278 : vector<16xf32>
            %get3A_280 = arith.index_cast %mul3A_257 : i32 to index
            %get3A_281 = tpu.vector_load %arg11[%get3A_280] {strides = array<i32>} : memref<8192xf32, #tpu.memory_space<vmem>>, vector<16xf32>,
            %sub3A_282 = vector.broadcast %mul3A_39 : f32 to vector<16xf32>
            %sub3A_283 = arith.subf %get3A_281, %sub3A_282 : vector<16xf32>
            %get3A_284 = arith.index_cast %mul3A_257 : i32 to index
            %get3A_285 = tpu.vector_load %arg12[%get3A_284] {strides = array<i32>} : memref<8192xf32, #tpu.memory_space<vmem>>, vector<16xf32>,
            %sub3A_286 = vector.broadcast %mul3A_44 : f32 to vector<16xf32>
            %sub3A_287 = arith.subf %get3A_285, %sub3A_286 : vector<16xf32>
            %mul3A_288 = arith.mulf %sub3A_279, %sub3A_279 : vector<16xf32>
            %mul3A_289 = arith.mulf %sub3A_283, %sub3A_283 : vector<16xf32>
            %add3A_290 = arith.addf %mul3A_288, %mul3A_289 : vector<16xf32>
            %mul3A_291 = arith.mulf %sub3A_287, %sub3A_287 : vector<16xf32>
            %add3A_292 = arith.addf %add3A_290, %mul3A_291 : vector<16xf32>
            %max3A_293 = arith.constant 1.000000e-30 : f32
            %max3A_294 = vector.broadcast %max3A_293 : f32 to vector<16xf32>
            %max3A_295 = arith.maximumf %add3A_292, %max3A_294 : vector<16xf32>
            %bitcast3A_296 = vector.bitcast %max3A_295 : vector<16xf32> to vector<16xi32>
            %shift_right_arithmetic3A_297 = arith.constant 1 : i32
            %shift_right_arithmetic3A_298 = vector.broadcast %shift_right_arithmetic3A_297 : i32 to vector<16xi32>
            %shift_right_arithmetic3A_299 = arith.shrsi %bitcast3A_296, %shift_right_arithmetic3A_298 : vector<16xi32>
            %sub3A_300 = arith.constant 1597463007 : i32
            %sub3A_301 = vector.broadcast %sub3A_300 : i32 to vector<16xi32>
            %sub3A_302 = arith.subi %sub3A_301, %shift_right_arithmetic3A_299 : vector<16xi32>
            %bitcast3A_303 = vector.bitcast %sub3A_302 : vector<16xi32> to vector<16xf32>
            %mul3A_304 = arith.constant 5.000000e-01 : f32
            %mul3A_305 = vector.broadcast %mul3A_304 : f32 to vector<16xf32>
            %mul3A_306 = arith.mulf %mul3A_305, %max3A_295 : vector<16xf32>
            %mul3A_307 = arith.mulf %mul3A_306, %bitcast3A_303 : vector<16xf32>
            %mul3A_308 = arith.mulf %mul3A_307, %bitcast3A_303 : vector<16xf32>
            %sub3A_309 = arith.constant 1.500000e+00 : f32
            %sub3A_310 = vector.broadcast %sub3A_309 : f32 to vector<16xf32>
            %sub3A_311 = arith.subf %sub3A_310, %mul3A_308 : vector<16xf32>
            %mul3A_312 = arith.mulf %bitcast3A_303, %sub3A_311 : vector<16xf32>
            %mul3A_313 = arith.constant 5.000000e-01 : f32
            %mul3A_314 = vector.broadcast %mul3A_313 : f32 to vector<16xf32>
            %mul3A_315 = arith.mulf %mul3A_314, %max3A_295 : vector<16xf32>
            %mul3A_316 = arith.mulf %mul3A_315, %mul3A_312 : vector<16xf32>
            %mul3A_317 = arith.mulf %mul3A_316, %mul3A_312 : vector<16xf32>
            %sub3A_318 = arith.constant 1.500000e+00 : f32
            %sub3A_319 = vector.broadcast %sub3A_318 : f32 to vector<16xf32>
            %sub3A_320 = arith.subf %sub3A_319, %mul3A_317 : vector<16xf32>
            %mul3A_321 = arith.mulf %mul3A_312, %sub3A_320 : vector<16xf32>
            %mul3A_322 = arith.constant 5.000000e-01 : f32
            %mul3A_323 = vector.broadcast %mul3A_322 : f32 to vector<16xf32>
            %mul3A_324 = arith.mulf %mul3A_323, %max3A_295 : vector<16xf32>
            %mul3A_325 = arith.mulf %mul3A_324, %mul3A_321 : vector<16xf32>
            %mul3A_326 = arith.mulf %mul3A_325, %mul3A_321 : vector<16xf32>
            %sub3A_327 = arith.constant 1.500000e+00 : f32
            %sub3A_328 = vector.broadcast %sub3A_327 : f32 to vector<16xf32>
            %sub3A_329 = arith.subf %sub3A_328, %mul3A_326 : vector<16xf32>
            %mul3A_330 = arith.mulf %mul3A_321, %sub3A_329 : vector<16xf32>
            %mul3A_331 = arith.mulf %max3A_295, %mul3A_330 : vector<16xf32>
            %swap3A_332 = arith.index_cast %mul3A_257 : i32 to index
            %swap3A_333 = tpu.vector_load %arg14[%swap3A_332] {strides = array<i32>} : memref<8192xf32, #tpu.memory_space<vmem>>, vector<16xf32>,
            tpu.vector_store %arg14[%swap3A_332], %mul3A_331 {strides = array<i32>} : memref<8192xf32, #tpu.memory_space<vmem>>, vector<16xf32>,
            %jit3A_334 = arith.constant 1.000000e+30 : f32
            %broadcast_in_dim3A_335 = vector.broadcast %jit3A_334 : f32 to vector<16xf32>
            %select_n3A_336 = arith.select %and3A_268, %mul3A_331, %broadcast_in_dim3A_335 : vector<16xi1>, vector<16xf32>
            %min3A_337 = arith.minimumf %min3A, %select_n3A_336 : vector<16xf32>
            %jit3A_338 = arith.constant -1.000000e+30 : f32
            %broadcast_in_dim3A_339 = vector.broadcast %jit3A_338 : f32 to vector<16xf32>
            %select_n3A_340 = arith.select %and3A_268, %mul3A_331, %broadcast_in_dim3A_339 : vector<16xi1>, vector<16xf32>
            %max3A_341 = arith.maximumf %max3A_253, %select_n3A_340 : vector<16xf32>
            %scan3A_342 = arith.constant 2 : i32
            %scan3A_343 = arith.addi %scan3A_169, %scan3A_342 : i32
            %mul3A_344 = arith.constant 16 : i32
            %mul3A_345 = arith.muli %scan3A_343, %mul3A_344 : i32
            %get3A_346 = arith.index_cast %mul3A_345 : i32 to index
            %get3A_347 = tpu.vector_load %arg18[%get3A_346] {strides = array<i32>} : memref<8192xi32, #tpu.memory_space<vmem>>, vector<16xi32>,
            %gt3A_348 = arith.constant 0 : i32
            %gt3A_349 = vector.broadcast %gt3A_348 : i32 to vector<16xi32>
            %gt3A_350 = arith.cmpi sgt, %get3A_347, %gt3A_349 : vector<16xi32>
            %get3A_351 = arith.index_cast %mul3A_345 : i32 to index
            %get3A_352 = tpu.vector_load %arg17[%get3A_351] {strides = array<i32>} : memref<8192xi32, #tpu.memory_space<vmem>>, vector<16xi32>,
            %eq3A_353 = arith.constant 0 : i32
            %eq3A_354 = vector.broadcast %eq3A_353 : i32 to vector<16xi32>
            %eq3A_355 = arith.cmpi eq, %get3A_352, %eq3A_354 : vector<16xi32>
            %and3A_356 = arith.andi %gt3A_350, %eq3A_355 : vector<16xi1>
            %jit3A_357 = arith.constant 1 : i32
            %jit3A_358 = arith.constant 0 : i32
            %broadcast_in_dim3A_359 = vector.broadcast %jit3A_357 : i32 to vector<16xi32>
            %broadcast_in_dim3A_360 = vector.broadcast %jit3A_358 : i32 to vector<16xi32>
            %select_n3A_361 = arith.select %and3A_356, %broadcast_in_dim3A_359, %broadcast_in_dim3A_360 : vector<16xi1>, vector<16xi32>
            %swap3A_362 = arith.index_cast %mul3A_345 : i32 to index
            %swap3A_363 = tpu.vector_load %arg18[%swap3A_362] {strides = array<i32>} : memref<8192xi32, #tpu.memory_space<vmem>>, vector<16xi32>,
            tpu.vector_store %arg18[%swap3A_362], %select_n3A_361 {strides = array<i32>} : memref<8192xi32, #tpu.memory_space<vmem>>, vector<16xi32>,
            %get3A_364 = arith.index_cast %mul3A_345 : i32 to index
            %get3A_365 = tpu.vector_load %arg10[%get3A_364] {strides = array<i32>} : memref<8192xf32, #tpu.memory_space<vmem>>, vector<16xf32>,
            %sub3A_366 = vector.broadcast %mul3A : f32 to vector<16xf32>
            %sub3A_367 = arith.subf %get3A_365, %sub3A_366 : vector<16xf32>
            %get3A_368 = arith.index_cast %mul3A_345 : i32 to index
            %get3A_369 = tpu.vector_load %arg11[%get3A_368] {strides = array<i32>} : memref<8192xf32, #tpu.memory_space<vmem>>, vector<16xf32>,
            %sub3A_370 = vector.broadcast %mul3A_39 : f32 to vector<16xf32>
            %sub3A_371 = arith.subf %get3A_369, %sub3A_370 : vector<16xf32>
            %get3A_372 = arith.index_cast %mul3A_345 : i32 to index
            %get3A_373 = tpu.vector_load %arg12[%get3A_372] {strides = array<i32>} : memref<8192xf32, #tpu.memory_space<vmem>>, vector<16xf32>,
            %sub3A_374 = vector.broadcast %mul3A_44 : f32 to vector<16xf32>
            %sub3A_375 = arith.subf %get3A_373, %sub3A_374 : vector<16xf32>
            %mul3A_376 = arith.mulf %sub3A_367, %sub3A_367 : vector<16xf32>
            %mul3A_377 = arith.mulf %sub3A_371, %sub3A_371 : vector<16xf32>
            %add3A_378 = arith.addf %mul3A_376, %mul3A_377 : vector<16xf32>
            %mul3A_379 = arith.mulf %sub3A_375, %sub3A_375 : vector<16xf32>
            %add3A_380 = arith.addf %add3A_378, %mul3A_379 : vector<16xf32>
            %max3A_381 = arith.constant 1.000000e-30 : f32
            %max3A_382 = vector.broadcast %max3A_381 : f32 to vector<16xf32>
            %max3A_383 = arith.maximumf %add3A_380, %max3A_382 : vector<16xf32>
            %bitcast3A_384 = vector.bitcast %max3A_383 : vector<16xf32> to vector<16xi32>
            %shift_right_arithmetic3A_385 = arith.constant 1 : i32
            %shift_right_arithmetic3A_386 = vector.broadcast %shift_right_arithmetic3A_385 : i32 to vector<16xi32>
            %shift_right_arithmetic3A_387 = arith.shrsi %bitcast3A_384, %shift_right_arithmetic3A_386 : vector<16xi32>
            %sub3A_388 = arith.constant 1597463007 : i32
            %sub3A_389 = vector.broadcast %sub3A_388 : i32 to vector<16xi32>
            %sub3A_390 = arith.subi %sub3A_389, %shift_right_arithmetic3A_387 : vector<16xi32>
            %bitcast3A_391 = vector.bitcast %sub3A_390 : vector<16xi32> to vector<16xf32>
            %mul3A_392 = arith.constant 5.000000e-01 : f32
            %mul3A_393 = vector.broadcast %mul3A_392 : f32 to vector<16xf32>
            %mul3A_394 = arith.mulf %mul3A_393, %max3A_383 : vector<16xf32>
            %mul3A_395 = arith.mulf %mul3A_394, %bitcast3A_391 : vector<16xf32>
            %mul3A_396 = arith.mulf %mul3A_395, %bitcast3A_391 : vector<16xf32>
            %sub3A_397 = arith.constant 1.500000e+00 : f32
            %sub3A_398 = vector.broadcast %sub3A_397 : f32 to vector<16xf32>
            %sub3A_399 = arith.subf %sub3A_398, %mul3A_396 : vector<16xf32>
            %mul3A_400 = arith.mulf %bitcast3A_391, %sub3A_399 : vector<16xf32>
            %mul3A_401 = arith.constant 5.000000e-01 : f32
            %mul3A_402 = vector.broadcast %mul3A_401 : f32 to vector<16xf32>
            %mul3A_403 = arith.mulf %mul3A_402, %max3A_383 : vector<16xf32>
            %mul3A_404 = arith.mulf %mul3A_403, %mul3A_400 : vector<16xf32>
            %mul3A_405 = arith.mulf %mul3A_404, %mul3A_400 : vector<16xf32>
            %sub3A_406 = arith.constant 1.500000e+00 : f32
            %sub3A_407 = vector.broadcast %sub3A_406 : f32 to vector<16xf32>
            %sub3A_408 = arith.subf %sub3A_407, %mul3A_405 : vector<16xf32>
            %mul3A_409 = arith.mulf %mul3A_400, %sub3A_408 : vector<16xf32>
            %mul3A_410 = arith.constant 5.000000e-01 : f32
            %mul3A_411 = vector.broadcast %mul3A_410 : f32 to vector<16xf32>
            %mul3A_412 = arith.mulf %mul3A_411, %max3A_383 : vector<16xf32>
            %mul3A_413 = arith.mulf %mul3A_412, %mul3A_409 : vector<16xf32>
            %mul3A_414 = arith.mulf %mul3A_413, %mul3A_409 : vector<16xf32>
            %sub3A_415 = arith.constant 1.500000e+00 : f32
            %sub3A_416 = vector.broadcast %sub3A_415 : f32 to vector<16xf32>
            %sub3A_417 = arith.subf %sub3A_416, %mul3A_414 : vector<16xf32>
            %mul3A_418 = arith.mulf %mul3A_409, %sub3A_417 : vector<16xf32>
            %mul3A_419 = arith.mulf %max3A_383, %mul3A_418 : vector<16xf32>
            %swap3A_420 = arith.index_cast %mul3A_345 : i32 to index
            %swap3A_421 = tpu.vector_load %arg14[%swap3A_420] {strides = array<i32>} : memref<8192xf32, #tpu.memory_space<vmem>>, vector<16xf32>,
            tpu.vector_store %arg14[%swap3A_420], %mul3A_419 {strides = array<i32>} : memref<8192xf32, #tpu.memory_space<vmem>>, vector<16xf32>,
            %jit3A_422 = arith.constant 1.000000e+30 : f32
            %broadcast_in_dim3A_423 = vector.broadcast %jit3A_422 : f32 to vector<16xf32>
            %select_n3A_424 = arith.select %and3A_356, %mul3A_419, %broadcast_in_dim3A_423 : vector<16xi1>, vector<16xf32>
            %min3A_425 = arith.minimumf %min3A_337, %select_n3A_424 : vector<16xf32>
            %jit3A_426 = arith.constant -1.000000e+30 : f32
            %broadcast_in_dim3A_427 = vector.broadcast %jit3A_426 : f32 to vector<16xf32>
            %select_n3A_428 = arith.select %and3A_356, %mul3A_419, %broadcast_in_dim3A_427 : vector<16xi1>, vector<16xf32>
            %max3A_429 = arith.maximumf %max3A_341, %select_n3A_428 : vector<16xf32>
            %scan3A_430 = arith.constant 3 : i32
            %scan3A_431 = arith.addi %scan3A_169, %scan3A_430 : i32
            %mul3A_432 = arith.constant 16 : i32
            %mul3A_433 = arith.muli %scan3A_431, %mul3A_432 : i32
            %get3A_434 = arith.index_cast %mul3A_433 : i32 to index
            %get3A_435 = tpu.vector_load %arg18[%get3A_434] {strides = array<i32>} : memref<8192xi32, #tpu.memory_space<vmem>>, vector<16xi32>,
            %gt3A_436 = arith.constant 0 : i32
            %gt3A_437 = vector.broadcast %gt3A_436 : i32 to vector<16xi32>
            %gt3A_438 = arith.cmpi sgt, %get3A_435, %gt3A_437 : vector<16xi32>
            %get3A_439 = arith.index_cast %mul3A_433 : i32 to index
            %get3A_440 = tpu.vector_load %arg17[%get3A_439] {strides = array<i32>} : memref<8192xi32, #tpu.memory_space<vmem>>, vector<16xi32>,
            %eq3A_441 = arith.constant 0 : i32
            %eq3A_442 = vector.broadcast %eq3A_441 : i32 to vector<16xi32>
            %eq3A_443 = arith.cmpi eq, %get3A_440, %eq3A_442 : vector<16xi32>
            %and3A_444 = arith.andi %gt3A_438, %eq3A_443 : vector<16xi1>
            %jit3A_445 = arith.constant 1 : i32
            %jit3A_446 = arith.constant 0 : i32
            %broadcast_in_dim3A_447 = vector.broadcast %jit3A_445 : i32 to vector<16xi32>
            %broadcast_in_dim3A_448 = vector.broadcast %jit3A_446 : i32 to vector<16xi32>
            %select_n3A_449 = arith.select %and3A_444, %broadcast_in_dim3A_447, %broadcast_in_dim3A_448 : vector<16xi1>, vector<16xi32>
            %swap3A_450 = arith.index_cast %mul3A_433 : i32 to index
            %swap3A_451 = tpu.vector_load %arg18[%swap3A_450] {strides = array<i32>} : memref<8192xi32, #tpu.memory_space<vmem>>, vector<16xi32>,
            tpu.vector_store %arg18[%swap3A_450], %select_n3A_449 {strides = array<i32>} : memref<8192xi32, #tpu.memory_space<vmem>>, vector<16xi32>,
            %get3A_452 = arith.index_cast %mul3A_433 : i32 to index
            %get3A_453 = tpu.vector_load %arg10[%get3A_452] {strides = array<i32>} : memref<8192xf32, #tpu.memory_space<vmem>>, vector<16xf32>,
            %sub3A_454 = vector.broadcast %mul3A : f32 to vector<16xf32>
            %sub3A_455 = arith.subf %get3A_453, %sub3A_454 : vector<16xf32>
            %get3A_456 = arith.index_cast %mul3A_433 : i32 to index
            %get3A_457 = tpu.vector_load %arg11[%get3A_456] {strides = array<i32>} : memref<8192xf32, #tpu.memory_space<vmem>>, vector<16xf32>,
            %sub3A_458 = vector.broadcast %mul3A_39 : f32 to vector<16xf32>
            %sub3A_459 = arith.subf %get3A_457, %sub3A_458 : vector<16xf32>
            %get3A_460 = arith.index_cast %mul3A_433 : i32 to index
            %get3A_461 = tpu.vector_load %arg12[%get3A_460] {strides = array<i32>} : memref<8192xf32, #tpu.memory_space<vmem>>, vector<16xf32>,
            %sub3A_462 = vector.broadcast %mul3A_44 : f32 to vector<16xf32>
            %sub3A_463 = arith.subf %get3A_461, %sub3A_462 : vector<16xf32>
            %mul3A_464 = arith.mulf %sub3A_455, %sub3A_455 : vector<16xf32>
            %mul3A_465 = arith.mulf %sub3A_459, %sub3A_459 : vector<16xf32>
            %add3A_466 = arith.addf %mul3A_464, %mul3A_465 : vector<16xf32>
            %mul3A_467 = arith.mulf %sub3A_463, %sub3A_463 : vector<16xf32>
            %add3A_468 = arith.addf %add3A_466, %mul3A_467 : vector<16xf32>
            %max3A_469 = arith.constant 1.000000e-30 : f32
            %max3A_470 = vector.broadcast %max3A_469 : f32 to vector<16xf32>
            %max3A_471 = arith.maximumf %add3A_468, %max3A_470 : vector<16xf32>
            %bitcast3A_472 = vector.bitcast %max3A_471 : vector<16xf32> to vector<16xi32>
            %shift_right_arithmetic3A_473 = arith.constant 1 : i32
            %shift_right_arithmetic3A_474 = vector.broadcast %shift_right_arithmetic3A_473 : i32 to vector<16xi32>
            %shift_right_arithmetic3A_475 = arith.shrsi %bitcast3A_472, %shift_right_arithmetic3A_474 : vector<16xi32>
            %sub3A_476 = arith.constant 1597463007 : i32
            %sub3A_477 = vector.broadcast %sub3A_476 : i32 to vector<16xi32>
            %sub3A_478 = arith.subi %sub3A_477, %shift_right_arithmetic3A_475 : vector<16xi32>
            %bitcast3A_479 = vector.bitcast %sub3A_478 : vector<16xi32> to vector<16xf32>
            %mul3A_480 = arith.constant 5.000000e-01 : f32
            %mul3A_481 = vector.broadcast %mul3A_480 : f32 to vector<16xf32>
            %mul3A_482 = arith.mulf %mul3A_481, %max3A_471 : vector<16xf32>
            %mul3A_483 = arith.mulf %mul3A_482, %bitcast3A_479 : vector<16xf32>
            %mul3A_484 = arith.mulf %mul3A_483, %bitcast3A_479 : vector<16xf32>
            %sub3A_485 = arith.constant 1.500000e+00 : f32
            %sub3A_486 = vector.broadcast %sub3A_485 : f32 to vector<16xf32>
            %sub3A_487 = arith.subf %sub3A_486, %mul3A_484 : vector<16xf32>
            %mul3A_488 = arith.mulf %bitcast3A_479, %sub3A_487 : vector<16xf32>
            %mul3A_489 = arith.constant 5.000000e-01 : f32
            %mul3A_490 = vector.broadcast %mul3A_489 : f32 to vector<16xf32>
            %mul3A_491 = arith.mulf %mul3A_490, %max3A_471 : vector<16xf32>
            %mul3A_492 = arith.mulf %mul3A_491, %mul3A_488 : vector<16xf32>
            %mul3A_493 = arith.mulf %mul3A_492, %mul3A_488 : vector<16xf32>
            %sub3A_494 = arith.constant 1.500000e+00 : f32
            %sub3A_495 = vector.broadcast %sub3A_494 : f32 to vector<16xf32>
            %sub3A_496 = arith.subf %sub3A_495, %mul3A_493 : vector<16xf32>
            %mul3A_497 = arith.mulf %mul3A_488, %sub3A_496 : vector<16xf32>
            %mul3A_498 = arith.constant 5.000000e-01 : f32
            %mul3A_499 = vector.broadcast %mul3A_498 : f32 to vector<16xf32>
            %mul3A_500 = arith.mulf %mul3A_499, %max3A_471 : vector<16xf32>
            %mul3A_501 = arith.mulf %mul3A_500, %mul3A_497 : vector<16xf32>
            %mul3A_502 = arith.mulf %mul3A_501, %mul3A_497 : vector<16xf32>
            %sub3A_503 = arith.constant 1.500000e+00 : f32
            %sub3A_504 = vector.broadcast %sub3A_503 : f32 to vector<16xf32>
            %sub3A_505 = arith.subf %sub3A_504, %mul3A_502 : vector<16xf32>
            %mul3A_506 = arith.mulf %mul3A_497, %sub3A_505 : vector<16xf32>
            %mul3A_507 = arith.mulf %max3A_471, %mul3A_506 : vector<16xf32>
            %swap3A_508 = arith.index_cast %mul3A_433 : i32 to index
            %swap3A_509 = tpu.vector_load %arg14[%swap3A_508] {strides = array<i32>} : memref<8192xf32, #tpu.memory_space<vmem>>, vector<16xf32>,
            tpu.vector_store %arg14[%swap3A_508], %mul3A_507 {strides = array<i32>} : memref<8192xf32, #tpu.memory_space<vmem>>, vector<16xf32>,
            %jit3A_510 = arith.constant 1.000000e+30 : f32
            %broadcast_in_dim3A_511 = vector.broadcast %jit3A_510 : f32 to vector<16xf32>
            %select_n3A_512 = arith.select %and3A_444, %mul3A_507, %broadcast_in_dim3A_511 : vector<16xi1>, vector<16xf32>
            %min3A_513 = arith.minimumf %min3A_425, %select_n3A_512 : vector<16xf32>
            %jit3A_514 = arith.constant -1.000000e+30 : f32
            %broadcast_in_dim3A_515 = vector.broadcast %jit3A_514 : f32 to vector<16xf32>
            %select_n3A_516 = arith.select %and3A_444, %mul3A_507, %broadcast_in_dim3A_515 : vector<16xi1>, vector<16xf32>
            %max3A_517 = arith.maximumf %max3A_429, %select_n3A_516 : vector<16xf32>
            scf.yield %min3A_513, %max3A_517 : vector<16xf32>, vector<16xf32>
          }
          %scan3A_120 = arith.constant 512 : i32
          %reduce_min3A = arith.constant true
          %reduce_min3A_121 = vector.broadcast %reduce_min3A : i1 to vector<16xi1>
          %reduce_min3A_122 = tpu.scan <min>, %scan3A_119#0 masked %reduce_min3A_121 : vector<16xf32>, vector<16xi1> -> vector<16xf32>
          %reduce_min3A_123 = vector.extract %reduce_min3A_122[15] : f32 from vector<16xf32>
          %reduce_max3A = arith.constant true
          %reduce_max3A_124 = vector.broadcast %reduce_max3A : i1 to vector<16xi1>
          %reduce_max3A_125 = tpu.scan <max>, %scan3A_119#1 masked %reduce_max3A_124 : vector<16xf32>, vector<16xi1> -> vector<16xf32>
          %reduce_max3A_126 = vector.extract %reduce_max3A_125[15] : f32 from vector<16xf32>
          %sub3A = arith.subf %reduce_max3A_126, %reduce_min3A_123 : f32
          %add3A_127 = arith.constant 1.000000e-03 : f32
          %add3A_128 = arith.addf %sub3A, %add3A_127 : f32
          %broadcast_in_dim3A_129 = arith.constant 1.000000e+00 : f32
          %broadcast_in_dim3A_130 = vector.broadcast %broadcast_in_dim3A_129 : f32 to vector<16xf32>
          %broadcast_in_dim3A_131 = vector.broadcast %add3A_128 : f32 to vector<16xf32>
          %div3A_132 = arith.divf %broadcast_in_dim3A_130, %broadcast_in_dim3A_131 : vector<16xf32>
          %slice3A_133 = vector.extract_strided_slice %div3A_132 {offsets = [0], sizes = [1], strides = [1]} : vector<16xf32> to vector<1xf32>
          %squeeze3A_134 = vector.extract %slice3A_133[0] : f32 from vector<1xf32>
          %scan3A_135 = arith.constant 0 : i32
          %scan3A_136 = arith.constant 0 : i32
          %scan3A_137 = arith.constant 512 : i32
          %scan3A_138 = arith.addi %scan3A_136, %scan3A_137 : i32
          %scan3A_139 = arith.constant 4 : i32
          %scan3A_140 = scf.for %scan3A_169 = %scan3A_136 to %scan3A_138 step %scan3A_139 iter_args(%scan3A_170 = %scan3A_135) -> (i32)  : i32 {
            %mul3A_171 = arith.constant 16 : i32
            %mul3A_172 = arith.muli %scan3A_169, %mul3A_171 : i32
            %get3A_173 = arith.index_cast %mul3A_172 : i32 to index
            %get3A_174 = tpu.vector_load %arg18[%get3A_173] {strides = array<i32>} : memref<8192xi32, #tpu.memory_space<vmem>>, vector<16xi32>,
            %gt3A_175 = arith.constant 0 : i32
            %gt3A_176 = vector.broadcast %gt3A_175 : i32 to vector<16xi32>
            %gt3A_177 = arith.cmpi sgt, %get3A_174, %gt3A_176 : vector<16xi32>
            %get3A_178 = arith.index_cast %mul3A_172 : i32 to index
            %get3A_179 = tpu.vector_load %arg14[%get3A_178] {strides = array<i32>} : memref<8192xf32, #tpu.memory_space<vmem>>, vector<16xf32>,
            %sub3A_180 = vector.broadcast %reduce_min3A_123 : f32 to vector<16xf32>
            %sub3A_181 = arith.subf %get3A_179, %sub3A_180 : vector<16xf32>
            %mul3A_182 = vector.broadcast %squeeze3A_134 : f32 to vector<16xf32>
            %mul3A_183 = arith.mulf %sub3A_181, %mul3A_182 : vector<16xf32>
            %sub3A_184 = arith.constant 1.000000e+00 : f32
            %sub3A_185 = vector.broadcast %sub3A_184 : f32 to vector<16xf32>
            %sub3A_186 = arith.subf %sub3A_185, %mul3A_183 : vector<16xf32>
            %get3A_187 = arith.index_cast %mul3A_172 : i32 to index
            %get3A_188 = tpu.vector_load %arg13[%get3A_187] {strides = array<i32>} : memref<8192xf32, #tpu.memory_space<vmem>>, vector<16xf32>,
            %sub3A_189 = vector.broadcast %mul3A_49 : f32 to vector<16xf32>
            %sub3A_190 = arith.subf %get3A_188, %sub3A_189 : vector<16xf32>
            %abs3A = math.absf %sub3A_190 : vector<16xf32>
            %neg3A = arith.constant 0.000000e+00 : f32
            %neg3A_191 = vector.broadcast %neg3A : f32 to vector<16xf32>
            %neg3A_192 = arith.subf %neg3A_191, %abs3A : vector<16xf32>
            %exp3A = math.exp %neg3A_192 : vector<16xf32>
            %mul3A_193 = arith.constant 4.000000e-01 : f32
            %mul3A_194 = vector.broadcast %mul3A_193 : f32 to vector<16xf32>
            %mul3A_195 = arith.mulf %mul3A_194, %sub3A_186 : vector<16xf32>
            %mul3A_196 = arith.constant 6.000000e-01 : f32
            %mul3A_197 = vector.broadcast %mul3A_196 : f32 to vector<16xf32>
            %mul3A_198 = arith.mulf %mul3A_197, %exp3A : vector<16xf32>
            %add3A_199 = arith.addf %mul3A_195, %mul3A_198 : vector<16xf32>
            %jit3A = arith.constant 0.000000e+00 : f32
            %broadcast_in_dim3A_200 = vector.broadcast %jit3A : f32 to vector<16xf32>
            %select_n3A = arith.select %gt3A_177, %add3A_199, %broadcast_in_dim3A_200 : vector<16xi1>, vector<16xf32>
            %swap3A_201 = arith.index_cast %mul3A_172 : i32 to index
            %swap3A_202 = tpu.vector_load %arg15[%swap3A_201] {strides = array<i32>} : memref<8192xf32, #tpu.memory_space<vmem>>, vector<16xf32>,
            tpu.vector_store %arg15[%swap3A_201], %select_n3A {strides = array<i32>} : memref<8192xf32, #tpu.memory_space<vmem>>, vector<16xf32>,
            %jit3A_203 = arith.constant 1 : i32
            %jit3A_204 = arith.constant 0 : i32
            %broadcast_in_dim3A_205 = vector.broadcast %jit3A_203 : i32 to vector<16xi32>
            %broadcast_in_dim3A_206 = vector.broadcast %jit3A_204 : i32 to vector<16xi32>
            %select_n3A_207 = arith.select %gt3A_177, %broadcast_in_dim3A_205, %broadcast_in_dim3A_206 : vector<16xi1>, vector<16xi32>
            %broadcast_in_dim3A_208 = arith.constant true
            %broadcast_in_dim3A_209 = vector.broadcast %broadcast_in_dim3A_208 : i1 to vector<16xi1>
            %masked_cumsum3A = tpu.scan <sum>, %select_n3A_207 masked %broadcast_in_dim3A_209 : vector<16xi32>, vector<16xi1> -> vector<16xi32>
            %add3A_210 = vector.broadcast %scan3A_170 : i32 to vector<16xi32>
            %add3A_211 = arith.addi %add3A_210, %masked_cumsum3A : vector<16xi32>
            %sub3A_212 = arith.constant 1 : i32
            %sub3A_213 = vector.broadcast %sub3A_212 : i32 to vector<16xi32>
            %sub3A_214 = arith.subi %add3A_211, %sub3A_213 : vector<16xi32>
            tpu.vector_store_idx %arg16[%sub3A_214], %select_n3A masked %gt3A_177 : memref<8208xf32, #tpu.memory_space<vmem>>[vector<16xi32>], vector<16xf32>, vector<16xi1>
            %reduce_sum3A_215 = arith.constant true
            %reduce_sum3A_216 = vector.broadcast %reduce_sum3A_215 : i1 to vector<16xi1>
            %reduce_sum3A_217 = tpu.scan <sum>, %select_n3A_207 masked %reduce_sum3A_216 : vector<16xi32>, vector<16xi1> -> vector<16xi32>
            %reduce_sum3A_218 = vector.extract %reduce_sum3A_217[15] : i32 from vector<16xi32>
            %add3A_219 = arith.addi %scan3A_170, %reduce_sum3A_218 : i32
            %scan3A_220 = arith.constant 1 : i32
            %scan3A_221 = arith.addi %scan3A_169, %scan3A_220 : i32
            %mul3A_222 = arith.constant 16 : i32
            %mul3A_223 = arith.muli %scan3A_221, %mul3A_222 : i32
            %get3A_224 = arith.index_cast %mul3A_223 : i32 to index
            %get3A_225 = tpu.vector_load %arg18[%get3A_224] {strides = array<i32>} : memref<8192xi32, #tpu.memory_space<vmem>>, vector<16xi32>,
            %gt3A_226 = arith.constant 0 : i32
            %gt3A_227 = vector.broadcast %gt3A_226 : i32 to vector<16xi32>
            %gt3A_228 = arith.cmpi sgt, %get3A_225, %gt3A_227 : vector<16xi32>
            %get3A_229 = arith.index_cast %mul3A_223 : i32 to index
            %get3A_230 = tpu.vector_load %arg14[%get3A_229] {strides = array<i32>} : memref<8192xf32, #tpu.memory_space<vmem>>, vector<16xf32>,
            %sub3A_231 = vector.broadcast %reduce_min3A_123 : f32 to vector<16xf32>
            %sub3A_232 = arith.subf %get3A_230, %sub3A_231 : vector<16xf32>
            %mul3A_233 = vector.broadcast %squeeze3A_134 : f32 to vector<16xf32>
            %mul3A_234 = arith.mulf %sub3A_232, %mul3A_233 : vector<16xf32>
            %sub3A_235 = arith.constant 1.000000e+00 : f32
            %sub3A_236 = vector.broadcast %sub3A_235 : f32 to vector<16xf32>
            %sub3A_237 = arith.subf %sub3A_236, %mul3A_234 : vector<16xf32>
            %get3A_238 = arith.index_cast %mul3A_223 : i32 to index
            %get3A_239 = tpu.vector_load %arg13[%get3A_238] {strides = array<i32>} : memref<8192xf32, #tpu.memory_space<vmem>>, vector<16xf32>,
            %sub3A_240 = vector.broadcast %mul3A_49 : f32 to vector<16xf32>
            %sub3A_241 = arith.subf %get3A_239, %sub3A_240 : vector<16xf32>
            %abs3A_242 = math.absf %sub3A_241 : vector<16xf32>
            %neg3A_243 = arith.constant 0.000000e+00 : f32
            %neg3A_244 = vector.broadcast %neg3A_243 : f32 to vector<16xf32>
            %neg3A_245 = arith.subf %neg3A_244, %abs3A_242 : vector<16xf32>
            %exp3A_246 = math.exp %neg3A_245 : vector<16xf32>
            %mul3A_247 = arith.constant 4.000000e-01 : f32
            %mul3A_248 = vector.broadcast %mul3A_247 : f32 to vector<16xf32>
            %mul3A_249 = arith.mulf %mul3A_248, %sub3A_237 : vector<16xf32>
            %mul3A_250 = arith.constant 6.000000e-01 : f32
            %mul3A_251 = vector.broadcast %mul3A_250 : f32 to vector<16xf32>
            %mul3A_252 = arith.mulf %mul3A_251, %exp3A_246 : vector<16xf32>
            %add3A_253 = arith.addf %mul3A_249, %mul3A_252 : vector<16xf32>
            %jit3A_254 = arith.constant 0.000000e+00 : f32
            %broadcast_in_dim3A_255 = vector.broadcast %jit3A_254 : f32 to vector<16xf32>
            %select_n3A_256 = arith.select %gt3A_228, %add3A_253, %broadcast_in_dim3A_255 : vector<16xi1>, vector<16xf32>
            %swap3A_257 = arith.index_cast %mul3A_223 : i32 to index
            %swap3A_258 = tpu.vector_load %arg15[%swap3A_257] {strides = array<i32>} : memref<8192xf32, #tpu.memory_space<vmem>>, vector<16xf32>,
            tpu.vector_store %arg15[%swap3A_257], %select_n3A_256 {strides = array<i32>} : memref<8192xf32, #tpu.memory_space<vmem>>, vector<16xf32>,
            %jit3A_259 = arith.constant 1 : i32
            %jit3A_260 = arith.constant 0 : i32
            %broadcast_in_dim3A_261 = vector.broadcast %jit3A_259 : i32 to vector<16xi32>
            %broadcast_in_dim3A_262 = vector.broadcast %jit3A_260 : i32 to vector<16xi32>
            %select_n3A_263 = arith.select %gt3A_228, %broadcast_in_dim3A_261, %broadcast_in_dim3A_262 : vector<16xi1>, vector<16xi32>
            %broadcast_in_dim3A_264 = arith.constant true
            %broadcast_in_dim3A_265 = vector.broadcast %broadcast_in_dim3A_264 : i1 to vector<16xi1>
            %masked_cumsum3A_266 = tpu.scan <sum>, %select_n3A_263 masked %broadcast_in_dim3A_265 : vector<16xi32>, vector<16xi1> -> vector<16xi32>
            %add3A_267 = vector.broadcast %add3A_219 : i32 to vector<16xi32>
            %add3A_268 = arith.addi %add3A_267, %masked_cumsum3A_266 : vector<16xi32>
            %sub3A_269 = arith.constant 1 : i32
            %sub3A_270 = vector.broadcast %sub3A_269 : i32 to vector<16xi32>
            %sub3A_271 = arith.subi %add3A_268, %sub3A_270 : vector<16xi32>
            tpu.vector_store_idx %arg16[%sub3A_271], %select_n3A_256 masked %gt3A_228 : memref<8208xf32, #tpu.memory_space<vmem>>[vector<16xi32>], vector<16xf32>, vector<16xi1>
            %reduce_sum3A_272 = arith.constant true
            %reduce_sum3A_273 = vector.broadcast %reduce_sum3A_272 : i1 to vector<16xi1>
            %reduce_sum3A_274 = tpu.scan <sum>, %select_n3A_263 masked %reduce_sum3A_273 : vector<16xi32>, vector<16xi1> -> vector<16xi32>
            %reduce_sum3A_275 = vector.extract %reduce_sum3A_274[15] : i32 from vector<16xi32>
            %add3A_276 = arith.addi %add3A_219, %reduce_sum3A_275 : i32
            %scan3A_277 = arith.constant 2 : i32
            %scan3A_278 = arith.addi %scan3A_169, %scan3A_277 : i32
            %mul3A_279 = arith.constant 16 : i32
            %mul3A_280 = arith.muli %scan3A_278, %mul3A_279 : i32
            %get3A_281 = arith.index_cast %mul3A_280 : i32 to index
            %get3A_282 = tpu.vector_load %arg18[%get3A_281] {strides = array<i32>} : memref<8192xi32, #tpu.memory_space<vmem>>, vector<16xi32>,
            %gt3A_283 = arith.constant 0 : i32
            %gt3A_284 = vector.broadcast %gt3A_283 : i32 to vector<16xi32>
            %gt3A_285 = arith.cmpi sgt, %get3A_282, %gt3A_284 : vector<16xi32>
            %get3A_286 = arith.index_cast %mul3A_280 : i32 to index
            %get3A_287 = tpu.vector_load %arg14[%get3A_286] {strides = array<i32>} : memref<8192xf32, #tpu.memory_space<vmem>>, vector<16xf32>,
            %sub3A_288 = vector.broadcast %reduce_min3A_123 : f32 to vector<16xf32>
            %sub3A_289 = arith.subf %get3A_287, %sub3A_288 : vector<16xf32>
            %mul3A_290 = vector.broadcast %squeeze3A_134 : f32 to vector<16xf32>
            %mul3A_291 = arith.mulf %sub3A_289, %mul3A_290 : vector<16xf32>
            %sub3A_292 = arith.constant 1.000000e+00 : f32
            %sub3A_293 = vector.broadcast %sub3A_292 : f32 to vector<16xf32>
            %sub3A_294 = arith.subf %sub3A_293, %mul3A_291 : vector<16xf32>
            %get3A_295 = arith.index_cast %mul3A_280 : i32 to index
            %get3A_296 = tpu.vector_load %arg13[%get3A_295] {strides = array<i32>} : memref<8192xf32, #tpu.memory_space<vmem>>, vector<16xf32>,
            %sub3A_297 = vector.broadcast %mul3A_49 : f32 to vector<16xf32>
            %sub3A_298 = arith.subf %get3A_296, %sub3A_297 : vector<16xf32>
            %abs3A_299 = math.absf %sub3A_298 : vector<16xf32>
            %neg3A_300 = arith.constant 0.000000e+00 : f32
            %neg3A_301 = vector.broadcast %neg3A_300 : f32 to vector<16xf32>
            %neg3A_302 = arith.subf %neg3A_301, %abs3A_299 : vector<16xf32>
            %exp3A_303 = math.exp %neg3A_302 : vector<16xf32>
            %mul3A_304 = arith.constant 4.000000e-01 : f32
            %mul3A_305 = vector.broadcast %mul3A_304 : f32 to vector<16xf32>
            %mul3A_306 = arith.mulf %mul3A_305, %sub3A_294 : vector<16xf32>
            %mul3A_307 = arith.constant 6.000000e-01 : f32
            %mul3A_308 = vector.broadcast %mul3A_307 : f32 to vector<16xf32>
            %mul3A_309 = arith.mulf %mul3A_308, %exp3A_303 : vector<16xf32>
            %add3A_310 = arith.addf %mul3A_306, %mul3A_309 : vector<16xf32>
            %jit3A_311 = arith.constant 0.000000e+00 : f32
            %broadcast_in_dim3A_312 = vector.broadcast %jit3A_311 : f32 to vector<16xf32>
            %select_n3A_313 = arith.select %gt3A_285, %add3A_310, %broadcast_in_dim3A_312 : vector<16xi1>, vector<16xf32>
            %swap3A_314 = arith.index_cast %mul3A_280 : i32 to index
            %swap3A_315 = tpu.vector_load %arg15[%swap3A_314] {strides = array<i32>} : memref<8192xf32, #tpu.memory_space<vmem>>, vector<16xf32>,
            tpu.vector_store %arg15[%swap3A_314], %select_n3A_313 {strides = array<i32>} : memref<8192xf32, #tpu.memory_space<vmem>>, vector<16xf32>,
            %jit3A_316 = arith.constant 1 : i32
            %jit3A_317 = arith.constant 0 : i32
            %broadcast_in_dim3A_318 = vector.broadcast %jit3A_316 : i32 to vector<16xi32>
            %broadcast_in_dim3A_319 = vector.broadcast %jit3A_317 : i32 to vector<16xi32>
            %select_n3A_320 = arith.select %gt3A_285, %broadcast_in_dim3A_318, %broadcast_in_dim3A_319 : vector<16xi1>, vector<16xi32>
            %broadcast_in_dim3A_321 = arith.constant true
            %broadcast_in_dim3A_322 = vector.broadcast %broadcast_in_dim3A_321 : i1 to vector<16xi1>
            %masked_cumsum3A_323 = tpu.scan <sum>, %select_n3A_320 masked %broadcast_in_dim3A_322 : vector<16xi32>, vector<16xi1> -> vector<16xi32>
            %add3A_324 = vector.broadcast %add3A_276 : i32 to vector<16xi32>
            %add3A_325 = arith.addi %add3A_324, %masked_cumsum3A_323 : vector<16xi32>
            %sub3A_326 = arith.constant 1 : i32
            %sub3A_327 = vector.broadcast %sub3A_326 : i32 to vector<16xi32>
            %sub3A_328 = arith.subi %add3A_325, %sub3A_327 : vector<16xi32>
            tpu.vector_store_idx %arg16[%sub3A_328], %select_n3A_313 masked %gt3A_285 : memref<8208xf32, #tpu.memory_space<vmem>>[vector<16xi32>], vector<16xf32>, vector<16xi1>
            %reduce_sum3A_329 = arith.constant true
            %reduce_sum3A_330 = vector.broadcast %reduce_sum3A_329 : i1 to vector<16xi1>
            %reduce_sum3A_331 = tpu.scan <sum>, %select_n3A_320 masked %reduce_sum3A_330 : vector<16xi32>, vector<16xi1> -> vector<16xi32>
            %reduce_sum3A_332 = vector.extract %reduce_sum3A_331[15] : i32 from vector<16xi32>
            %add3A_333 = arith.addi %add3A_276, %reduce_sum3A_332 : i32
            %scan3A_334 = arith.constant 3 : i32
            %scan3A_335 = arith.addi %scan3A_169, %scan3A_334 : i32
            %mul3A_336 = arith.constant 16 : i32
            %mul3A_337 = arith.muli %scan3A_335, %mul3A_336 : i32
            %get3A_338 = arith.index_cast %mul3A_337 : i32 to index
            %get3A_339 = tpu.vector_load %arg18[%get3A_338] {strides = array<i32>} : memref<8192xi32, #tpu.memory_space<vmem>>, vector<16xi32>,
            %gt3A_340 = arith.constant 0 : i32
            %gt3A_341 = vector.broadcast %gt3A_340 : i32 to vector<16xi32>
            %gt3A_342 = arith.cmpi sgt, %get3A_339, %gt3A_341 : vector<16xi32>
            %get3A_343 = arith.index_cast %mul3A_337 : i32 to index
            %get3A_344 = tpu.vector_load %arg14[%get3A_343] {strides = array<i32>} : memref<8192xf32, #tpu.memory_space<vmem>>, vector<16xf32>,
            %sub3A_345 = vector.broadcast %reduce_min3A_123 : f32 to vector<16xf32>
            %sub3A_346 = arith.subf %get3A_344, %sub3A_345 : vector<16xf32>
            %mul3A_347 = vector.broadcast %squeeze3A_134 : f32 to vector<16xf32>
            %mul3A_348 = arith.mulf %sub3A_346, %mul3A_347 : vector<16xf32>
            %sub3A_349 = arith.constant 1.000000e+00 : f32
            %sub3A_350 = vector.broadcast %sub3A_349 : f32 to vector<16xf32>
            %sub3A_351 = arith.subf %sub3A_350, %mul3A_348 : vector<16xf32>
            %get3A_352 = arith.index_cast %mul3A_337 : i32 to index
            %get3A_353 = tpu.vector_load %arg13[%get3A_352] {strides = array<i32>} : memref<8192xf32, #tpu.memory_space<vmem>>, vector<16xf32>,
            %sub3A_354 = vector.broadcast %mul3A_49 : f32 to vector<16xf32>
            %sub3A_355 = arith.subf %get3A_353, %sub3A_354 : vector<16xf32>
            %abs3A_356 = math.absf %sub3A_355 : vector<16xf32>
            %neg3A_357 = arith.constant 0.000000e+00 : f32
            %neg3A_358 = vector.broadcast %neg3A_357 : f32 to vector<16xf32>
            %neg3A_359 = arith.subf %neg3A_358, %abs3A_356 : vector<16xf32>
            %exp3A_360 = math.exp %neg3A_359 : vector<16xf32>
            %mul3A_361 = arith.constant 4.000000e-01 : f32
            %mul3A_362 = vector.broadcast %mul3A_361 : f32 to vector<16xf32>
            %mul3A_363 = arith.mulf %mul3A_362, %sub3A_351 : vector<16xf32>
            %mul3A_364 = arith.constant 6.000000e-01 : f32
            %mul3A_365 = vector.broadcast %mul3A_364 : f32 to vector<16xf32>
            %mul3A_366 = arith.mulf %mul3A_365, %exp3A_360 : vector<16xf32>
            %add3A_367 = arith.addf %mul3A_363, %mul3A_366 : vector<16xf32>
            %jit3A_368 = arith.constant 0.000000e+00 : f32
            %broadcast_in_dim3A_369 = vector.broadcast %jit3A_368 : f32 to vector<16xf32>
            %select_n3A_370 = arith.select %gt3A_342, %add3A_367, %broadcast_in_dim3A_369 : vector<16xi1>, vector<16xf32>
            %swap3A_371 = arith.index_cast %mul3A_337 : i32 to index
            %swap3A_372 = tpu.vector_load %arg15[%swap3A_371] {strides = array<i32>} : memref<8192xf32, #tpu.memory_space<vmem>>, vector<16xf32>,
            tpu.vector_store %arg15[%swap3A_371], %select_n3A_370 {strides = array<i32>} : memref<8192xf32, #tpu.memory_space<vmem>>, vector<16xf32>,
            %jit3A_373 = arith.constant 1 : i32
            %jit3A_374 = arith.constant 0 : i32
            %broadcast_in_dim3A_375 = vector.broadcast %jit3A_373 : i32 to vector<16xi32>
            %broadcast_in_dim3A_376 = vector.broadcast %jit3A_374 : i32 to vector<16xi32>
            %select_n3A_377 = arith.select %gt3A_342, %broadcast_in_dim3A_375, %broadcast_in_dim3A_376 : vector<16xi1>, vector<16xi32>
            %broadcast_in_dim3A_378 = arith.constant true
            %broadcast_in_dim3A_379 = vector.broadcast %broadcast_in_dim3A_378 : i1 to vector<16xi1>
            %masked_cumsum3A_380 = tpu.scan <sum>, %select_n3A_377 masked %broadcast_in_dim3A_379 : vector<16xi32>, vector<16xi1> -> vector<16xi32>
            %add3A_381 = vector.broadcast %add3A_333 : i32 to vector<16xi32>
            %add3A_382 = arith.addi %add3A_381, %masked_cumsum3A_380 : vector<16xi32>
            %sub3A_383 = arith.constant 1 : i32
            %sub3A_384 = vector.broadcast %sub3A_383 : i32 to vector<16xi32>
            %sub3A_385 = arith.subi %add3A_382, %sub3A_384 : vector<16xi32>
            tpu.vector_store_idx %arg16[%sub3A_385], %select_n3A_370 masked %gt3A_342 : memref<8208xf32, #tpu.memory_space<vmem>>[vector<16xi32>], vector<16xf32>, vector<16xi1>
            %reduce_sum3A_386 = arith.constant true
            %reduce_sum3A_387 = vector.broadcast %reduce_sum3A_386 : i1 to vector<16xi1>
            %reduce_sum3A_388 = tpu.scan <sum>, %select_n3A_377 masked %reduce_sum3A_387 : vector<16xi32>, vector<16xi1> -> vector<16xi32>
            %reduce_sum3A_389 = vector.extract %reduce_sum3A_388[15] : i32 from vector<16xi32>
            %add3A_390 = arith.addi %add3A_333, %reduce_sum3A_389 : i32
            scf.yield %add3A_390 : i32
          }
          %scan3A_141 = arith.constant 512 : i32
          %swap3A_142 = arith.index_cast %scan3A_140 : i32 to index
          %swap3A_143 = tpu.vector_load %arg16[%swap3A_142] {strides = array<i32>} : memref<8208xf32, #tpu.memory_space<vmem>>, vector<16xf32>,
          tpu.vector_store %arg16[%swap3A_142], %broadcast_in_dim3A_7 {strides = array<i32>} : memref<8208xf32, #tpu.memory_space<vmem>>, vector<16xf32>,
          %convert_element_type3A_144 = arith.sitofp %scan3A_140 : i32 to f32
          %mul3A_145 = arith.constant 4.000000e-01 : f32
          %mul3A_146 = arith.mulf %mul3A_145, %convert_element_type3A_144 : f32
          %convert_element_type3A_147 = arith.fptosi %mul3A_146 : f32 to i32
          %add3A_148 = arith.constant 15 : i32
          %add3A_149 = arith.addi %scan3A_140, %add3A_148 : i32
          %shift_right_arithmetic3A_150 = arith.constant 4 : i32
          %shift_right_arithmetic3A_151 = arith.shrsi %add3A_149, %shift_right_arithmetic3A_150 : i32
          %scan3A_152 = arith.constant 0 : i32
          %scan3A_153 = arith.constant 1065353217 : i32
          %scan3A_154 = arith.constant 0 : i32
          %scan3A_155 = arith.constant 31 : i32
          %scan3A_156 = arith.addi %scan3A_154, %scan3A_155 : i32
          %scan3A_157 = arith.constant 1 : i32
          %scan3A_158:2 = scf.for %scan3A_169 = %scan3A_154 to %scan3A_156 step %scan3A_157 iter_args(%scan3A_170 = %scan3A_152, %scan3A_171 = %scan3A_153) -> (i32, i32)  : i32 {
            %add3A_172 = arith.addi %scan3A_170, %scan3A_171 : i32
            %shift_right_arithmetic3A_173 = arith.constant 1 : i32
            %shift_right_arithmetic3A_174 = arith.shrsi %add3A_172, %shift_right_arithmetic3A_173 : i32
            %bitcast_convert_type3A_175 = arith.bitcast %shift_right_arithmetic3A_174 : i32 to f32
            %while3A_176 = arith.constant 0 : i32
            %while3A_177 = arith.subi %shift_right_arithmetic3A_151, %while3A_176 : i32
            %while3A_178 = arith.addi %while3A_176, %while3A_177 : i32
            %while3A_179 = arith.constant 1 : i32
            %while3A_180 = arith.divsi %while3A_177, %while3A_179 : i32
            %while3A_181 = arith.muli %while3A_180, %while3A_179 : i32
            %while3A_182 = arith.addi %while3A_176, %while3A_181 : i32
            %while3A_183 = arith.constant 1 : i32
            %while3A_184 = scf.for %while3A_192 = %while3A_176 to %while3A_182 step %while3A_183 iter_args(%while3A_193 = %broadcast_in_dim3A_5) -> (vector<16xi32>)  : i32 {
              %mul3A_194 = arith.constant 16 : i32
              %mul3A_195 = arith.muli %while3A_192, %mul3A_194 : i32
              %get3A_196 = arith.index_cast %mul3A_195 : i32 to index
              %get3A_197 = tpu.vector_load %arg16[%get3A_196] {strides = array<i32>} : memref<8208xf32, #tpu.memory_space<vmem>>, vector<16xf32>,
              %ge3A_198 = vector.broadcast %bitcast_convert_type3A_175 : f32 to vector<16xf32>
              %ge3A_199 = arith.cmpf oge, %get3A_197, %ge3A_198 : vector<16xf32>
              %jit3A = arith.constant 1 : i32
              %jit3A_200 = arith.constant 0 : i32
              %broadcast_in_dim3A_201 = vector.broadcast %jit3A : i32 to vector<16xi32>
              %broadcast_in_dim3A_202 = vector.broadcast %jit3A_200 : i32 to vector<16xi32>
              %select_n3A_203 = arith.select %ge3A_199, %broadcast_in_dim3A_201, %broadcast_in_dim3A_202 : vector<16xi1>, vector<16xi32>
              %add3A_204 = arith.addi %while3A_193, %select_n3A_203 : vector<16xi32>
              scf.yield %add3A_204 : vector<16xi32>
            }
            %while3A_185 = arith.constant 1 : i32
            %while3A_186 = scf.for %while3A_192 = %while3A_182 to %while3A_178 step %while3A_185 iter_args(%while3A_193 = %while3A_184) -> (vector<16xi32>)  : i32 {
              %mul3A_194 = arith.constant 16 : i32
              %mul3A_195 = arith.muli %while3A_192, %mul3A_194 : i32
              %get3A_196 = arith.index_cast %mul3A_195 : i32 to index
              %get3A_197 = tpu.vector_load %arg16[%get3A_196] {strides = array<i32>} : memref<8208xf32, #tpu.memory_space<vmem>>, vector<16xf32>,
              %ge3A_198 = vector.broadcast %bitcast_convert_type3A_175 : f32 to vector<16xf32>
              %ge3A_199 = arith.cmpf oge, %get3A_197, %ge3A_198 : vector<16xf32>
              %jit3A = arith.constant 1 : i32
              %jit3A_200 = arith.constant 0 : i32
              %broadcast_in_dim3A_201 = vector.broadcast %jit3A : i32 to vector<16xi32>
              %broadcast_in_dim3A_202 = vector.broadcast %jit3A_200 : i32 to vector<16xi32>
              %select_n3A_203 = arith.select %ge3A_199, %broadcast_in_dim3A_201, %broadcast_in_dim3A_202 : vector<16xi1>, vector<16xi32>
              %add3A_204 = arith.addi %while3A_193, %select_n3A_203 : vector<16xi32>
              scf.yield %add3A_204 : vector<16xi32>
            }
            %reduce_sum3A_187 = arith.constant true
            %reduce_sum3A_188 = vector.broadcast %reduce_sum3A_187 : i1 to vector<16xi1>
            %reduce_sum3A_189 = tpu.scan <sum>, %while3A_186 masked %reduce_sum3A_188 : vector<16xi32>, vector<16xi1> -> vector<16xi32>
            %reduce_sum3A_190 = vector.extract %reduce_sum3A_189[15] : i32 from vector<16xi32>
            %ge3A = arith.cmpi sge, %reduce_sum3A_190, %convert_element_type3A_147 : i32
            %select_n3A = arith.select %ge3A, %shift_right_arithmetic3A_174, %scan3A_170 : i32
            %select_n3A_191 = arith.select %ge3A, %scan3A_171, %shift_right_arithmetic3A_174 : i32
            scf.yield %select_n3A, %select_n3A_191 : i32, i32
          }
          %scan3A_159 = arith.constant 31 : i32
          %bitcast_convert_type3A = arith.bitcast %scan3A_158#0 : i32 to f32
          %gt3A_160 = arith.constant 0 : i32
          %gt3A_161 = arith.cmpi sgt, %convert_element_type3A_147, %gt3A_160 : i32
          %scan3A_162 = arith.constant 0 : i32
          %scan3A_163 = arith.constant 0 : i32
          %scan3A_164 = arith.constant 512 : i32
          %scan3A_165 = arith.addi %scan3A_163, %scan3A_164 : i32
          %scan3A_166 = arith.constant 4 : i32
          %scan3A_167 = scf.for %scan3A_169 = %scan3A_163 to %scan3A_165 step %scan3A_166 iter_args(%scan3A_170 = %scan3A_162) -> (i32)  : i32 {
            %mul3A_171 = arith.constant 16 : i32
            %mul3A_172 = arith.muli %scan3A_169, %mul3A_171 : i32
            %get3A_173 = arith.index_cast %mul3A_172 : i32 to index
            %get3A_174 = tpu.vector_load %arg18[%get3A_173] {strides = array<i32>} : memref<8192xi32, #tpu.memory_space<vmem>>, vector<16xi32>,
            %gt3A_175 = arith.constant 0 : i32
            %gt3A_176 = vector.broadcast %gt3A_175 : i32 to vector<16xi32>
            %gt3A_177 = arith.cmpi sgt, %get3A_174, %gt3A_176 : vector<16xi32>
            %get3A_178 = arith.index_cast %mul3A_172 : i32 to index
            %get3A_179 = tpu.vector_load %arg15[%get3A_178] {strides = array<i32>} : memref<8192xf32, #tpu.memory_space<vmem>>, vector<16xf32>,
            %ge3A = vector.broadcast %bitcast_convert_type3A : f32 to vector<16xf32>
            %ge3A_180 = arith.cmpf oge, %get3A_179, %ge3A : vector<16xf32>
            %and3A_181 = arith.andi %gt3A_177, %ge3A_180 : vector<16xi1>
            %and3A_182 = vector.broadcast %gt3A_161 : i1 to vector<16xi1>
            %and3A_183 = arith.andi %and3A_181, %and3A_182 : vector<16xi1>
            %get3A_184 = arith.index_cast %mul3A_172 : i32 to index
            %get3A_185 = tpu.vector_load %arg17[%get3A_184] {strides = array<i32>} : memref<8192xi32, #tpu.memory_space<vmem>>, vector<16xi32>,
            %jit3A = arith.constant 1 : i32
            %broadcast_in_dim3A_186 = vector.broadcast %jit3A : i32 to vector<16xi32>
            %select_n3A = arith.select %and3A_183, %broadcast_in_dim3A_186, %get3A_185 : vector<16xi1>, vector<16xi32>
            %swap3A_187 = arith.index_cast %mul3A_172 : i32 to index
            %swap3A_188 = tpu.vector_load %arg17[%swap3A_187] {strides = array<i32>} : memref<8192xi32, #tpu.memory_space<vmem>>, vector<16xi32>,
            tpu.vector_store %arg17[%swap3A_187], %select_n3A {strides = array<i32>} : memref<8192xi32, #tpu.memory_space<vmem>>, vector<16xi32>,
            %scan3A_189 = arith.constant 0 : i32
            %scan3A_190 = arith.constant 1 : i32
            %scan3A_191 = arith.addi %scan3A_169, %scan3A_190 : i32
            %mul3A_192 = arith.constant 16 : i32
            %mul3A_193 = arith.muli %scan3A_191, %mul3A_192 : i32
            %get3A_194 = arith.index_cast %mul3A_193 : i32 to index
            %get3A_195 = tpu.vector_load %arg18[%get3A_194] {strides = array<i32>} : memref<8192xi32, #tpu.memory_space<vmem>>, vector<16xi32>,
            %gt3A_196 = arith.constant 0 : i32
            %gt3A_197 = vector.broadcast %gt3A_196 : i32 to vector<16xi32>
            %gt3A_198 = arith.cmpi sgt, %get3A_195, %gt3A_197 : vector<16xi32>
            %get3A_199 = arith.index_cast %mul3A_193 : i32 to index
            %get3A_200 = tpu.vector_load %arg15[%get3A_199] {strides = array<i32>} : memref<8192xf32, #tpu.memory_space<vmem>>, vector<16xf32>,
            %ge3A_201 = vector.broadcast %bitcast_convert_type3A : f32 to vector<16xf32>
            %ge3A_202 = arith.cmpf oge, %get3A_200, %ge3A_201 : vector<16xf32>
            %and3A_203 = arith.andi %gt3A_198, %ge3A_202 : vector<16xi1>
            %and3A_204 = vector.broadcast %gt3A_161 : i1 to vector<16xi1>
            %and3A_205 = arith.andi %and3A_203, %and3A_204 : vector<16xi1>
            %get3A_206 = arith.index_cast %mul3A_193 : i32 to index
            %get3A_207 = tpu.vector_load %arg17[%get3A_206] {strides = array<i32>} : memref<8192xi32, #tpu.memory_space<vmem>>, vector<16xi32>,
            %jit3A_208 = arith.constant 1 : i32
            %broadcast_in_dim3A_209 = vector.broadcast %jit3A_208 : i32 to vector<16xi32>
            %select_n3A_210 = arith.select %and3A_205, %broadcast_in_dim3A_209, %get3A_207 : vector<16xi1>, vector<16xi32>
            %swap3A_211 = arith.index_cast %mul3A_193 : i32 to index
            %swap3A_212 = tpu.vector_load %arg17[%swap3A_211] {strides = array<i32>} : memref<8192xi32, #tpu.memory_space<vmem>>, vector<16xi32>,
            tpu.vector_store %arg17[%swap3A_211], %select_n3A_210 {strides = array<i32>} : memref<8192xi32, #tpu.memory_space<vmem>>, vector<16xi32>,
            %scan3A_213 = arith.constant 0 : i32
            %scan3A_214 = arith.constant 2 : i32
            %scan3A_215 = arith.addi %scan3A_169, %scan3A_214 : i32
            %mul3A_216 = arith.constant 16 : i32
            %mul3A_217 = arith.muli %scan3A_215, %mul3A_216 : i32
            %get3A_218 = arith.index_cast %mul3A_217 : i32 to index
            %get3A_219 = tpu.vector_load %arg18[%get3A_218] {strides = array<i32>} : memref<8192xi32, #tpu.memory_space<vmem>>, vector<16xi32>,
            %gt3A_220 = arith.constant 0 : i32
            %gt3A_221 = vector.broadcast %gt3A_220 : i32 to vector<16xi32>
            %gt3A_222 = arith.cmpi sgt, %get3A_219, %gt3A_221 : vector<16xi32>
            %get3A_223 = arith.index_cast %mul3A_217 : i32 to index
            %get3A_224 = tpu.vector_load %arg15[%get3A_223] {strides = array<i32>} : memref<8192xf32, #tpu.memory_space<vmem>>, vector<16xf32>,
            %ge3A_225 = vector.broadcast %bitcast_convert_type3A : f32 to vector<16xf32>
            %ge3A_226 = arith.cmpf oge, %get3A_224, %ge3A_225 : vector<16xf32>
            %and3A_227 = arith.andi %gt3A_222, %ge3A_226 : vector<16xi1>
            %and3A_228 = vector.broadcast %gt3A_161 : i1 to vector<16xi1>
            %and3A_229 = arith.andi %and3A_227, %and3A_228 : vector<16xi1>
            %get3A_230 = arith.index_cast %mul3A_217 : i32 to index
            %get3A_231 = tpu.vector_load %arg17[%get3A_230] {strides = array<i32>} : memref<8192xi32, #tpu.memory_space<vmem>>, vector<16xi32>,
            %jit3A_232 = arith.constant 1 : i32
            %broadcast_in_dim3A_233 = vector.broadcast %jit3A_232 : i32 to vector<16xi32>
            %select_n3A_234 = arith.select %and3A_229, %broadcast_in_dim3A_233, %get3A_231 : vector<16xi1>, vector<16xi32>
            %swap3A_235 = arith.index_cast %mul3A_217 : i32 to index
            %swap3A_236 = tpu.vector_load %arg17[%swap3A_235] {strides = array<i32>} : memref<8192xi32, #tpu.memory_space<vmem>>, vector<16xi32>,
            tpu.vector_store %arg17[%swap3A_235], %select_n3A_234 {strides = array<i32>} : memref<8192xi32, #tpu.memory_space<vmem>>, vector<16xi32>,
            %scan3A_237 = arith.constant 0 : i32
            %scan3A_238 = arith.constant 3 : i32
            %scan3A_239 = arith.addi %scan3A_169, %scan3A_238 : i32
            %mul3A_240 = arith.constant 16 : i32
            %mul3A_241 = arith.muli %scan3A_239, %mul3A_240 : i32
            %get3A_242 = arith.index_cast %mul3A_241 : i32 to index
            %get3A_243 = tpu.vector_load %arg18[%get3A_242] {strides = array<i32>} : memref<8192xi32, #tpu.memory_space<vmem>>, vector<16xi32>,
            %gt3A_244 = arith.constant 0 : i32
            %gt3A_245 = vector.broadcast %gt3A_244 : i32 to vector<16xi32>
            %gt3A_246 = arith.cmpi sgt, %get3A_243, %gt3A_245 : vector<16xi32>
            %get3A_247 = arith.index_cast %mul3A_241 : i32 to index
            %get3A_248 = tpu.vector_load %arg15[%get3A_247] {strides = array<i32>} : memref<8192xf32, #tpu.memory_space<vmem>>, vector<16xf32>,
            %ge3A_249 = vector.broadcast %bitcast_convert_type3A : f32 to vector<16xf32>
            %ge3A_250 = arith.cmpf oge, %get3A_248, %ge3A_249 : vector<16xf32>
            %and3A_251 = arith.andi %gt3A_246, %ge3A_250 : vector<16xi1>
            %and3A_252 = vector.broadcast %gt3A_161 : i1 to vector<16xi1>
            %and3A_253 = arith.andi %and3A_251, %and3A_252 : vector<16xi1>
            %get3A_254 = arith.index_cast %mul3A_241 : i32 to index
            %get3A_255 = tpu.vector_load %arg17[%get3A_254] {strides = array<i32>} : memref<8192xi32, #tpu.memory_space<vmem>>, vector<16xi32>,
            %jit3A_256 = arith.constant 1 : i32
            %broadcast_in_dim3A_257 = vector.broadcast %jit3A_256 : i32 to vector<16xi32>
            %select_n3A_258 = arith.select %and3A_253, %broadcast_in_dim3A_257, %get3A_255 : vector<16xi1>, vector<16xi32>
            %swap3A_259 = arith.index_cast %mul3A_241 : i32 to index
            %swap3A_260 = tpu.vector_load %arg17[%swap3A_259] {strides = array<i32>} : memref<8192xi32, #tpu.memory_space<vmem>>, vector<16xi32>,
            tpu.vector_store %arg17[%swap3A_259], %select_n3A_258 {strides = array<i32>} : memref<8192xi32, #tpu.memory_space<vmem>>, vector<16xi32>,
            %scan3A_261 = arith.constant 0 : i32
            scf.yield %scan3A_261 : i32
          }
          %scan3A_168 = arith.constant 512 : i32
        } else {
        }
      }
      %scan3A_14 = arith.constant 5 : i32
      "tpu.region"() ({
        %run_scoped3A = tpu.sem_alloc : memref<!tpu.dma_semaphore, #tpu.memory_space<semaphore_mem>>
        tpu.enqueue_dma source(%arg17 : memref<8192xi32, #tpu.memory_space<vmem>>) target(%arg9 : memref<8192xi32, #tpu.memory_space<hbm>>) target_semaphore(%run_scoped3A : memref<!tpu.dma_semaphore, #tpu.memory_space<semaphore_mem>>)
        tpu.wait_dma2 semaphore(%run_scoped3A : memref<!tpu.dma_semaphore, #tpu.memory_space<semaphore_mem>>) src(%arg17 : memref<8192xi32, #tpu.memory_space<vmem>>) dst(%arg9 : memref<8192xi32, #tpu.memory_space<hbm>>)
        tpu.yield
      }) : () -> ()
    } else {
    }
    return
  }
}

module attributes {stable_mosaic.version = 14 : i64} {
  func.func @_msp_kernel(%arg0: memref<8192x13xf32, #tpu.memory_space<vmem>>, %arg1: memref<8192xf32, #tpu.memory_space<vmem>>, %arg2: memref<1x128xf32, #tpu.memory_space<vmem>>) attributes {dimension_semantics = [], scalar_prefetch = 0 : i64, scratch_operands = 0 : i64, tpu.core_type = #tpu.core_type<tc>} {
    %get3A = arith.constant 0 : index
    %get3A_0 = arith.constant 0 : index
    %get3A_1 = vector.load %arg0[%get3A, %get3A_0] : memref<8192x13xf32, #tpu.memory_space<vmem>>, vector<8192x13xf32>
    %reduce_max3A = arith.constant dense<0xFF800000> : vector<8192xf32>
    %reduce_max3A_2 = vector.multi_reduction <maximumf>, %get3A_1, %reduce_max3A [1] : vector<8192x13xf32> to vector<8192xf32>
    %broadcast_in_dim3A = vector.shape_cast %reduce_max3A_2 : vector<8192xf32> to vector<8192x1xf32>
    %sub3A = vector.broadcast %broadcast_in_dim3A : vector<8192x1xf32> to vector<8192x13xf32>
    %sub3A_3 = arith.subf %get3A_1, %sub3A : vector<8192x13xf32>
    %exp3A = math.exp %sub3A_3 : vector<8192x13xf32>
    %reduce_sum3A = arith.constant dense<0.000000e+00> : vector<8192xf32>
    %reduce_sum3A_4 = vector.multi_reduction <add>, %exp3A, %reduce_sum3A [1] : vector<8192x13xf32> to vector<8192xf32>
    %broadcast_in_dim3A_5 = vector.shape_cast %reduce_sum3A_4 : vector<8192xf32> to vector<8192x1xf32>
    %squeeze3A = vector.shape_cast %broadcast_in_dim3A_5 : vector<8192x1xf32> to vector<8192xf32>
    %div3A = arith.constant 1.000000e+00 : f32
    %div3A_6 = vector.broadcast %div3A : f32 to vector<8192xf32>
    %div3A_7 = arith.divf %div3A_6, %squeeze3A : vector<8192xf32>
    %swap3A = arith.constant 0 : index
    %swap3A_8 = vector.load %arg1[%swap3A] : memref<8192xf32, #tpu.memory_space<vmem>>, vector<8192xf32>
    tpu.vector_store %arg1[%swap3A], %div3A_7 {strides = array<i32>} : memref<8192xf32, #tpu.memory_space<vmem>>, vector<8192xf32>,
    %reduce_sum3A_9 = vector.shape_cast %div3A_7 : vector<8192xf32> to vector<1x8192xf32>
    %reduce_sum3A_10 = arith.constant dense<0.000000e+00> : vector<1xf32>
    %reduce_sum3A_11 = vector.multi_reduction <add>, %reduce_sum3A_9, %reduce_sum3A_10 [1] : vector<1x8192xf32> to vector<1xf32>
    %reduce_sum3A_12 = vector.shape_cast %reduce_sum3A_11 : vector<1xf32> to vector<1x1xf32>
    %reduce_sum3A_13 = vector.extract %reduce_sum3A_12[0, 0] : f32 from vector<1x1xf32>
    %div3A_14 = arith.constant 8.192000e+03 : f32
    %div3A_15 = arith.divf %reduce_sum3A_13, %div3A_14 : f32
    %sub3A_16 = vector.broadcast %div3A_15 : f32 to vector<8192xf32>
    %sub3A_17 = arith.subf %div3A_7, %sub3A_16 : vector<8192xf32>
    %sub3A_18 = vector.broadcast %div3A_15 : f32 to vector<8192xf32>
    %sub3A_19 = arith.subf %div3A_7, %sub3A_18 : vector<8192xf32>
    %mul3A = arith.mulf %sub3A_17, %sub3A_19 : vector<8192xf32>
    %reduce_sum3A_20 = vector.shape_cast %mul3A : vector<8192xf32> to vector<1x8192xf32>
    %reduce_sum3A_21 = arith.constant dense<0.000000e+00> : vector<1xf32>
    %reduce_sum3A_22 = vector.multi_reduction <add>, %reduce_sum3A_20, %reduce_sum3A_21 [1] : vector<1x8192xf32> to vector<1xf32>
    %reduce_sum3A_23 = vector.shape_cast %reduce_sum3A_22 : vector<1xf32> to vector<1x1xf32>
    %reduce_sum3A_24 = vector.extract %reduce_sum3A_23[0, 0] : f32 from vector<1x1xf32>
    %div3A_25 = arith.constant 8.192000e+03 : f32
    %div3A_26 = arith.divf %reduce_sum3A_24, %div3A_25 : f32
    %max3A = arith.constant 0.000000e+00 : f32
    %max3A_27 = arith.maximumf %div3A_26, %max3A : f32
    %sqrt3A = math.sqrt %max3A_27 : f32
    %mul3A_28 = arith.constant 5.000000e-01 : f32
    %mul3A_29 = arith.mulf %mul3A_28, %sqrt3A : f32
    %sub3A_30 = arith.subf %div3A_15, %mul3A_29 : f32
    %broadcast_in_dim3A_31 = vector.broadcast %sub3A_30 : f32 to vector<1x128xf32>
    %swap3A_32 = arith.constant 0 : index
    %swap3A_33 = arith.constant 0 : index
    %swap3A_34 = vector.load %arg2[%swap3A_32, %swap3A_33] : memref<1x128xf32, #tpu.memory_space<vmem>>, vector<1x128xf32>
    tpu.vector_store %arg2[%swap3A_32, %swap3A_33], %broadcast_in_dim3A_31 {strides = array<i32>} : memref<1x128xf32, #tpu.memory_space<vmem>>, vector<1x128xf32>,
    return
  }
}

module attributes {stable_mosaic.version = 14 : i64} {
  func.func @_ball_kernel(%arg0: i32, %arg1: memref<128x3xf32, #tpu.memory_space<vmem>>, %arg2: memref<3x8192xf32, #tpu.memory_space<vmem>>, %arg3: memref<1x8192xf32, #tpu.memory_space<vmem>>, %arg4: memref<128xf32, #tpu.memory_space<vmem>>, %arg5: memref<1x64xi32, #tpu.memory_space<vmem>>, %arg6: memref<128x128xi32, #tpu.memory_space<vmem>>, %arg7: memref<128xi32, #tpu.memory_space<vmem>>) attributes {dimension_semantics = [#tpu.dimension_semantics<arbitrary>], iteration_bounds = array<i64: 64>, scalar_prefetch = 0 : i64, scratch_operands = 0 : i64, tpu.core_type = #tpu.core_type<tc>, window_params = [{transform_indices = @transform_0, window_bounds = array<i64: 128, 3>}, {pipeline_mode = #tpu.pipeline_mode<synchronous>, transform_indices = @transform_1, window_bounds = array<i64: 3, 8192>}, {pipeline_mode = #tpu.pipeline_mode<synchronous>, transform_indices = @transform_2, window_bounds = array<i64: 1, 8192>}, {transform_indices = @transform_3, window_bounds = array<i64: 128>}, {pipeline_mode = #tpu.pipeline_mode<synchronous>, transform_indices = @transform_4, window_bounds = array<i64: 1, 64>}, {transform_indices = @transform_5, window_bounds = array<i64: 128, 128>}, {transform_indices = @transform_6, window_bounds = array<i64: 128>}]} {
    %get3A = arith.constant 0 : index
    %get3A_0 = arith.constant 0 : index
    %get3A_1 = vector.load %arg1[%get3A, %get3A_0] : memref<128x3xf32, #tpu.memory_space<vmem>>, vector<128x3xf32>
    %get3A_2 = arith.constant 0 : index
    %get3A_3 = arith.constant 0 : index
    %get3A_4 = vector.load %arg2[%get3A_2, %get3A_3] : memref<3x8192xf32, #tpu.memory_space<vmem>>, vector<3x8192xf32>
    %mul3A = arith.mulf %get3A_4, %get3A_4 : vector<3x8192xf32>
    %reduce_sum3A = arith.constant dense<0.000000e+00> : vector<8192xf32>
    %reduce_sum3A_5 = vector.multi_reduction <add>, %mul3A, %reduce_sum3A [0] : vector<3x8192xf32> to vector<8192xf32>
    %broadcast_in_dim3A = vector.shape_cast %reduce_sum3A_5 : vector<8192xf32> to vector<1x8192xf32>
    %mul3A_6 = arith.mulf %get3A_1, %get3A_1 : vector<128x3xf32>
    %reduce_sum3A_7 = arith.constant dense<0.000000e+00> : vector<128xf32>
    %reduce_sum3A_8 = vector.multi_reduction <add>, %mul3A_6, %reduce_sum3A_7 [1] : vector<128x3xf32> to vector<128xf32>
    %broadcast_in_dim3A_9 = vector.shape_cast %reduce_sum3A_8 : vector<128xf32> to vector<128x1xf32>
    %add3A = vector.broadcast %broadcast_in_dim3A_9 : vector<128x1xf32> to vector<128x8192xf32>
    %add3A_10 = vector.broadcast %broadcast_in_dim3A : vector<1x8192xf32> to vector<128x8192xf32>
    %add3A_11 = arith.addf %add3A, %add3A_10 : vector<128x8192xf32>
    %dot_general3A = arith.constant dense<0.000000e+00> : vector<128x8192xf32>
    %dot_general3A_12 = tpu.matmul %get3A_1, %get3A_4, %dot_general3A {dimension_numbers = #tpu.dot_dimension_numbers<[1], [0], [0], [1], [0, 0, 1, 1], [], []>, transpose_lhs_hint = false} : vector<128x3xf32>, vector<3x8192xf32>, vector<128x8192xf32> -> vector<128x8192xf32>
    %mul3A_13 = arith.constant 2.000000e+00 : f32
    %mul3A_14 = vector.broadcast %mul3A_13 : f32 to vector<128x8192xf32>
    %mul3A_15 = arith.mulf %mul3A_14, %dot_general3A_12 : vector<128x8192xf32>
    %sub3A = arith.subf %add3A_11, %mul3A_15 : vector<128x8192xf32>
    %iota3A = tpu.iota {dimensions = array<i32: 1>} : vector<128x8192xi32>
    %le3A = arith.constant 2.500000e-01 : f32
    %le3A_16 = vector.broadcast %le3A : f32 to vector<128x8192xf32>
    %le3A_17 = arith.cmpf ole, %sub3A, %le3A_16 : vector<128x8192xf32>
    %jit3A = arith.constant 1.000000e+30 : f32
    %broadcast_in_dim3A_18 = vector.broadcast %jit3A : f32 to vector<128x8192xf32>
    %select_n3A = arith.select %le3A_17, %sub3A, %broadcast_in_dim3A_18 : vector<128x8192xi1>, vector<128x8192xf32>
    %reduce_min3A = arith.constant dense<0x7F800000> : vector<128xf32>
    %reduce_min3A_19 = vector.multi_reduction <minimumf>, %select_n3A, %reduce_min3A [1] : vector<128x8192xf32> to vector<128xf32>
    %broadcast_in_dim3A_20 = vector.shape_cast %reduce_min3A_19 : vector<128xf32> to vector<128x1xf32>
    %eq3A = vector.broadcast %broadcast_in_dim3A_20 : vector<128x1xf32> to vector<128x8192xf32>
    %eq3A_21 = arith.cmpf oeq, %select_n3A, %eq3A : vector<128x8192xf32>
    %jit3A_22 = arith.constant 8192 : i32
    %broadcast_in_dim3A_23 = vector.broadcast %jit3A_22 : i32 to vector<128x8192xi32>
    %select_n3A_24 = arith.select %eq3A_21, %iota3A, %broadcast_in_dim3A_23 : vector<128x8192xi1>, vector<128x8192xi32>
    %reduce_min3A_25 = arith.constant dense<2147483647> : vector<128xi32>
    %reduce_min3A_26 = vector.multi_reduction <minsi>, %select_n3A_24, %reduce_min3A_25 [1] : vector<128x8192xi32> to vector<128xi32>
    %broadcast_in_dim3A_27 = vector.shape_cast %reduce_min3A_26 : vector<128xi32> to vector<128x1xi32>
    %squeeze3A = vector.shape_cast %broadcast_in_dim3A_20 : vector<128x1xf32> to vector<128xf32>
    %lt3A = arith.constant 5.000000e+29 : f32
    %lt3A_28 = vector.broadcast %lt3A : f32 to vector<128xf32>
    %lt3A_29 = arith.cmpf olt, %squeeze3A, %lt3A_28 : vector<128xf32>
    %squeeze3A_30 = vector.shape_cast %broadcast_in_dim3A_27 : vector<128x1xi32> to vector<128xi32>
    %jit3A_31 = arith.constant -1 : i32
    %broadcast_in_dim3A_32 = vector.broadcast %jit3A_31 : i32 to vector<128xi32>
    %select_n3A_33 = arith.select %lt3A_29, %squeeze3A_30, %broadcast_in_dim3A_32 : vector<128xi1>, vector<128xi32>
    %eq3A_34 = vector.broadcast %broadcast_in_dim3A_27 : vector<128x1xi32> to vector<128x8192xi32>
    %eq3A_35 = arith.cmpi eq, %iota3A, %eq3A_34 : vector<128x8192xi32>
    %jit3A_36 = arith.constant 1.000000e+30 : f32
    %broadcast_in_dim3A_37 = vector.broadcast %jit3A_36 : f32 to vector<128x8192xf32>
    %select_n3A_38 = arith.select %eq3A_35, %broadcast_in_dim3A_37, %select_n3A : vector<128x8192xi1>, vector<128x8192xf32>
    %reduce_min3A_39 = arith.constant dense<0x7F800000> : vector<128xf32>
    %reduce_min3A_40 = vector.multi_reduction <minimumf>, %select_n3A_38, %reduce_min3A_39 [1] : vector<128x8192xf32> to vector<128xf32>
    %broadcast_in_dim3A_41 = vector.shape_cast %reduce_min3A_40 : vector<128xf32> to vector<128x1xf32>
    %eq3A_42 = vector.broadcast %broadcast_in_dim3A_41 : vector<128x1xf32> to vector<128x8192xf32>
    %eq3A_43 = arith.cmpf oeq, %select_n3A_38, %eq3A_42 : vector<128x8192xf32>
    %jit3A_44 = arith.constant 8192 : i32
    %broadcast_in_dim3A_45 = vector.broadcast %jit3A_44 : i32 to vector<128x8192xi32>
    %select_n3A_46 = arith.select %eq3A_43, %iota3A, %broadcast_in_dim3A_45 : vector<128x8192xi1>, vector<128x8192xi32>
    %reduce_min3A_47 = arith.constant dense<2147483647> : vector<128xi32>
    %reduce_min3A_48 = vector.multi_reduction <minsi>, %select_n3A_46, %reduce_min3A_47 [1] : vector<128x8192xi32> to vector<128xi32>
    %broadcast_in_dim3A_49 = vector.shape_cast %reduce_min3A_48 : vector<128xi32> to vector<128x1xi32>
    %squeeze3A_50 = vector.shape_cast %broadcast_in_dim3A_41 : vector<128x1xf32> to vector<128xf32>
    %lt3A_51 = arith.constant 5.000000e+29 : f32
    %lt3A_52 = vector.broadcast %lt3A_51 : f32 to vector<128xf32>
    %lt3A_53 = arith.cmpf olt, %squeeze3A_50, %lt3A_52 : vector<128xf32>
    %squeeze3A_54 = vector.shape_cast %broadcast_in_dim3A_49 : vector<128x1xi32> to vector<128xi32>
    %jit3A_55 = arith.constant -1 : i32
    %broadcast_in_dim3A_56 = vector.broadcast %jit3A_55 : i32 to vector<128xi32>
    %select_n3A_57 = arith.select %lt3A_53, %squeeze3A_54, %broadcast_in_dim3A_56 : vector<128xi1>, vector<128xi32>
    %eq3A_58 = vector.broadcast %broadcast_in_dim3A_49 : vector<128x1xi32> to vector<128x8192xi32>
    %eq3A_59 = arith.cmpi eq, %iota3A, %eq3A_58 : vector<128x8192xi32>
    %jit3A_60 = arith.constant 1.000000e+30 : f32
    %broadcast_in_dim3A_61 = vector.broadcast %jit3A_60 : f32 to vector<128x8192xf32>
    %select_n3A_62 = arith.select %eq3A_59, %broadcast_in_dim3A_61, %select_n3A_38 : vector<128x8192xi1>, vector<128x8192xf32>
    %reduce_min3A_63 = arith.constant dense<0x7F800000> : vector<128xf32>
    %reduce_min3A_64 = vector.multi_reduction <minimumf>, %select_n3A_62, %reduce_min3A_63 [1] : vector<128x8192xf32> to vector<128xf32>
    %broadcast_in_dim3A_65 = vector.shape_cast %reduce_min3A_64 : vector<128xf32> to vector<128x1xf32>
    %eq3A_66 = vector.broadcast %broadcast_in_dim3A_65 : vector<128x1xf32> to vector<128x8192xf32>
    %eq3A_67 = arith.cmpf oeq, %select_n3A_62, %eq3A_66 : vector<128x8192xf32>
    %jit3A_68 = arith.constant 8192 : i32
    %broadcast_in_dim3A_69 = vector.broadcast %jit3A_68 : i32 to vector<128x8192xi32>
    %select_n3A_70 = arith.select %eq3A_67, %iota3A, %broadcast_in_dim3A_69 : vector<128x8192xi1>, vector<128x8192xi32>
    %reduce_min3A_71 = arith.constant dense<2147483647> : vector<128xi32>
    %reduce_min3A_72 = vector.multi_reduction <minsi>, %select_n3A_70, %reduce_min3A_71 [1] : vector<128x8192xi32> to vector<128xi32>
    %broadcast_in_dim3A_73 = vector.shape_cast %reduce_min3A_72 : vector<128xi32> to vector<128x1xi32>
    %squeeze3A_74 = vector.shape_cast %broadcast_in_dim3A_65 : vector<128x1xf32> to vector<128xf32>
    %lt3A_75 = arith.constant 5.000000e+29 : f32
    %lt3A_76 = vector.broadcast %lt3A_75 : f32 to vector<128xf32>
    %lt3A_77 = arith.cmpf olt, %squeeze3A_74, %lt3A_76 : vector<128xf32>
    %squeeze3A_78 = vector.shape_cast %broadcast_in_dim3A_73 : vector<128x1xi32> to vector<128xi32>
    %jit3A_79 = arith.constant -1 : i32
    %broadcast_in_dim3A_80 = vector.broadcast %jit3A_79 : i32 to vector<128xi32>
    %select_n3A_81 = arith.select %lt3A_77, %squeeze3A_78, %broadcast_in_dim3A_80 : vector<128xi1>, vector<128xi32>
    %eq3A_82 = vector.broadcast %broadcast_in_dim3A_73 : vector<128x1xi32> to vector<128x8192xi32>
    %eq3A_83 = arith.cmpi eq, %iota3A, %eq3A_82 : vector<128x8192xi32>
    %jit3A_84 = arith.constant 1.000000e+30 : f32
    %broadcast_in_dim3A_85 = vector.broadcast %jit3A_84 : f32 to vector<128x8192xf32>
    %select_n3A_86 = arith.select %eq3A_83, %broadcast_in_dim3A_85, %select_n3A_62 : vector<128x8192xi1>, vector<128x8192xf32>
    %reduce_min3A_87 = arith.constant dense<0x7F800000> : vector<128xf32>
    %reduce_min3A_88 = vector.multi_reduction <minimumf>, %select_n3A_86, %reduce_min3A_87 [1] : vector<128x8192xf32> to vector<128xf32>
    %broadcast_in_dim3A_89 = vector.shape_cast %reduce_min3A_88 : vector<128xf32> to vector<128x1xf32>
    %eq3A_90 = vector.broadcast %broadcast_in_dim3A_89 : vector<128x1xf32> to vector<128x8192xf32>
    %eq3A_91 = arith.cmpf oeq, %select_n3A_86, %eq3A_90 : vector<128x8192xf32>
    %jit3A_92 = arith.constant 8192 : i32
    %broadcast_in_dim3A_93 = vector.broadcast %jit3A_92 : i32 to vector<128x8192xi32>
    %select_n3A_94 = arith.select %eq3A_91, %iota3A, %broadcast_in_dim3A_93 : vector<128x8192xi1>, vector<128x8192xi32>
    %reduce_min3A_95 = arith.constant dense<2147483647> : vector<128xi32>
    %reduce_min3A_96 = vector.multi_reduction <minsi>, %select_n3A_94, %reduce_min3A_95 [1] : vector<128x8192xi32> to vector<128xi32>
    %broadcast_in_dim3A_97 = vector.shape_cast %reduce_min3A_96 : vector<128xi32> to vector<128x1xi32>
    %squeeze3A_98 = vector.shape_cast %broadcast_in_dim3A_89 : vector<128x1xf32> to vector<128xf32>
    %lt3A_99 = arith.constant 5.000000e+29 : f32
    %lt3A_100 = vector.broadcast %lt3A_99 : f32 to vector<128xf32>
    %lt3A_101 = arith.cmpf olt, %squeeze3A_98, %lt3A_100 : vector<128xf32>
    %squeeze3A_102 = vector.shape_cast %broadcast_in_dim3A_97 : vector<128x1xi32> to vector<128xi32>
    %jit3A_103 = arith.constant -1 : i32
    %broadcast_in_dim3A_104 = vector.broadcast %jit3A_103 : i32 to vector<128xi32>
    %select_n3A_105 = arith.select %lt3A_101, %squeeze3A_102, %broadcast_in_dim3A_104 : vector<128xi1>, vector<128xi32>
    %eq3A_106 = vector.broadcast %broadcast_in_dim3A_97 : vector<128x1xi32> to vector<128x8192xi32>
    %eq3A_107 = arith.cmpi eq, %iota3A, %eq3A_106 : vector<128x8192xi32>
    %jit3A_108 = arith.constant 1.000000e+30 : f32
    %broadcast_in_dim3A_109 = vector.broadcast %jit3A_108 : f32 to vector<128x8192xf32>
    %select_n3A_110 = arith.select %eq3A_107, %broadcast_in_dim3A_109, %select_n3A_86 : vector<128x8192xi1>, vector<128x8192xf32>
    %reduce_min3A_111 = arith.constant dense<0x7F800000> : vector<128xf32>
    %reduce_min3A_112 = vector.multi_reduction <minimumf>, %select_n3A_110, %reduce_min3A_111 [1] : vector<128x8192xf32> to vector<128xf32>
    %broadcast_in_dim3A_113 = vector.shape_cast %reduce_min3A_112 : vector<128xf32> to vector<128x1xf32>
    %eq3A_114 = vector.broadcast %broadcast_in_dim3A_113 : vector<128x1xf32> to vector<128x8192xf32>
    %eq3A_115 = arith.cmpf oeq, %select_n3A_110, %eq3A_114 : vector<128x8192xf32>
    %jit3A_116 = arith.constant 8192 : i32
    %broadcast_in_dim3A_117 = vector.broadcast %jit3A_116 : i32 to vector<128x8192xi32>
    %select_n3A_118 = arith.select %eq3A_115, %iota3A, %broadcast_in_dim3A_117 : vector<128x8192xi1>, vector<128x8192xi32>
    %reduce_min3A_119 = arith.constant dense<2147483647> : vector<128xi32>
    %reduce_min3A_120 = vector.multi_reduction <minsi>, %select_n3A_118, %reduce_min3A_119 [1] : vector<128x8192xi32> to vector<128xi32>
    %broadcast_in_dim3A_121 = vector.shape_cast %reduce_min3A_120 : vector<128xi32> to vector<128x1xi32>
    %squeeze3A_122 = vector.shape_cast %broadcast_in_dim3A_113 : vector<128x1xf32> to vector<128xf32>
    %lt3A_123 = arith.constant 5.000000e+29 : f32
    %lt3A_124 = vector.broadcast %lt3A_123 : f32 to vector<128xf32>
    %lt3A_125 = arith.cmpf olt, %squeeze3A_122, %lt3A_124 : vector<128xf32>
    %squeeze3A_126 = vector.shape_cast %broadcast_in_dim3A_121 : vector<128x1xi32> to vector<128xi32>
    %jit3A_127 = arith.constant -1 : i32
    %broadcast_in_dim3A_128 = vector.broadcast %jit3A_127 : i32 to vector<128xi32>
    %select_n3A_129 = arith.select %lt3A_125, %squeeze3A_126, %broadcast_in_dim3A_128 : vector<128xi1>, vector<128xi32>
    %eq3A_130 = vector.broadcast %broadcast_in_dim3A_121 : vector<128x1xi32> to vector<128x8192xi32>
    %eq3A_131 = arith.cmpi eq, %iota3A, %eq3A_130 : vector<128x8192xi32>
    %jit3A_132 = arith.constant 1.000000e+30 : f32
    %broadcast_in_dim3A_133 = vector.broadcast %jit3A_132 : f32 to vector<128x8192xf32>
    %select_n3A_134 = arith.select %eq3A_131, %broadcast_in_dim3A_133, %select_n3A_110 : vector<128x8192xi1>, vector<128x8192xf32>
    %reduce_min3A_135 = arith.constant dense<0x7F800000> : vector<128xf32>
    %reduce_min3A_136 = vector.multi_reduction <minimumf>, %select_n3A_134, %reduce_min3A_135 [1] : vector<128x8192xf32> to vector<128xf32>
    %broadcast_in_dim3A_137 = vector.shape_cast %reduce_min3A_136 : vector<128xf32> to vector<128x1xf32>
    %eq3A_138 = vector.broadcast %broadcast_in_dim3A_137 : vector<128x1xf32> to vector<128x8192xf32>
    %eq3A_139 = arith.cmpf oeq, %select_n3A_134, %eq3A_138 : vector<128x8192xf32>
    %jit3A_140 = arith.constant 8192 : i32
    %broadcast_in_dim3A_141 = vector.broadcast %jit3A_140 : i32 to vector<128x8192xi32>
    %select_n3A_142 = arith.select %eq3A_139, %iota3A, %broadcast_in_dim3A_141 : vector<128x8192xi1>, vector<128x8192xi32>
    %reduce_min3A_143 = arith.constant dense<2147483647> : vector<128xi32>
    %reduce_min3A_144 = vector.multi_reduction <minsi>, %select_n3A_142, %reduce_min3A_143 [1] : vector<128x8192xi32> to vector<128xi32>
    %broadcast_in_dim3A_145 = vector.shape_cast %reduce_min3A_144 : vector<128xi32> to vector<128x1xi32>
    %squeeze3A_146 = vector.shape_cast %broadcast_in_dim3A_137 : vector<128x1xf32> to vector<128xf32>
    %lt3A_147 = arith.constant 5.000000e+29 : f32
    %lt3A_148 = vector.broadcast %lt3A_147 : f32 to vector<128xf32>
    %lt3A_149 = arith.cmpf olt, %squeeze3A_146, %lt3A_148 : vector<128xf32>
    %squeeze3A_150 = vector.shape_cast %broadcast_in_dim3A_145 : vector<128x1xi32> to vector<128xi32>
    %jit3A_151 = arith.constant -1 : i32
    %broadcast_in_dim3A_152 = vector.broadcast %jit3A_151 : i32 to vector<128xi32>
    %select_n3A_153 = arith.select %lt3A_149, %squeeze3A_150, %broadcast_in_dim3A_152 : vector<128xi1>, vector<128xi32>
    %eq3A_154 = vector.broadcast %broadcast_in_dim3A_145 : vector<128x1xi32> to vector<128x8192xi32>
    %eq3A_155 = arith.cmpi eq, %iota3A, %eq3A_154 : vector<128x8192xi32>
    %jit3A_156 = arith.constant 1.000000e+30 : f32
    %broadcast_in_dim3A_157 = vector.broadcast %jit3A_156 : f32 to vector<128x8192xf32>
    %select_n3A_158 = arith.select %eq3A_155, %broadcast_in_dim3A_157, %select_n3A_134 : vector<128x8192xi1>, vector<128x8192xf32>
    %reduce_min3A_159 = arith.constant dense<0x7F800000> : vector<128xf32>
    %reduce_min3A_160 = vector.multi_reduction <minimumf>, %select_n3A_158, %reduce_min3A_159 [1] : vector<128x8192xf32> to vector<128xf32>
    %broadcast_in_dim3A_161 = vector.shape_cast %reduce_min3A_160 : vector<128xf32> to vector<128x1xf32>
    %eq3A_162 = vector.broadcast %broadcast_in_dim3A_161 : vector<128x1xf32> to vector<128x8192xf32>
    %eq3A_163 = arith.cmpf oeq, %select_n3A_158, %eq3A_162 : vector<128x8192xf32>
    %jit3A_164 = arith.constant 8192 : i32
    %broadcast_in_dim3A_165 = vector.broadcast %jit3A_164 : i32 to vector<128x8192xi32>
    %select_n3A_166 = arith.select %eq3A_163, %iota3A, %broadcast_in_dim3A_165 : vector<128x8192xi1>, vector<128x8192xi32>
    %reduce_min3A_167 = arith.constant dense<2147483647> : vector<128xi32>
    %reduce_min3A_168 = vector.multi_reduction <minsi>, %select_n3A_166, %reduce_min3A_167 [1] : vector<128x8192xi32> to vector<128xi32>
    %broadcast_in_dim3A_169 = vector.shape_cast %reduce_min3A_168 : vector<128xi32> to vector<128x1xi32>
    %squeeze3A_170 = vector.shape_cast %broadcast_in_dim3A_161 : vector<128x1xf32> to vector<128xf32>
    %lt3A_171 = arith.constant 5.000000e+29 : f32
    %lt3A_172 = vector.broadcast %lt3A_171 : f32 to vector<128xf32>
    %lt3A_173 = arith.cmpf olt, %squeeze3A_170, %lt3A_172 : vector<128xf32>
    %squeeze3A_174 = vector.shape_cast %broadcast_in_dim3A_169 : vector<128x1xi32> to vector<128xi32>
    %jit3A_175 = arith.constant -1 : i32
    %broadcast_in_dim3A_176 = vector.broadcast %jit3A_175 : i32 to vector<128xi32>
    %select_n3A_177 = arith.select %lt3A_173, %squeeze3A_174, %broadcast_in_dim3A_176 : vector<128xi1>, vector<128xi32>
    %eq3A_178 = vector.broadcast %broadcast_in_dim3A_169 : vector<128x1xi32> to vector<128x8192xi32>
    %eq3A_179 = arith.cmpi eq, %iota3A, %eq3A_178 : vector<128x8192xi32>
    %jit3A_180 = arith.constant 1.000000e+30 : f32
    %broadcast_in_dim3A_181 = vector.broadcast %jit3A_180 : f32 to vector<128x8192xf32>
    %select_n3A_182 = arith.select %eq3A_179, %broadcast_in_dim3A_181, %select_n3A_158 : vector<128x8192xi1>, vector<128x8192xf32>
    %reduce_min3A_183 = arith.constant dense<0x7F800000> : vector<128xf32>
    %reduce_min3A_184 = vector.multi_reduction <minimumf>, %select_n3A_182, %reduce_min3A_183 [1] : vector<128x8192xf32> to vector<128xf32>
    %broadcast_in_dim3A_185 = vector.shape_cast %reduce_min3A_184 : vector<128xf32> to vector<128x1xf32>
    %eq3A_186 = vector.broadcast %broadcast_in_dim3A_185 : vector<128x1xf32> to vector<128x8192xf32>
    %eq3A_187 = arith.cmpf oeq, %select_n3A_182, %eq3A_186 : vector<128x8192xf32>
    %jit3A_188 = arith.constant 8192 : i32
    %broadcast_in_dim3A_189 = vector.broadcast %jit3A_188 : i32 to vector<128x8192xi32>
    %select_n3A_190 = arith.select %eq3A_187, %iota3A, %broadcast_in_dim3A_189 : vector<128x8192xi1>, vector<128x8192xi32>
    %reduce_min3A_191 = arith.constant dense<2147483647> : vector<128xi32>
    %reduce_min3A_192 = vector.multi_reduction <minsi>, %select_n3A_190, %reduce_min3A_191 [1] : vector<128x8192xi32> to vector<128xi32>
    %broadcast_in_dim3A_193 = vector.shape_cast %reduce_min3A_192 : vector<128xi32> to vector<128x1xi32>
    %squeeze3A_194 = vector.shape_cast %broadcast_in_dim3A_185 : vector<128x1xf32> to vector<128xf32>
    %lt3A_195 = arith.constant 5.000000e+29 : f32
    %lt3A_196 = vector.broadcast %lt3A_195 : f32 to vector<128xf32>
    %lt3A_197 = arith.cmpf olt, %squeeze3A_194, %lt3A_196 : vector<128xf32>
    %squeeze3A_198 = vector.shape_cast %broadcast_in_dim3A_193 : vector<128x1xi32> to vector<128xi32>
    %jit3A_199 = arith.constant -1 : i32
    %broadcast_in_dim3A_200 = vector.broadcast %jit3A_199 : i32 to vector<128xi32>
    %select_n3A_201 = arith.select %lt3A_197, %squeeze3A_198, %broadcast_in_dim3A_200 : vector<128xi1>, vector<128xi32>
    %eq3A_202 = vector.broadcast %broadcast_in_dim3A_193 : vector<128x1xi32> to vector<128x8192xi32>
    %eq3A_203 = arith.cmpi eq, %iota3A, %eq3A_202 : vector<128x8192xi32>
    %jit3A_204 = arith.constant 1.000000e+30 : f32
    %broadcast_in_dim3A_205 = vector.broadcast %jit3A_204 : f32 to vector<128x8192xf32>
    %select_n3A_206 = arith.select %eq3A_203, %broadcast_in_dim3A_205, %select_n3A_182 : vector<128x8192xi1>, vector<128x8192xf32>
    %reduce_min3A_207 = arith.constant dense<0x7F800000> : vector<128xf32>
    %reduce_min3A_208 = vector.multi_reduction <minimumf>, %select_n3A_206, %reduce_min3A_207 [1] : vector<128x8192xf32> to vector<128xf32>
    %broadcast_in_dim3A_209 = vector.shape_cast %reduce_min3A_208 : vector<128xf32> to vector<128x1xf32>
    %eq3A_210 = vector.broadcast %broadcast_in_dim3A_209 : vector<128x1xf32> to vector<128x8192xf32>
    %eq3A_211 = arith.cmpf oeq, %select_n3A_206, %eq3A_210 : vector<128x8192xf32>
    %jit3A_212 = arith.constant 8192 : i32
    %broadcast_in_dim3A_213 = vector.broadcast %jit3A_212 : i32 to vector<128x8192xi32>
    %select_n3A_214 = arith.select %eq3A_211, %iota3A, %broadcast_in_dim3A_213 : vector<128x8192xi1>, vector<128x8192xi32>
    %reduce_min3A_215 = arith.constant dense<2147483647> : vector<128xi32>
    %reduce_min3A_216 = vector.multi_reduction <minsi>, %select_n3A_214, %reduce_min3A_215 [1] : vector<128x8192xi32> to vector<128xi32>
    %broadcast_in_dim3A_217 = vector.shape_cast %reduce_min3A_216 : vector<128xi32> to vector<128x1xi32>
    %squeeze3A_218 = vector.shape_cast %broadcast_in_dim3A_209 : vector<128x1xf32> to vector<128xf32>
    %lt3A_219 = arith.constant 5.000000e+29 : f32
    %lt3A_220 = vector.broadcast %lt3A_219 : f32 to vector<128xf32>
    %lt3A_221 = arith.cmpf olt, %squeeze3A_218, %lt3A_220 : vector<128xf32>
    %squeeze3A_222 = vector.shape_cast %broadcast_in_dim3A_217 : vector<128x1xi32> to vector<128xi32>
    %jit3A_223 = arith.constant -1 : i32
    %broadcast_in_dim3A_224 = vector.broadcast %jit3A_223 : i32 to vector<128xi32>
    %select_n3A_225 = arith.select %lt3A_221, %squeeze3A_222, %broadcast_in_dim3A_224 : vector<128xi1>, vector<128xi32>
    %eq3A_226 = vector.broadcast %broadcast_in_dim3A_217 : vector<128x1xi32> to vector<128x8192xi32>
    %eq3A_227 = arith.cmpi eq, %iota3A, %eq3A_226 : vector<128x8192xi32>
    %jit3A_228 = arith.constant 1.000000e+30 : f32
    %broadcast_in_dim3A_229 = vector.broadcast %jit3A_228 : f32 to vector<128x8192xf32>
    %select_n3A_230 = arith.select %eq3A_227, %broadcast_in_dim3A_229, %select_n3A_206 : vector<128x8192xi1>, vector<128x8192xf32>
    %reduce_min3A_231 = arith.constant dense<0x7F800000> : vector<128xf32>
    %reduce_min3A_232 = vector.multi_reduction <minimumf>, %select_n3A_230, %reduce_min3A_231 [1] : vector<128x8192xf32> to vector<128xf32>
    %broadcast_in_dim3A_233 = vector.shape_cast %reduce_min3A_232 : vector<128xf32> to vector<128x1xf32>
    %eq3A_234 = vector.broadcast %broadcast_in_dim3A_233 : vector<128x1xf32> to vector<128x8192xf32>
    %eq3A_235 = arith.cmpf oeq, %select_n3A_230, %eq3A_234 : vector<128x8192xf32>
    %jit3A_236 = arith.constant 8192 : i32
    %broadcast_in_dim3A_237 = vector.broadcast %jit3A_236 : i32 to vector<128x8192xi32>
    %select_n3A_238 = arith.select %eq3A_235, %iota3A, %broadcast_in_dim3A_237 : vector<128x8192xi1>, vector<128x8192xi32>
    %reduce_min3A_239 = arith.constant dense<2147483647> : vector<128xi32>
    %reduce_min3A_240 = vector.multi_reduction <minsi>, %select_n3A_238, %reduce_min3A_239 [1] : vector<128x8192xi32> to vector<128xi32>
    %broadcast_in_dim3A_241 = vector.shape_cast %reduce_min3A_240 : vector<128xi32> to vector<128x1xi32>
    %squeeze3A_242 = vector.shape_cast %broadcast_in_dim3A_233 : vector<128x1xf32> to vector<128xf32>
    %lt3A_243 = arith.constant 5.000000e+29 : f32
    %lt3A_244 = vector.broadcast %lt3A_243 : f32 to vector<128xf32>
    %lt3A_245 = arith.cmpf olt, %squeeze3A_242, %lt3A_244 : vector<128xf32>
    %squeeze3A_246 = vector.shape_cast %broadcast_in_dim3A_241 : vector<128x1xi32> to vector<128xi32>
    %jit3A_247 = arith.constant -1 : i32
    %broadcast_in_dim3A_248 = vector.broadcast %jit3A_247 : i32 to vector<128xi32>
    %select_n3A_249 = arith.select %lt3A_245, %squeeze3A_246, %broadcast_in_dim3A_248 : vector<128xi1>, vector<128xi32>
    %eq3A_250 = vector.broadcast %broadcast_in_dim3A_241 : vector<128x1xi32> to vector<128x8192xi32>
    %eq3A_251 = arith.cmpi eq, %iota3A, %eq3A_250 : vector<128x8192xi32>
    %jit3A_252 = arith.constant 1.000000e+30 : f32
    %broadcast_in_dim3A_253 = vector.broadcast %jit3A_252 : f32 to vector<128x8192xf32>
    %select_n3A_254 = arith.select %eq3A_251, %broadcast_in_dim3A_253, %select_n3A_230 : vector<128x8192xi1>, vector<128x8192xf32>
    %reduce_min3A_255 = arith.constant dense<0x7F800000> : vector<128xf32>
    %reduce_min3A_256 = vector.multi_reduction <minimumf>, %select_n3A_254, %reduce_min3A_255 [1] : vector<128x8192xf32> to vector<128xf32>
    %broadcast_in_dim3A_257 = vector.shape_cast %reduce_min3A_256 : vector<128xf32> to vector<128x1xf32>
    %eq3A_258 = vector.broadcast %broadcast_in_dim3A_257 : vector<128x1xf32> to vector<128x8192xf32>
    %eq3A_259 = arith.cmpf oeq, %select_n3A_254, %eq3A_258 : vector<128x8192xf32>
    %jit3A_260 = arith.constant 8192 : i32
    %broadcast_in_dim3A_261 = vector.broadcast %jit3A_260 : i32 to vector<128x8192xi32>
    %select_n3A_262 = arith.select %eq3A_259, %iota3A, %broadcast_in_dim3A_261 : vector<128x8192xi1>, vector<128x8192xi32>
    %reduce_min3A_263 = arith.constant dense<2147483647> : vector<128xi32>
    %reduce_min3A_264 = vector.multi_reduction <minsi>, %select_n3A_262, %reduce_min3A_263 [1] : vector<128x8192xi32> to vector<128xi32>
    %broadcast_in_dim3A_265 = vector.shape_cast %reduce_min3A_264 : vector<128xi32> to vector<128x1xi32>
    %squeeze3A_266 = vector.shape_cast %broadcast_in_dim3A_257 : vector<128x1xf32> to vector<128xf32>
    %lt3A_267 = arith.constant 5.000000e+29 : f32
    %lt3A_268 = vector.broadcast %lt3A_267 : f32 to vector<128xf32>
    %lt3A_269 = arith.cmpf olt, %squeeze3A_266, %lt3A_268 : vector<128xf32>
    %squeeze3A_270 = vector.shape_cast %broadcast_in_dim3A_265 : vector<128x1xi32> to vector<128xi32>
    %jit3A_271 = arith.constant -1 : i32
    %broadcast_in_dim3A_272 = vector.broadcast %jit3A_271 : i32 to vector<128xi32>
    %select_n3A_273 = arith.select %lt3A_269, %squeeze3A_270, %broadcast_in_dim3A_272 : vector<128xi1>, vector<128xi32>
    %eq3A_274 = vector.broadcast %broadcast_in_dim3A_265 : vector<128x1xi32> to vector<128x8192xi32>
    %eq3A_275 = arith.cmpi eq, %iota3A, %eq3A_274 : vector<128x8192xi32>
    %jit3A_276 = arith.constant 1.000000e+30 : f32
    %broadcast_in_dim3A_277 = vector.broadcast %jit3A_276 : f32 to vector<128x8192xf32>
    %select_n3A_278 = arith.select %eq3A_275, %broadcast_in_dim3A_277, %select_n3A_254 : vector<128x8192xi1>, vector<128x8192xf32>
    %reduce_min3A_279 = arith.constant dense<0x7F800000> : vector<128xf32>
    %reduce_min3A_280 = vector.multi_reduction <minimumf>, %select_n3A_278, %reduce_min3A_279 [1] : vector<128x8192xf32> to vector<128xf32>
    %broadcast_in_dim3A_281 = vector.shape_cast %reduce_min3A_280 : vector<128xf32> to vector<128x1xf32>
    %eq3A_282 = vector.broadcast %broadcast_in_dim3A_281 : vector<128x1xf32> to vector<128x8192xf32>
    %eq3A_283 = arith.cmpf oeq, %select_n3A_278, %eq3A_282 : vector<128x8192xf32>
    %jit3A_284 = arith.constant 8192 : i32
    %broadcast_in_dim3A_285 = vector.broadcast %jit3A_284 : i32 to vector<128x8192xi32>
    %select_n3A_286 = arith.select %eq3A_283, %iota3A, %broadcast_in_dim3A_285 : vector<128x8192xi1>, vector<128x8192xi32>
    %reduce_min3A_287 = arith.constant dense<2147483647> : vector<128xi32>
    %reduce_min3A_288 = vector.multi_reduction <minsi>, %select_n3A_286, %reduce_min3A_287 [1] : vector<128x8192xi32> to vector<128xi32>
    %broadcast_in_dim3A_289 = vector.shape_cast %reduce_min3A_288 : vector<128xi32> to vector<128x1xi32>
    %squeeze3A_290 = vector.shape_cast %broadcast_in_dim3A_281 : vector<128x1xf32> to vector<128xf32>
    %lt3A_291 = arith.constant 5.000000e+29 : f32
    %lt3A_292 = vector.broadcast %lt3A_291 : f32 to vector<128xf32>
    %lt3A_293 = arith.cmpf olt, %squeeze3A_290, %lt3A_292 : vector<128xf32>
    %squeeze3A_294 = vector.shape_cast %broadcast_in_dim3A_289 : vector<128x1xi32> to vector<128xi32>
    %jit3A_295 = arith.constant -1 : i32
    %broadcast_in_dim3A_296 = vector.broadcast %jit3A_295 : i32 to vector<128xi32>
    %select_n3A_297 = arith.select %lt3A_293, %squeeze3A_294, %broadcast_in_dim3A_296 : vector<128xi1>, vector<128xi32>
    %eq3A_298 = vector.broadcast %broadcast_in_dim3A_289 : vector<128x1xi32> to vector<128x8192xi32>
    %eq3A_299 = arith.cmpi eq, %iota3A, %eq3A_298 : vector<128x8192xi32>
    %jit3A_300 = arith.constant 1.000000e+30 : f32
    %broadcast_in_dim3A_301 = vector.broadcast %jit3A_300 : f32 to vector<128x8192xf32>
    %select_n3A_302 = arith.select %eq3A_299, %broadcast_in_dim3A_301, %select_n3A_278 : vector<128x8192xi1>, vector<128x8192xf32>
    %reduce_min3A_303 = arith.constant dense<0x7F800000> : vector<128xf32>
    %reduce_min3A_304 = vector.multi_reduction <minimumf>, %select_n3A_302, %reduce_min3A_303 [1] : vector<128x8192xf32> to vector<128xf32>
    %broadcast_in_dim3A_305 = vector.shape_cast %reduce_min3A_304 : vector<128xf32> to vector<128x1xf32>
    %eq3A_306 = vector.broadcast %broadcast_in_dim3A_305 : vector<128x1xf32> to vector<128x8192xf32>
    %eq3A_307 = arith.cmpf oeq, %select_n3A_302, %eq3A_306 : vector<128x8192xf32>
    %jit3A_308 = arith.constant 8192 : i32
    %broadcast_in_dim3A_309 = vector.broadcast %jit3A_308 : i32 to vector<128x8192xi32>
    %select_n3A_310 = arith.select %eq3A_307, %iota3A, %broadcast_in_dim3A_309 : vector<128x8192xi1>, vector<128x8192xi32>
    %reduce_min3A_311 = arith.constant dense<2147483647> : vector<128xi32>
    %reduce_min3A_312 = vector.multi_reduction <minsi>, %select_n3A_310, %reduce_min3A_311 [1] : vector<128x8192xi32> to vector<128xi32>
    %broadcast_in_dim3A_313 = vector.shape_cast %reduce_min3A_312 : vector<128xi32> to vector<128x1xi32>
    %squeeze3A_314 = vector.shape_cast %broadcast_in_dim3A_305 : vector<128x1xf32> to vector<128xf32>
    %lt3A_315 = arith.constant 5.000000e+29 : f32
    %lt3A_316 = vector.broadcast %lt3A_315 : f32 to vector<128xf32>
    %lt3A_317 = arith.cmpf olt, %squeeze3A_314, %lt3A_316 : vector<128xf32>
    %squeeze3A_318 = vector.shape_cast %broadcast_in_dim3A_313 : vector<128x1xi32> to vector<128xi32>
    %jit3A_319 = arith.constant -1 : i32
    %broadcast_in_dim3A_320 = vector.broadcast %jit3A_319 : i32 to vector<128xi32>
    %select_n3A_321 = arith.select %lt3A_317, %squeeze3A_318, %broadcast_in_dim3A_320 : vector<128xi1>, vector<128xi32>
    %eq3A_322 = vector.broadcast %broadcast_in_dim3A_313 : vector<128x1xi32> to vector<128x8192xi32>
    %eq3A_323 = arith.cmpi eq, %iota3A, %eq3A_322 : vector<128x8192xi32>
    %jit3A_324 = arith.constant 1.000000e+30 : f32
    %broadcast_in_dim3A_325 = vector.broadcast %jit3A_324 : f32 to vector<128x8192xf32>
    %select_n3A_326 = arith.select %eq3A_323, %broadcast_in_dim3A_325, %select_n3A_302 : vector<128x8192xi1>, vector<128x8192xf32>
    %reduce_min3A_327 = arith.constant dense<0x7F800000> : vector<128xf32>
    %reduce_min3A_328 = vector.multi_reduction <minimumf>, %select_n3A_326, %reduce_min3A_327 [1] : vector<128x8192xf32> to vector<128xf32>
    %broadcast_in_dim3A_329 = vector.shape_cast %reduce_min3A_328 : vector<128xf32> to vector<128x1xf32>
    %eq3A_330 = vector.broadcast %broadcast_in_dim3A_329 : vector<128x1xf32> to vector<128x8192xf32>
    %eq3A_331 = arith.cmpf oeq, %select_n3A_326, %eq3A_330 : vector<128x8192xf32>
    %jit3A_332 = arith.constant 8192 : i32
    %broadcast_in_dim3A_333 = vector.broadcast %jit3A_332 : i32 to vector<128x8192xi32>
    %select_n3A_334 = arith.select %eq3A_331, %iota3A, %broadcast_in_dim3A_333 : vector<128x8192xi1>, vector<128x8192xi32>
    %reduce_min3A_335 = arith.constant dense<2147483647> : vector<128xi32>
    %reduce_min3A_336 = vector.multi_reduction <minsi>, %select_n3A_334, %reduce_min3A_335 [1] : vector<128x8192xi32> to vector<128xi32>
    %broadcast_in_dim3A_337 = vector.shape_cast %reduce_min3A_336 : vector<128xi32> to vector<128x1xi32>
    %squeeze3A_338 = vector.shape_cast %broadcast_in_dim3A_329 : vector<128x1xf32> to vector<128xf32>
    %lt3A_339 = arith.constant 5.000000e+29 : f32
    %lt3A_340 = vector.broadcast %lt3A_339 : f32 to vector<128xf32>
    %lt3A_341 = arith.cmpf olt, %squeeze3A_338, %lt3A_340 : vector<128xf32>
    %squeeze3A_342 = vector.shape_cast %broadcast_in_dim3A_337 : vector<128x1xi32> to vector<128xi32>
    %jit3A_343 = arith.constant -1 : i32
    %broadcast_in_dim3A_344 = vector.broadcast %jit3A_343 : i32 to vector<128xi32>
    %select_n3A_345 = arith.select %lt3A_341, %squeeze3A_342, %broadcast_in_dim3A_344 : vector<128xi1>, vector<128xi32>
    %eq3A_346 = vector.broadcast %broadcast_in_dim3A_337 : vector<128x1xi32> to vector<128x8192xi32>
    %eq3A_347 = arith.cmpi eq, %iota3A, %eq3A_346 : vector<128x8192xi32>
    %jit3A_348 = arith.constant 1.000000e+30 : f32
    %broadcast_in_dim3A_349 = vector.broadcast %jit3A_348 : f32 to vector<128x8192xf32>
    %select_n3A_350 = arith.select %eq3A_347, %broadcast_in_dim3A_349, %select_n3A_326 : vector<128x8192xi1>, vector<128x8192xf32>
    %reduce_min3A_351 = arith.constant dense<0x7F800000> : vector<128xf32>
    %reduce_min3A_352 = vector.multi_reduction <minimumf>, %select_n3A_350, %reduce_min3A_351 [1] : vector<128x8192xf32> to vector<128xf32>
    %broadcast_in_dim3A_353 = vector.shape_cast %reduce_min3A_352 : vector<128xf32> to vector<128x1xf32>
    %eq3A_354 = vector.broadcast %broadcast_in_dim3A_353 : vector<128x1xf32> to vector<128x8192xf32>
    %eq3A_355 = arith.cmpf oeq, %select_n3A_350, %eq3A_354 : vector<128x8192xf32>
    %jit3A_356 = arith.constant 8192 : i32
    %broadcast_in_dim3A_357 = vector.broadcast %jit3A_356 : i32 to vector<128x8192xi32>
    %select_n3A_358 = arith.select %eq3A_355, %iota3A, %broadcast_in_dim3A_357 : vector<128x8192xi1>, vector<128x8192xi32>
    %reduce_min3A_359 = arith.constant dense<2147483647> : vector<128xi32>
    %reduce_min3A_360 = vector.multi_reduction <minsi>, %select_n3A_358, %reduce_min3A_359 [1] : vector<128x8192xi32> to vector<128xi32>
    %broadcast_in_dim3A_361 = vector.shape_cast %reduce_min3A_360 : vector<128xi32> to vector<128x1xi32>
    %squeeze3A_362 = vector.shape_cast %broadcast_in_dim3A_353 : vector<128x1xf32> to vector<128xf32>
    %lt3A_363 = arith.constant 5.000000e+29 : f32
    %lt3A_364 = vector.broadcast %lt3A_363 : f32 to vector<128xf32>
    %lt3A_365 = arith.cmpf olt, %squeeze3A_362, %lt3A_364 : vector<128xf32>
    %squeeze3A_366 = vector.shape_cast %broadcast_in_dim3A_361 : vector<128x1xi32> to vector<128xi32>
    %jit3A_367 = arith.constant -1 : i32
    %broadcast_in_dim3A_368 = vector.broadcast %jit3A_367 : i32 to vector<128xi32>
    %select_n3A_369 = arith.select %lt3A_365, %squeeze3A_366, %broadcast_in_dim3A_368 : vector<128xi1>, vector<128xi32>
    %eq3A_370 = vector.broadcast %broadcast_in_dim3A_361 : vector<128x1xi32> to vector<128x8192xi32>
    %eq3A_371 = arith.cmpi eq, %iota3A, %eq3A_370 : vector<128x8192xi32>
    %jit3A_372 = arith.constant 1.000000e+30 : f32
    %broadcast_in_dim3A_373 = vector.broadcast %jit3A_372 : f32 to vector<128x8192xf32>
    %select_n3A_374 = arith.select %eq3A_371, %broadcast_in_dim3A_373, %select_n3A_350 : vector<128x8192xi1>, vector<128x8192xf32>
    %reduce_min3A_375 = arith.constant dense<0x7F800000> : vector<128xf32>
    %reduce_min3A_376 = vector.multi_reduction <minimumf>, %select_n3A_374, %reduce_min3A_375 [1] : vector<128x8192xf32> to vector<128xf32>
    %broadcast_in_dim3A_377 = vector.shape_cast %reduce_min3A_376 : vector<128xf32> to vector<128x1xf32>
    %eq3A_378 = vector.broadcast %broadcast_in_dim3A_377 : vector<128x1xf32> to vector<128x8192xf32>
    %eq3A_379 = arith.cmpf oeq, %select_n3A_374, %eq3A_378 : vector<128x8192xf32>
    %jit3A_380 = arith.constant 8192 : i32
    %broadcast_in_dim3A_381 = vector.broadcast %jit3A_380 : i32 to vector<128x8192xi32>
    %select_n3A_382 = arith.select %eq3A_379, %iota3A, %broadcast_in_dim3A_381 : vector<128x8192xi1>, vector<128x8192xi32>
    %reduce_min3A_383 = arith.constant dense<2147483647> : vector<128xi32>
    %reduce_min3A_384 = vector.multi_reduction <minsi>, %select_n3A_382, %reduce_min3A_383 [1] : vector<128x8192xi32> to vector<128xi32>
    %broadcast_in_dim3A_385 = vector.shape_cast %reduce_min3A_384 : vector<128xi32> to vector<128x1xi32>
    %squeeze3A_386 = vector.shape_cast %broadcast_in_dim3A_377 : vector<128x1xf32> to vector<128xf32>
    %lt3A_387 = arith.constant 5.000000e+29 : f32
    %lt3A_388 = vector.broadcast %lt3A_387 : f32 to vector<128xf32>
    %lt3A_389 = arith.cmpf olt, %squeeze3A_386, %lt3A_388 : vector<128xf32>
    %squeeze3A_390 = vector.shape_cast %broadcast_in_dim3A_385 : vector<128x1xi32> to vector<128xi32>
    %jit3A_391 = arith.constant -1 : i32
    %broadcast_in_dim3A_392 = vector.broadcast %jit3A_391 : i32 to vector<128xi32>
    %select_n3A_393 = arith.select %lt3A_389, %squeeze3A_390, %broadcast_in_dim3A_392 : vector<128xi1>, vector<128xi32>
    %stack3A = vector.shape_cast %select_n3A_33 : vector<128xi32> to vector<128x1xi32>
    %stack3A_394 = vector.shape_cast %select_n3A_57 : vector<128xi32> to vector<128x1xi32>
    %stack3A_395 = vector.shape_cast %select_n3A_81 : vector<128xi32> to vector<128x1xi32>
    %stack3A_396 = vector.shape_cast %select_n3A_105 : vector<128xi32> to vector<128x1xi32>
    %stack3A_397 = vector.shape_cast %select_n3A_129 : vector<128xi32> to vector<128x1xi32>
    %stack3A_398 = vector.shape_cast %select_n3A_153 : vector<128xi32> to vector<128x1xi32>
    %stack3A_399 = vector.shape_cast %select_n3A_177 : vector<128xi32> to vector<128x1xi32>
    %stack3A_400 = vector.shape_cast %select_n3A_201 : vector<128xi32> to vector<128x1xi32>
    %stack3A_401 = vector.shape_cast %select_n3A_225 : vector<128xi32> to vector<128x1xi32>
    %stack3A_402 = vector.shape_cast %select_n3A_249 : vector<128xi32> to vector<128x1xi32>
    %stack3A_403 = vector.shape_cast %select_n3A_273 : vector<128xi32> to vector<128x1xi32>
    %stack3A_404 = vector.shape_cast %select_n3A_297 : vector<128xi32> to vector<128x1xi32>
    %stack3A_405 = vector.shape_cast %select_n3A_321 : vector<128xi32> to vector<128x1xi32>
    %stack3A_406 = vector.shape_cast %select_n3A_345 : vector<128xi32> to vector<128x1xi32>
    %stack3A_407 = vector.shape_cast %select_n3A_369 : vector<128xi32> to vector<128x1xi32>
    %stack3A_408 = vector.shape_cast %select_n3A_393 : vector<128xi32> to vector<128x1xi32>
    %stack3A_409 = tpu.concatenate %stack3A, %stack3A_394, %stack3A_395, %stack3A_396, %stack3A_397, %stack3A_398, %stack3A_399, %stack3A_400, %stack3A_401, %stack3A_402, %stack3A_403, %stack3A_404, %stack3A_405, %stack3A_406, %stack3A_407, %stack3A_408 in 1 : vector<128x1xi32>, vector<128x1xi32>, vector<128x1xi32>, vector<128x1xi32>, vector<128x1xi32>, vector<128x1xi32>, vector<128x1xi32>, vector<128x1xi32>, vector<128x1xi32>, vector<128x1xi32>, vector<128x1xi32>, vector<128x1xi32>, vector<128x1xi32>, vector<128x1xi32>, vector<128x1xi32>, vector<128x1xi32> -> vector<128x16xi32>
    %broadcast_in_dim3A_410 = arith.constant -1 : i32
    %broadcast_in_dim3A_411 = vector.broadcast %broadcast_in_dim3A_410 : i32 to vector<128x112xi32>
    %concatenate3A = tpu.concatenate %stack3A_409, %broadcast_in_dim3A_411 in 1 : vector<128x16xi32>, vector<128x112xi32> -> vector<128x128xi32>
    %swap3A = arith.constant 0 : index
    %swap3A_412 = arith.constant 0 : index
    %swap3A_413 = vector.load %arg6[%swap3A, %swap3A_412] : memref<128x128xi32, #tpu.memory_space<vmem>>, vector<128x128xi32>
    tpu.vector_store %arg6[%swap3A, %swap3A_412], %concatenate3A {strides = array<i32>} : memref<128x128xi32, #tpu.memory_space<vmem>>, vector<128x128xi32>,
    %get3A_414 = arith.constant 0 : index
    %get3A_415 = arith.constant 0 : index
    %get3A_416 = vector.load %arg3[%get3A_414, %get3A_415] : memref<1x8192xf32, #tpu.memory_space<vmem>>, vector<1x8192xf32>
    %get3A_417 = vector.shape_cast %get3A_416 : vector<1x8192xf32> to vector<8192xf32>
    %broadcast_in_dim3A_418 = vector.shape_cast %get3A_417 : vector<8192xf32> to vector<1x8192xf32>
    %get3A_419 = arith.constant 0 : index
    %get3A_420 = vector.load %arg4[%get3A_419] : memref<128xf32, #tpu.memory_space<vmem>>, vector<128xf32>
    %broadcast_in_dim3A_421 = vector.shape_cast %get3A_420 : vector<128xf32> to vector<128x1xf32>
    %mul3A_422 = arith.constant 128 : i32
    %mul3A_423 = arith.muli %arg0, %mul3A_422 : i32
    %iota3A_424 = tpu.iota {dimensions = array<i32: 0>} : vector<128x1xi32>
    %add3A_425 = vector.broadcast %mul3A_423 : i32 to vector<128x1xi32>
    %add3A_426 = arith.addi %add3A_425, %iota3A_424 : vector<128x1xi32>
    %lt3A_427 = vector.broadcast %broadcast_in_dim3A_418 : vector<1x8192xf32> to vector<128x8192xf32>
    %lt3A_428 = vector.broadcast %broadcast_in_dim3A_421 : vector<128x1xf32> to vector<128x8192xf32>
    %lt3A_429 = arith.cmpf olt, %lt3A_427, %lt3A_428 : vector<128x8192xf32>
    %convert_element_type3A = arith.extui %lt3A_429 : vector<128x8192xi1> to vector<128x8192xi32>
    %reduce_sum3A_430 = arith.constant dense<0> : vector<128xi32>
    %reduce_sum3A_431 = vector.multi_reduction <add>, %convert_element_type3A, %reduce_sum3A_430 [1] : vector<128x8192xi32> to vector<128xi32>
    %eq3A_432 = vector.broadcast %broadcast_in_dim3A_418 : vector<1x8192xf32> to vector<128x8192xf32>
    %eq3A_433 = vector.broadcast %broadcast_in_dim3A_421 : vector<128x1xf32> to vector<128x8192xf32>
    %eq3A_434 = arith.cmpf oeq, %eq3A_432, %eq3A_433 : vector<128x8192xf32>
    %lt3A_435 = vector.broadcast %add3A_426 : vector<128x1xi32> to vector<128x8192xi32>
    %lt3A_436 = arith.cmpi slt, %iota3A, %lt3A_435 : vector<128x8192xi32>
    %and3A = arith.andi %eq3A_434, %lt3A_436 : vector<128x8192xi1>
    %convert_element_type3A_437 = arith.extui %and3A : vector<128x8192xi1> to vector<128x8192xi32>
    %reduce_sum3A_438 = arith.constant dense<0> : vector<128xi32>
    %reduce_sum3A_439 = vector.multi_reduction <add>, %convert_element_type3A_437, %reduce_sum3A_438 [1] : vector<128x8192xi32> to vector<128xi32>
    %add3A_440 = arith.addi %reduce_sum3A_431, %reduce_sum3A_439 : vector<128xi32>
    %get3A_441 = arith.constant 0 : index
    %get3A_442 = arith.constant 0 : index
    %get3A_443 = vector.load %arg5[%get3A_441, %get3A_442] : memref<1x64xi32, #tpu.memory_space<vmem>>, vector<1x64xi32>
    %broadcast_in_dim3A_444 = vector.shape_cast %add3A_440 : vector<128xi32> to vector<128x1xi32>
    %eq3A_445 = vector.broadcast %broadcast_in_dim3A_444 : vector<128x1xi32> to vector<128x64xi32>
    %eq3A_446 = vector.broadcast %get3A_443 : vector<1x64xi32> to vector<128x64xi32>
    %eq3A_447 = arith.cmpi eq, %eq3A_445, %eq3A_446 : vector<128x64xi32>
    %reduce_or3A = arith.constant 1.000000e+00 : f32
    %reduce_or3A_448 = arith.constant 0.000000e+00 : f32
    %reduce_or3A_449 = vector.broadcast %reduce_or3A : f32 to vector<128x64xf32>
    %reduce_or3A_450 = vector.broadcast %reduce_or3A_448 : f32 to vector<128x64xf32>
    %reduce_or3A_451 = arith.select %eq3A_447, %reduce_or3A_449, %reduce_or3A_450 : vector<128x64xi1>, vector<128x64xf32>
    %reduce_or3A_452 = arith.constant dense<0xFF800000> : vector<128xf32>
    %reduce_or3A_453 = vector.multi_reduction <maximumf>, %reduce_or3A_451, %reduce_or3A_452 [1] : vector<128x64xf32> to vector<128xf32>
    %reduce_or3A_454 = arith.constant 0.000000e+00 : f32
    %reduce_or3A_455 = vector.broadcast %reduce_or3A_454 : f32 to vector<128xf32>
    %reduce_or3A_456 = arith.cmpf ogt, %reduce_or3A_453, %reduce_or3A_455 : vector<128xf32>
    %convert_element_type3A_457 = arith.extui %reduce_or3A_456 : vector<128xi1> to vector<128xi32>
    %swap3A_458 = arith.constant 0 : index
    %swap3A_459 = vector.load %arg7[%swap3A_458] : memref<128xi32, #tpu.memory_space<vmem>>, vector<128xi32>
    tpu.vector_store %arg7[%swap3A_458], %convert_element_type3A_457 {strides = array<i32>} : memref<128xi32, #tpu.memory_space<vmem>>, vector<128xi32>,
    return
  }
  func.func @transform_0(%arg0: i32) -> (i32, i32) {
    %c0_i32 = arith.constant 0 : i32
    %c0_i32_0 = arith.constant 0 : i32
    return %arg0, %c0_i32 : i32, i32
  }
  func.func @transform_1(%arg0: i32) -> (i32, i32) {
    %c0_i32 = arith.constant 0 : i32
    %c0_i32_0 = arith.constant 0 : i32
    %c0_i32_1 = arith.constant 0 : i32
    return %c0_i32, %c0_i32_0 : i32, i32
  }
  func.func @transform_2(%arg0: i32) -> (i32, i32) {
    %c0_i32 = arith.constant 0 : i32
    %c0_i32_0 = arith.constant 0 : i32
    %c0_i32_1 = arith.constant 0 : i32
    return %c0_i32, %c0_i32_0 : i32, i32
  }
  func.func @transform_3(%arg0: i32) -> i32 {
    %c0_i32 = arith.constant 0 : i32
    return %arg0 : i32
  }
  func.func @transform_4(%arg0: i32) -> (i32, i32) {
    %c0_i32 = arith.constant 0 : i32
    %c0_i32_0 = arith.constant 0 : i32
    %c0_i32_1 = arith.constant 0 : i32
    return %c0_i32, %c0_i32_0 : i32, i32
  }
  func.func @transform_5(%arg0: i32) -> (i32, i32) {
    %c0_i32 = arith.constant 0 : i32
    %c0_i32_0 = arith.constant 0 : i32
    return %arg0, %c0_i32 : i32, i32
  }
  func.func @transform_6(%arg0: i32) -> i32 {
    %c0_i32 = arith.constant 0 : i32
    return %arg0 : i32
  }
}

module attributes {stable_mosaic.version = 14 : i64} {
  func.func @_final_kernel(%arg0: memref<8192x14xf32, #tpu.memory_space<vmem>>, %arg1: memref<8192xi32, #tpu.memory_space<vmem>>, %arg2: memref<8192xi32, #tpu.memory_space<vmem>>, %arg3: memref<8192xf32, #tpu.memory_space<vmem>>, %arg4: memref<1x128xf32, #tpu.memory_space<vmem>>) attributes {dimension_semantics = [], scalar_prefetch = 0 : i64, scratch_operands = 0 : i64, tpu.core_type = #tpu.core_type<tc>} {
    %get3A = arith.constant 0 : index
    %get3A_0 = arith.constant 0 : index
    %get3A_1 = vector.load %arg0[%get3A, %get3A_0] : memref<8192x14xf32, #tpu.memory_space<vmem>>, vector<8192x14xf32>
    %reduce_max3A = arith.constant dense<0xFF800000> : vector<8192xf32>
    %reduce_max3A_2 = vector.multi_reduction <maximumf>, %get3A_1, %reduce_max3A [1] : vector<8192x14xf32> to vector<8192xf32>
    %broadcast_in_dim3A = vector.shape_cast %reduce_max3A_2 : vector<8192xf32> to vector<8192x1xf32>
    %sub3A = vector.broadcast %broadcast_in_dim3A : vector<8192x1xf32> to vector<8192x14xf32>
    %sub3A_3 = arith.subf %get3A_1, %sub3A : vector<8192x14xf32>
    %exp3A = math.exp %sub3A_3 : vector<8192x14xf32>
    %reduce_sum3A = arith.constant dense<0.000000e+00> : vector<8192xf32>
    %reduce_sum3A_4 = vector.multi_reduction <add>, %exp3A, %reduce_sum3A [1] : vector<8192x14xf32> to vector<8192xf32>
    %broadcast_in_dim3A_5 = vector.shape_cast %reduce_sum3A_4 : vector<8192xf32> to vector<8192x1xf32>
    %sub3A_6 = vector.broadcast %broadcast_in_dim3A : vector<8192x1xf32> to vector<8192x14xf32>
    %sub3A_7 = arith.subf %get3A_1, %sub3A_6 : vector<8192x14xf32>
    %log3A = math.log %broadcast_in_dim3A_5 : vector<8192x1xf32>
    %sub3A_8 = vector.broadcast %log3A : vector<8192x1xf32> to vector<8192x14xf32>
    %sub3A_9 = arith.subf %sub3A_7, %sub3A_8 : vector<8192x14xf32>
    %get3A_10 = arith.constant 0 : index
    %get3A_11 = vector.load %arg2[%get3A_10] : memref<8192xi32, #tpu.memory_space<vmem>>, vector<8192xi32>
    %gt3A = arith.constant 0 : i32
    %gt3A_12 = vector.broadcast %gt3A : i32 to vector<8192xi32>
    %gt3A_13 = arith.cmpi sgt, %get3A_11, %gt3A_12 : vector<8192xi32>
    %get3A_14 = arith.constant 0 : index
    %get3A_15 = vector.load %arg1[%get3A_14] : memref<8192xi32, #tpu.memory_space<vmem>>, vector<8192xi32>
    %jit3A = arith.constant 13 : i32
    %broadcast_in_dim3A_16 = vector.broadcast %jit3A : i32 to vector<8192xi32>
    %select_n3A = arith.select %gt3A_13, %broadcast_in_dim3A_16, %get3A_15 : vector<8192xi1>, vector<8192xi32>
    %iota3A = tpu.iota {dimensions = array<i32: 1>} : vector<8192x14xi32>
    %broadcast_in_dim3A_17 = vector.shape_cast %select_n3A : vector<8192xi32> to vector<8192x1xi32>
    %eq3A = vector.broadcast %broadcast_in_dim3A_17 : vector<8192x1xi32> to vector<8192x14xi32>
    %eq3A_18 = arith.cmpi eq, %iota3A, %eq3A : vector<8192x14xi32>
    %jit3A_19 = arith.constant 0.000000e+00 : f32
    %broadcast_in_dim3A_20 = vector.broadcast %jit3A_19 : f32 to vector<8192x14xf32>
    %select_n3A_21 = arith.select %eq3A_18, %sub3A_9, %broadcast_in_dim3A_20 : vector<8192x14xi1>, vector<8192x14xf32>
    %reduce_sum3A_22 = arith.constant dense<0.000000e+00> : vector<8192xf32>
    %reduce_sum3A_23 = vector.multi_reduction <add>, %select_n3A_21, %reduce_sum3A_22 [1] : vector<8192x14xf32> to vector<8192xf32>
    %neg3A = arith.constant 0.000000e+00 : f32
    %neg3A_24 = vector.broadcast %neg3A : f32 to vector<8192xf32>
    %neg3A_25 = arith.subf %neg3A_24, %reduce_sum3A_23 : vector<8192xf32>
    %reduce_sum3A_26 = vector.shape_cast %neg3A_25 : vector<8192xf32> to vector<1x8192xf32>
    %reduce_sum3A_27 = arith.constant dense<0.000000e+00> : vector<1xf32>
    %reduce_sum3A_28 = vector.multi_reduction <add>, %reduce_sum3A_26, %reduce_sum3A_27 [1] : vector<1x8192xf32> to vector<1xf32>
    %reduce_sum3A_29 = vector.shape_cast %reduce_sum3A_28 : vector<1xf32> to vector<1x1xf32>
    %reduce_sum3A_30 = vector.extract %reduce_sum3A_29[0, 0] : f32 from vector<1x1xf32>
    %div3A = arith.constant 8.192000e+03 : f32
    %div3A_31 = arith.divf %reduce_sum3A_30, %div3A : f32
    %broadcast_in_dim3A_32 = vector.broadcast %div3A_31 : f32 to vector<1x128xf32>
    %swap3A = arith.constant 0 : index
    %swap3A_33 = arith.constant 0 : index
    %swap3A_34 = vector.load %arg4[%swap3A, %swap3A_33] : memref<1x128xf32, #tpu.memory_space<vmem>>, vector<1x128xf32>
    tpu.vector_store %arg4[%swap3A, %swap3A_33], %broadcast_in_dim3A_32 {strides = array<i32>} : memref<1x128xf32, #tpu.memory_space<vmem>>, vector<1x128xf32>,
    %slice3A = vector.extract_strided_slice %exp3A {offsets = [0, 13], sizes = [8192, 1], strides = [1, 1]} : vector<8192x14xf32> to vector<8192x1xf32>
    %squeeze3A = vector.shape_cast %slice3A : vector<8192x1xf32> to vector<8192xf32>
    %squeeze3A_35 = vector.shape_cast %broadcast_in_dim3A_5 : vector<8192x1xf32> to vector<8192xf32>
    %div3A_36 = arith.divf %squeeze3A, %squeeze3A_35 : vector<8192xf32>
    %swap3A_37 = arith.constant 0 : index
    %swap3A_38 = vector.load %arg3[%swap3A_37] : memref<8192xf32, #tpu.memory_space<vmem>>, vector<8192xf32>
    tpu.vector_store %arg3[%swap3A_37], %div3A_36 {strides = array<i32>} : memref<8192xf32, #tpu.memory_space<vmem>>, vector<8192xf32>,
    return
  }
}

</mosaic_0001>

<sc_bundles>
// kernel: kernel.6.cloned.1.call-start
scs
__scs_entry_jumppad:
0x0: {  	(pc) =	sbr.rel $0x88, $3  }
0x1: {  	(tag) =	ssettag $0x0;
	lr =	simm.s32 $0x1  }
0x2: {  	[smem:$0x3F9D] =	sst lr;
	_ =	strace $0xD0000000  }
0x3: {  	_ = 	snop  }
0x4: {  	_ = 	snop  }
0x5: {  	_ = 	snop  }
0x6: {  	_ = 	snop  }
0x7: {  	_ = 	snop  }
__scs_overlays_trampoline_lowered:
0x8: {  	[smem:$0x3FAC] =	sst s0  }
0x9: {  	[smem:$0x3FAD] =	sst s1  }
0xa: {  	[smem:$0x3FAE] =	sst s2  }
0xb: {  	[smem:$0x3FAF] =	sst s3  }
0xc: {  	[smem:$0x3FB0] =	sst s4  }
0xd: {  	[smem:$0x3FB1] =	sst s5  }
0xe: {  	[smem:$0x3FB2] =	sst s6  }
0xf: {  	[smem:$0x3FB3] =	sst s7  }
0x10: {  	[smem:$0x3FB4] =	sst s8  }
0x11: {  	[smem:$0x3FB5] =	sst s9;
	s0 =	simm.s32 @!p0 $0x0  }
0x12: {  	s1 =	sld [smem:$0x3F9B];
	s0 =	simm.s32 @p0 $0x1  }
0x13: {  	[smem:$0x3FB6] =	sst s0;
	s0 =	simm.s32 @!p1 $0x0  }
0x14: {  	s2 =	sld [smem:$0x3F9A];
	s0 =	simm.s32 @p1 $0x1  }
0x15: {  	[smem:$0x3FB7] =	sst s0;
	s0 =	simm.s32 @!p2 $0x0  }
0x16: {  	s3 =	sld [smem:$0x3FDB];
	s0 =	simm.s32 @p2 $0x1  }
0x17: {  	s4 =	simm.s32 $0x1BF5;
	[smem:$0x3FB9] =	sst s0  }
0x18: {  	s0 =	sld [smem:$0x3F9C];
	_ =	swait.ge [sflag:s4], $0x0  }
0x19: {  	s7 =	sld [smem:$0x3F9D]  }
0x1a: {  	s8 =	sadd.s32 $0xFFFFE003, lr  }
0x1b: {  	s9 =	sadd.s32 $0xFFFFFEF7, lr;
	s5 =	simm.s32 $0xFFFFFFFF;
	p2 =	slt.u32 s8, $0xFFFFF086  }
0x1c: {  	p1 =	slt.u32 s9, $0xF7A;
	s5 =	simm.s32 @!p2 $0x0  }
0x1d: {  	s5 =	simm.s32 @p1 $0x1;
	p0 =	seq.s32 s7, s2  }
0x1e: {  	s7 =	smul.u32 @!p0 $0xF7A, s2;
	p2 =	seq.s32 @!p0 s5, $0x0  }
0x1f: {  	s9 =	smul.u32 $0xF7A, s1;
	s8 =	simm.s32 @!p0 $0x1BF5;
	p2 =	por !p2, p0  }
0x20: {  	[sflag:s8] =	ssyncset.s32 @!p0 $0xFFFFF086;
	s6 =	sadd.s32 @!p0 s3, s7;
	s7 =	simm.s32 @!p0 $0x108  }
0x21: {  	s3 =	sadd.s32 s3, s9;
	s6 =	sadd.s32 @!p0 $0x88, s6;
	s7 =	simm.s32 @p2 $0x1082  }
0x22: {  	[simem:s7], [sflag:s8] =	dma.local @!p0 [hbm:s6], $0xF7A  }
0x23: {  	s9 =	sor.u32 $0xD0000000, s2;
	s6 =	simm.s32 $0x108;
	_ =	swait.ge @!p0 [sflag:s8], $0x0  }
0x24: {  	s3 =	sadd.s32 $0x88, s3;
	s6 =	simm.s32 @!p1 $0x1082;
	[sflag:s4] =	ssyncset.s32 $0xFFFFF086  }
0x25: {  	[simem:s6], [sflag:s4] =	dma.local [hbm:s3], $0xF7A  }
0x26: {  	[smem:$0x3F9D] =	sst s1;
	(tag) =	ssettag s2;
	_ =	strace s9  }
0x27: {  	s1 =	sld [smem:$0x3FAD]  }
0x28: {  	s2 =	sld [smem:$0x3FAE]  }
0x29: {  	s4 =	sld [smem:$0x3FB0]  }
0x2a: {  	p0 =	seq.s32 s5, $0x0;
	s5 =	sld [smem:$0x3FB1]  }
0x2b: {  	s6 =	sld [smem:$0x3FB2]  }
0x2c: {  	s7 =	sld [smem:$0x3FB3]  }
0x2d: {  	s3 =	simm.s32 $0x108;
	s8 =	sld [smem:$0x3FB4]  }
0x2e: {  	s3 =	simm.s32 @!p0 $0x1082;
	s9 =	sld [smem:$0x3FB5]  }
0x2f: {  	lr =	sadd.s32 s0, s3;
	s0 =	sld [smem:$0x3FAC]  }
0x30: {  	s3 =	sld [smem:$0x3FAF]  }
0x31: {  	[smem:$0x3FB8] =	sst s10  }
0x32: {  	s10 =	sld [smem:$0x3FB6];
	_ =	sdelay $0x3  }
0x33: {  	p0 =	seq.s32 s10, $0x1;
	s10 =	sld [smem:$0x3FB8];
	_ =	sdelay $0x3  }
0x34: {  	[smem:$0x3FB8] =	sst s10  }
0x35: {  	s10 =	sld [smem:$0x3FB7];
	_ =	sdelay $0x3  }
0x36: {  	p1 =	seq.s32 s10, $0x1;
	s10 =	sld [smem:$0x3FB8];
	_ =	sdelay $0x3  }
0x37: {  	[smem:$0x3FB8] =	sst s10  }
0x38: {  	s10 =	sld [smem:$0x3FB9]  }
0x39: {  	_ = 	snop;
	(pc) =	sbr.ind lr, $3  }
0x3a: {  	_ = 	snop  }
0x3b: {  	_ = 	snop  }
0x3c: {  	p2 =	seq.s32 s10, $0x1;
	s10 =	sld [smem:$0x3FB8]  }
0x3d: {  	_ =	shalt  }
0x3e: {  	_ =	shalt  }
0x3f: {  	_ =	shalt  }
0x40: {  	_ =	shalt  }
0x41: {  	_ =	shalt  }
0x42: {  	_ =	shalt  }
0x43: {  	_ =	shalt  }
0x44: {  	_ =	shalt  }
0x45: {  	_ =	shalt  }
0x46: {  	_ =	shalt  }
0x47: {  	_ =	shalt  }
0x48: {  	_ =	shalt  }
0x49: {  	_ =	shalt  }
0x4a: {  	_ =	shalt  }
0x4b: {  	_ =	shalt  }
0x4c: {  	_ =	shalt  }
0x4d: {  	_ =	shalt  }
0x4e: {  	_ =	shalt  }
0x4f: {  	_ =	shalt  }
0x50: {  	_ =	shalt  }
0x51: {  	_ =	shalt  }
0x52: {  	_ =	shalt  }
0x53: {  	_ =	shalt  }
0x54: {  	_ =	shalt  }
0x55: {  	_ =	shalt  }
0x56: {  	_ =	shalt  }
0x57: {  	_ =	shalt  }
0x58: {  	_ =	shalt  }
0x59: {  	_ =	shalt  }
0x5a: {  	_ =	shalt  }
0x5b: {  	_ =	shalt  }
0x5c: {  	_ =	shalt  }
0x5d: {  	_ =	shalt  }
0x5e: {  	_ =	shalt  }
0x5f: {  	_ =	shalt  }
0x60: {  	_ =	shalt  }
0x61: {  	_ =	shalt  }
0x62: {  	_ =	shalt  }
0x63: {  	_ =	shalt  }
0x64: {  	_ =	shalt  }
0x65: {  	_ =	shalt  }
0x66: {  	_ =	shalt  }
0x67: {  	_ =	shalt  }
0x68: {  	_ =	shalt  }
0x69: {  	_ =	shalt  }
0x6a: {  	_ =	shalt  }
0x6b: {  	_ =	shalt  }
0x6c: {  	_ =	shalt  }
0x6d: {  	_ =	shalt  }
0x6e: {  	_ =	shalt  }
0x6f: {  	_ =	shalt  }
0x70: {  	_ =	shalt  }
0x71: {  	_ =	shalt  }
0x72: {  	_ =	shalt  }
0x73: {  	_ =	shalt  }
0x74: {  	_ =	shalt  }
0x75: {  	_ =	shalt  }
0x76: {  	_ =	shalt  }
0x77: {  	_ =	shalt  }
0x78: {  	_ =	shalt  }
0x79: {  	_ =	shalt  }
0x7a: {  	_ =	shalt  }
0x7b: {  	_ =	shalt  }
0x7c: {  	_ =	shalt  }
0x7d: {  	_ =	shalt  }
0x7e: {  	_ =	shalt  }
0x7f: {  	_ =	shalt  }
0x80: {  	_ =	shalt  }
0x81: {  	_ =	shalt  }
0x82: {  	_ =	shalt  }
0x83: {  	_ =	shalt  }
0x84: {  	_ =	shalt  }
0x85: {  	_ =	shalt  }
0x86: {  	_ =	shalt  }
0x87: {  	_ =	shalt  }
.Lfunc_end0:
.L_simem_size_0:
called_computation_lowered:
.L_overlay_start_0:
0x88: {  	s2 =	sld [smem:$0x3FD9]  }
0x89: {  	s3 =	sld [smem:$0x3FFE];
	_ =	sdelay $0x1  }
0x8a: {  	s1 =	srdreg.scid  }
0x8b: {  	s0 =	sand.u32 $0x1, s1  }
0x8c: {  	s14 =	sshll.u32 s0, $0xA;
	s2 =	sadd.s32 s3, s2  }
0x8d: {  	s2 =	sadd.s32 s2, s14  }
0x8e: {  	[smem:$0x3FC4] =	sst s2  }
0x8f: {  	_ = 	snop  }
0x90: {  	s2 =	sld [smem:$0x3FD0];
	_ =	sdelay $0x2  }
0x91: {  	s15 =	simm.s32 $0xA;
	s4 =	simm.s32 $0x10  }
0x92: {  	[smem:s4], [sflag:s15] =	dma.local [hbm:s2], $0x1  }
0x93: {  	_ =	swait.eq [sflag:s15], $0x1  }
0x94: {  	[sflag:s15] =	ssyncset.done $0x0  }
0x95: {  	s16 =	sld [smem:$0x10];
	[sflag:s15] =	ssyncadd.s32 $0xFFFFFFFF  }
0x96: {  	s17 =	sld [smem:$0x11];
	(tm) =	ssettm $0x1  }
0x97: {  	s18 =	sld [smem:$0x3FFB];
	_ =	sdelay $0x3  }
0x98: {  	_ =	strace s18  }
0x99: {  	s4 =	sld [smem:$0x3FFC];
	_ =	sdelay $0x3  }
0x9a: {  	_ =	strace s4  }
0x9b: {  	s4 =	sld [smem:$0x3FFD];
	_ =	sdelay $0x3  }
0x9c: {  	_ =	strace s4  }
0x9d: {  	_ =	strace $0x8FFFFFFF  }
0x9e: {  	s19 =	sld [smem:$0x3FDB];
	_ =	sdelay $0x1  }
0x9f: {  	s5 =	simm.s32 $_scs_section_size  }
0xa0: {  	s6 =	simm.s32 $_size__tile_overlayer_lowered;
	s7 =	simm.s32 $_tile_overlayer_lowered  }
0xa1: {  	s22 =	simm.s32 $0x1BFF;
	s21 =	sshll.u32 s7, $0x1;
	s4 =	sadd.s32 s5, s19  }
0xa2: {  	s8 =	simm.s32 $0x0;
	s20 =	sshll.u32 s6, $0x1;
	s6 =	sadd.s32 s21, s4  }
0xa3: {  	[timem:s8], [sflag:s22] =	dma.local [hbm:s6], s20  }
0xa4: {  	_ =	swait.ge [sflag:s22], s20  }
0xa5: {  	s5 =	ssub.s32 $0x0, s20;
	[sflag:s22] =	ssyncset.done $0x0  }
0xa6: {  	[sflag:s22] =	ssyncadd.s32 s5;
	_ =	sdelay $0x1  }
0xa7: {  	s23 =	simm.s32 $0x1B8B  }
0xa8: {  	_ =	swait.ge [sflag:s23], $0x1  }
0xa9: {  	[sflag:s23] =	ssyncset.done $0x0  }
0xaa: {  	s25 =	simm.s32 $0x1B8E;
	s24 =	sld [smem:$0x3FFE];
	[sflag:s23] =	ssyncadd.s32 $0xFFFFFFFF  }
0xab: {  	s26 =	simm.s32 $execute0_lowered;
	[smem:$0x3FD2] =	sst s25  }
0xac: {  	s6 =	sshll.u32 s26, $0x1;
	_ =	strace $0x80000046;
	[dreg:$0x1] =	wrdreg $0xFFFFFFFF  }
0xad: {  	s28 =	simm.s32 $_size_execute0_lowered;
	s4 =	sadd.s32 s4, s6;
	[dreg:$0x0] =	wrdreg $0x0  }
0xae: {  	s6 =	sshll.u32 s28, $0x1;
	[dreg:$0x2] =	wrdreg s4  }
0xaf: {  	[dreg:$0x3] =	wrdreg s6  }
0xb0: {  	[dreg:$0x4] =	wrdreg $0xC0  }
0xb1: {  	_ =	task [dreg:s8], $0x5FFFF  }
0xb2: {  	[dreg:$0x1] =	wrdreg $0xFFFFFFFF  }
0xb3: {  	[dreg:$0x0] =	wrdreg $0x60  }
0xb4: {  	[dreg:$0x2] =	wrdreg s24  }
0xb5: {  	[dreg:$0x3] =	wrdreg s16  }
0xb6: {  	[dreg:$0x4] =	wrdreg s17  }
0xb7: {  	[dreg:$0x5] =	wrdreg $0x9  }
0xb8: {  	_ =	task.clear_ibuf [dreg:s8], $0x6FFFF;
	_ =	strace $0x90000046  }
0xb9: {  	s29 =	simm.s32 $0x9;
	_ =	strace $0x80000048  }
0xba: {  	_ =	swait.ge [sflag:s29], $0x1  }
0xbb: {  	[sflag:s29] =	ssyncadd.s32 $0xFFFFFFFF  }
0xbc: {  	_ =	strace $0x90000048  }
0xbd: {  	_ =	sfence  }
0xbe: {  	s30 =	sld [smem:$0x0];
	_ =	sdelay $0x2  }
0xbf: {  	s31 =	sshll.u32 s1, $0xD;
	s1 =	sshrl.u32 s1, $0x2  }
0xc0: {  	s3 =	sand.u32 $0x4000, s31;
	s1 =	sadd.s32 s1, s30  }
0xc1: {  	s0 =	sor.u32 s3, s0;
	s1 =	sshll.u32 s1, $0x11  }
0xc2: {  	s0 =	sor.u32 s1, s0  }
0xc3: {  	s0 =	sadd.s32 $0x8F2B, s0  }
0xc4: {  	[sflag:s0] =	ssyncadd.remote.s32 $0x1  }
0xc5: {  	_ =	sfence.sel $0xFFFF  }
0xc6: {  	[dreg:$0x0] =	wrdreg $0xFFFFFFFF;
	(pc) =	sbr.abs _section_cstart, $3  }
0xc7: {  	[dreg:$0x1] =	wrdreg $0xFFFFFFFF  }
0xc8: {  	_ =	task.clear_ibuf [dreg:s8], $0x2FFFF;
	_ =	strace $0x9FFFFFFF  }
0xc9: {  	(tm) =	ssettm $0x7FFFFFFF  }
tec
execute0_lowered:
.L_overlay_start_1:
0x0: {  	(tag) =	ssettag $0x1  }
0x1: {  	s1 =	srdreg.scid  }
0x2: {  	s2 =	stileid.u32;
	s1 =	sand.u32 $0x1, s1  }
0x3: {  	s2 =	sor.u32 s2, s1  }
0x4: {  	p0 =	sne.s32 s2, $0x0  }
.Ltmp0:
0x5: {  	_ = 	snop;
	(pc) =	sbr.rel @!p0 .LBB2_1-.Ltmp0, $3  }
0x6: {  	_ =	sdelay $0x1  }
0x7: {  	s0 =	rddreg [dreg:$0x0]  }
0x8: {  	s3 =	rddreg [dreg:$0x2];
	_ =	strace $0x80000047  }
.LBB2_33:
0x9: {  	_ =	sfence.sel $0x180000  }
0xa: {  	[bflag:$0x0] =	sbarrier.arrive $0xFFFF  }
0xb: {  	_ =	strace $0x90000047  }
0xc: {  	s0 =	stileid.u32;
	[bflag:$0x2] =	sbarrier.arrive $0xFFFF  }
0xd: {  	p0 =	sne.s32 s0, $0x0;
	s0 =	rddreg [dreg:$0x3]  }
0xe: {  	s0 =	sadd.s32 @!p0 $0x100000, s0  }
0xf: {  	[sflag:s0] =	ssyncadd.tile.s32 @!p0 $0x1;
	_ =	shalt  }
.LBB2_1:
0x10: {  	s4 =	sadd.s32 $0x2A00, s0  }
0x11: {  	s5 =	sadd.s32 $0x2600, s0;
	s1 =	ssub.s32 $0x2, s1;
	s6 =	sadd.s32 $0x2200, s0  }
.Ltmp1:
0x12: {  	s7 =	sadd.s32 $0x2E00, s0;
	s8 =	sadd.s32 $0x22E00, s0;
	(pc) =	sbr.rel .LBB2_2-.Ltmp1, $4  }
0x13: {  	s9 =	sadd.s32 $0x23200, s0;
	s11 =	simm.s32 $0x0;
	s12 =	simm.s32 $0x2  }
0x14: {  	s16 =	simm.s32 $0xE080;
	s17 =	simm.s32 $0xC000;
	s18 =	simm.s32 $0x12080  }
0x15: {  	v0 =	vimm.f32 $0.0e+00;
	v1 =	vimm.s32 $0x0;
	s19 =	simm.s32 $0x80;
	s20 =	simm.s32 $0x1;
	s2 =	sshrl.u32 s1, $0x1  }
0x16: {  	v2 =	vlaneseq.u32;
	v3 =	vimm.s32 $0x1;
	s21 =	simm.s32 $0x10080;
	vm0 =	vmxor vm0, vm0;
	s22 =	simm.s32 $0x0;
	s10 =	ssub.s32 s1, s2  }
.LBB2_32:
0x17: {  	s22 =	sadd.s32 $0x1, s22  }
0x18: {  	p0 =	sne.s32 s22, s10  }
.Ltmp2:
0x19: {  	_ = 	snop;
	(pc) =	sbr.rel @!p0 .LBB2_33-.Ltmp2, $4  }
0x1a: {  	[hbm4b:s9+s11] =	stream.linear.scatter [tilespmem:s16], [sflag:$0x2], $0x2000, $0x38;
	[tilespmem:$0x18100] =	vst v63  }
0x1b: {  	_ =	swait.ge [sflag:s12], $0x2000  }
0x1c: {  	[sflag:s12] =	ssyncset.done $0x0  }
0x1d: {  	[sflag:s12] =	ssyncadd.s32 $0xFFFFE000  }
.LBB2_2:
0x1e: {  	[tilespmem:s11], [sflag:$0x2] =	stream.linear.gather [hbm4b:s4+s11], $0x2000, $0x38;
	[tilespmem:$0x18100] =	vst v63  }
0x1f: {  	_ =	swait.ge [sflag:s12], $0x2000  }
0x20: {  	[sflag:s12] =	ssyncset.done $0x0  }
0x21: {  	s0 =	simm.s32 $0x2000;
	[sflag:s12] =	ssyncadd.s32 $0xFFFFE000  }
0x22: {  	[tilespmem:s0], [sflag:$0x2] =	stream.linear.gather [hbm4b:s5+s11], $0x2000, $0x38;
	[tilespmem:$0x18100] =	vst v63  }
0x23: {  	_ =	swait.ge [sflag:s12], $0x2000  }
0x24: {  	[sflag:s12] =	ssyncset.done $0x0  }
0x25: {  	[sflag:s12] =	ssyncadd.s32 $0xFFFFE000  }
0x26: {  	s1 =	simm.s32 $0x4000;
	s30 =	rddreg [dreg:$0x1]  }
0x27: {  	[tilespmem:s1], [sflag:$0x2] =	stream.linear.gather [hbm4b:s30+s11], $0x2000, $0x38;
	[tilespmem:$0x18100] =	vst v63  }
0x28: {  	_ =	swait.ge [sflag:s12], $0x2000  }
0x29: {  	[sflag:s12] =	ssyncset.done $0x0  }
0x2a: {  	s31 =	simm.s32 $0x6000;
	[sflag:s12] =	ssyncadd.s32 $0xFFFFE000  }
0x2b: {  	[tilespmem:s31], [sflag:$0x2] =	stream.linear.gather [hbm4b:s6+s11], $0x2000, $0x38;
	[tilespmem:$0x18100] =	vst v63  }
0x2c: {  	_ =	swait.ge [sflag:s12], $0x2000  }
0x2d: {  	[sflag:s12] =	ssyncset.done $0x0  }
0x2e: {  	[sflag:s12] =	ssyncadd.s32 $0xFFFFE000  }
0x2f: {  	[tilespmem:s16], [sflag:$0x2] =	stream.linear.gather [hbm4b:s8+s11], $0x2000, $0x38;
	[tilespmem:$0x18100] =	vst v63  }
0x30: {  	_ =	swait.ge [sflag:s12], $0x2000  }
0x31: {  	[sflag:s12] =	ssyncset.done $0x0  }
0x32: {  	[sflag:s12] =	ssyncadd.s32 $0xFFFFE000  }
0x33: {  	[tilespmem:s17], [sflag:$0x2] =	stream.linear.gather [hbm4b:s3+s11], $0x10, $0x38;
	[tilespmem:$0x18100] =	vst v63  }
0x34: {  	_ =	swait.ge [sflag:s12], $0x10  }
0x35: {  	[sflag:s12] =	ssyncset.done $0x0  }
0x36: {  	[sflag:s12] =	ssyncadd.s32 $0xFFFFFFF0  }
0x37: {  	v4 =	vld [tilespmem:$0xC000];
	_ =	sdelay $0x4  }
0x38: {  	(v2sf) =	vpush v4, $0x0;
	_ =	sdelay $0xa  }
.Ltmp3:
0x39: {  	_ = 	snop;
	(pc) =	sbr.rel .LBB2_3-.Ltmp3, $2  }
0x3a: {  	_ =	sdelay $0x2  }
0x3b: {  	s24 =	simm.s32 $0x0;
	s23 =	spop (v2sf)  }
.LBB2_31:
0x3c: {  	s24 =	sadd.s32 $0x1, s24  }
0x3d: {  	p0 =	sne.s32 s24, $0x5  }
.Ltmp4:
0x3e: {  	_ = 	snop;
	(pc) =	sbr.rel @!p0 .LBB2_32-.Ltmp4, $1  }
0x3f: {  	_ =	sdelay $0x3  }
.LBB2_3:
0x40: {  	s2 =	simm.s32 $0x20  }
0x41: {  	s0 =	simm.s32 $0x2020;
	v4 =	vld [tilespmem:s2+$0x10]  }
0x42: {  	s1 =	simm.s32 $0xE0A0;
	v6 =	vld [tilespmem:s0+$0x10]  }
0x43: {  	v5 =	vld [tilespmem:s1+$0x10]  }
0x44: {  	v7 =	vld [tilespmem:s2+$0x0]  }
0x45: {  	v8 =	vld [tilespmem:s1+$0xFFFFFFE0]  }
0x46: {  	v10 =	vld [tilespmem:s0+$0x0]  }
0x47: {  	v9 =	vld [tilespmem:s1+$0xFFFFFFF0]  }
0x48: {  	v11 =	vld [tilespmem:s1+$0x0]  }
0x49: {  	v12 =	vld [tilespmem:s2+$0xFFFFFFF0]  }
0x4a: {  	v13 =	vld [tilespmem:s0+$0xFFFFFFF0]  }
0x4b: {  	s13 =	simm.s32 $0x4020;
	v14 =	vld [tilespmem:s2+$0xFFFFFFE0];
	vm4 =	vgt.s32 v8, $0x0  }
0x4c: {  	v19 =	vimm.f32 $0.0e+00;
	v17 =	vld [tilespmem:s13+$0xFFFFFFE0];
	vm2 =	vgt.s32 v9, $0x0;
	v8 =	vsel vm4, $0x3F800000, v0  }
0x4d: {  	s14 =	simm.s32 $0x6020;
	v16 =	vld [tilespmem:s0+$0xFFFFFFE0];
	vm1 =	vgt.s32 v5, $0x0;
	vm3 =	vgt.s32 v11, $0x0;
	v8 =	vadd.f32 v8, v19  }
0x4e: {  	v18 =	vld [tilespmem:s14+$0xFFFFFFE0];
	v9 =	vsel vm2, $0x3F800000, v0;
	v11 =	vsel vm1, $0x3F800000, v0;
	v15 =	vsel vm3, $0x3F800000, v0  }
0x4f: {  	v20 =	vld [tilespmem:s13+$0xFFFFFFF0];
	v5 =	vnsel vm1, $0x0, v4;
	v4 =	vnsel vm1, $0x0, v6;
	v8 =	vadd.f32 v9, v8  }
0x50: {  	v7 =	vnsel vm3, $0x0, v7;
	v21 =	vnsel vm4, $0x0, v14;
	v14 =	vnsel vm2, $0x0, v12;
	v9 =	vld [tilespmem:s14+$0xFFFFFFF0]  }
0x51: {  	v12 =	vld [tilespmem:s13+$0x0];
	v22 =	vnsel vm4, $0x0, v17;
	v6 =	vadd.f32 v15, v8;
	v8 =	vnsel vm3, $0x0, v10  }
0x52: {  	v15 =	vnsel vm2, $0x0, v13;
	v13 =	vnsel vm4, $0x0, v16;
	v10 =	vld [tilespmem:s14+$0x0];
	v16 =	vadd.f32 v21, v19  }
0x53: {  	v17 =	vadd.f32 v13, v19;
	v13 =	vnsel vm4, $0x0, v18;
	v6 =	vadd.f32 v11, v6;
	v11 =	vld [tilespmem:s13+$0x10]  }
0x54: {  	s25 =	simm.s32 $0x0;
	s26 =	simm.s32 $0x60;
	v20 =	vnsel vm2, $0x0, v20;
	v18 =	vadd.f32 v22, v19;
	v19 =	vadd.f32 v13, v19;
	v13 =	vld [tilespmem:s14+$0x10]  }
.LBB2_4:
0x55: {  	v21 =	vld [tilespmem:s26+$0x10];
	v14 =	vadd.f32 v14, v16;
	v15 =	vadd.f32 v15, v17;
	v9 =	vnsel vm2, $0x0, v9;
	s0 =	sadd.s32 $0x40, s0  }
0x56: {  	s1 =	sadd.s32 $0x40, s1;
	v16 =	vld [tilespmem:s0+$0x10];
	v17 =	vadd.f32 v20, v18;
	v9 =	vadd.f32 v9, v19;
	v12 =	vnsel vm3, $0x0, v12  }
0x57: {  	v18 =	vld [tilespmem:s1+$0x10];
	v7 =	vadd.f32 v7, v14;
	v8 =	vadd.f32 v8, v15;
	v10 =	vnsel vm3, $0x0, v10  }
0x58: {  	v14 =	vld [tilespmem:s26+$0x0];
	v12 =	vadd.f32 v12, v17;
	v9 =	vadd.f32 v10, v9;
	v10 =	vnsel vm1, $0x0, v11  }
0x59: {  	v11 =	vld [tilespmem:s1+$0xFFFFFFE0];
	v17 =	vadd.f32 v5, v7;
	v19 =	vadd.f32 v4, v8;
	v4 =	vnsel vm1, $0x0, v13  }
0x5a: {  	v8 =	vld [tilespmem:s0+$0x0];
	v13 =	vadd.f32 v10, v12;
	v20 =	vadd.f32 v4, v9  }
0x5b: {  	v4 =	vld [tilespmem:s1+$0xFFFFFFF0]  }
0x5c: {  	v5 =	vld [tilespmem:s1+$0x0]  }
0x5d: {  	v10 =	vld [tilespmem:s26+$0xFFFFFFF0]  }
0x5e: {  	vm4 =	vgt.s32 v11, $0x0;
	v11 =	vld [tilespmem:s0+$0xFFFFFFF0]  }
0x5f: {  	v7 =	vsel vm4, $0x3F800000, v0;
	v12 =	vld [tilespmem:s26+$0xFFFFFFE0]  }
0x60: {  	s13 =	sadd.s32 $0x40, s13;
	v6 =	vadd.f32 v7, v6;
	v22 =	vld [tilespmem:s0+$0xFFFFFFE0];
	vm2 =	vgt.s32 v4, $0x0  }
0x61: {  	s25 =	sadd.s32 $0x4, s25;
	s14 =	sadd.s32 $0x40, s14;
	vm1 =	vgt.s32 v18, $0x0;
	v23 =	vld [tilespmem:s13+$0xFFFFFFE0];
	v4 =	vsel vm2, $0x3F800000, v0  }
0x62: {  	p0 =	slt.u32 s25, $0x1FC;
	v24 =	vsel vm1, $0x3F800000, v0;
	vm3 =	vgt.s32 v5, $0x0;
	v18 =	vld [tilespmem:s14+$0xFFFFFFE0];
	v6 =	vadd.f32 v4, v6  }
0x63: {  	v5 =	vnsel vm1, $0x0, v21;
	v7 =	vsel vm3, $0x3F800000, v0;
	v4 =	vnsel vm1, $0x0, v16;
	v25 =	vld [tilespmem:s13+$0xFFFFFFF0]  }
.Ltmp5:
0x64: {  	v8 =	vnsel vm3, $0x0, v8;
	v9 =	vld [tilespmem:s14+$0xFFFFFFF0];
	v6 =	vadd.f32 v7, v6;
	v7 =	vnsel vm3, $0x0, v14;
	(pc) =	sbr.rel @p0 .LBB2_4-.Ltmp5, $4  }
0x65: {  	v15 =	vnsel vm2, $0x0, v11;
	v16 =	vnsel vm4, $0x0, v12;
	v14 =	vnsel vm2, $0x0, v10;
	v12 =	vld [tilespmem:s13+$0x0]  }
0x66: {  	v11 =	vnsel vm4, $0x0, v22;
	v21 =	vnsel vm4, $0x0, v23;
	v10 =	vld [tilespmem:s14+$0x0];
	v6 =	vadd.f32 v24, v6  }
0x67: {  	v16 =	vadd.f32 v16, v17;
	v17 =	vadd.f32 v11, v19;
	v19 =	vnsel vm4, $0x0, v18;
	v11 =	vld [tilespmem:s13+$0x10]  }
0x68: {  	s26 =	sadd.s32 $0x40, s26;
	v18 =	vadd.f32 v21, v13;
	v19 =	vadd.f32 v19, v20;
	v20 =	vnsel vm2, $0x0, v25;
	v13 =	vld [tilespmem:s14+$0x10]  }
0x69: {  	(xrf2) =	vadd.scan.msk.f32 $0xffff, v6;
	_ =	sdelay $0x9  }
0x6a: {  	v6, _, _ =	vpop (xrf2)  }
0x6b: {  	(v2sf) =	vpush v6, $0xF;
	_ =	sdelay $0xb  }
0x6c: {  	v55 =	vadd.f32 v14, v16  }
0x6d: {  	v56 =	vadd.f32 v15, v17;
	v9 =	vnsel vm2, $0x0, v9;
	v57 =	vadd.f32 v20, v18  }
0x6e: {  	v9 =	vadd.f32 v9, v19;
	v12 =	vnsel vm3, $0x0, v12;
	v6 =	vadd.f32 v7, v55  }
0x6f: {  	v58 =	vadd.f32 v8, v56;
	v59 =	vnsel vm3, $0x0, v10;
	v60 =	vadd.f32 v12, v57;
	s13 =	spop (v2sf)  }
0x70: {  	v8 =	vadd.f32 v59, v9;
	v5 =	vadd.f32 v5, v6;
	s0 =	smax.f32 s13, $1.000000000e+00  }
0x71: {  	v61 =	vnsel vm1, $0x0, v11;
	v4 =	vadd.f32 v4, v58;
	v62 =	vmov s0  }
0x72: {  	v63 =	vnsel vm1, $0x0, v13;
	v6 =	vadd.f32 v61, v60;
	(xrf2) =	vadd.scan.msk.f32 $0xffff, v5;
	(erf) = vrcp.f32 v62  }
0x73: {  	v5 =	vadd.f32 v63, v8;
	(xrf2) =	vadd.scan.msk.f32 $0xffff, v4  }
0x74: {  	(xrf2) =	vadd.scan.msk.f32 $0xffff, v6  }
0x75: {  	(xrf2) =	vadd.scan.msk.f32 $0xffff, v5;
	_ =	sdelay $0x5  }
0x76: {  	v4 =	vpop (erf)  }
0x77: {  	v5, _, _ =	vpop (xrf2);
	(v2sf) =	vpush v4, $0x0  }
0x78: {  	v4, _, _ =	vpop (xrf2);
	(v2sf) =	vpush v5, $0xF  }
0x79: {  	v5, _, _ =	vpop (xrf2);
	(v2sf) =	vpush v4, $0xF  }
0x7a: {  	v4, _, _ =	vpop (xrf2);
	(v2sf) =	vpush v5, $0xF  }
0x7b: {  	(v2sf) =	vpush v4, $0xF;
	_ =	sdelay $0xa  }
0x7c: {  	s0 =	spop (v2sf)  }
0x7d: {  	s1 =	spop (v2sf)  }
0x7e: {  	s2 =	spop (v2sf)  }
0x7f: {  	s14 =	spop (v2sf)  }
0x80: {  	s15 =	spop (v2sf)  }
0x81: {  	p0 =	sgt.f32 s13, $8.191999810e+01;
	s25 =	smul.f32 s0, s15  }
0x82: {  	_ = 	snop  }
0x83: {  	p1 =	sgt.f32 @p0 s25, s23;
	_ =	sdelay $0x1  }
0x84: {  	p1 =	por !p0, !p1  }
.Ltmp6:
0x85: {  	_ = 	snop;
	(pc) =	sbr.rel @!p1 .LBB2_31-.Ltmp6, $1  }
0x86: {  	_ =	sdelay $0x3  }
0x87: {  	s28 =	simm.s32 $0x100A0  }
0x88: {  	s29 =	simm.s32 $0xE0A0;
	s28 =	simm.s32 @p0 $0x100A0  }
0x89: {  	s1 =	smul.f32 s0, s1;
	s15 =	simm.s32 $0xFFFFFFFC;
	s29 =	simm.s32 @p0 $0xE0A0;
	[tilespmem:s28+$0xFFFFFFE0] =	vst v1  }
0x8a: {  	s13 =	smul.f32 s0, s2;
	s15 =	simm.s32 @p0 $0xFFFFFFFC;
	v4 =	vld [tilespmem:s29+$0xFFFFFFE0]  }
0x8b: {  	s0 =	smul.f32 s0, s14;
	s14 =	sadd.s32 $0x4, s15  }
0x8c: {  	p1 =	slt.u32 s14, $0x1FC  }
.Ltmp7:
0x8d: {  	_ = 	snop;
	(pc) =	sbr.rel @!p1 .LBB2_7-.Ltmp7, $4  }
0x8e: {  	_ = 	snop  }
0x8f: {  	vm1 =	vgt.s32 v4, $0x0  }
0x90: {  	s26 =	simm.s32 $0x0;
	s30 =	simm.s32 $0x0;
	v4 =	vsel vm1, $0x1, v1  }
0x91: {  	s26 =	simm.s32 @p0 $0x0;
	s30 =	simm.s32 @p0 $0x0;
	p0 =	por $0x0, $0x0;
	(xrf0) =	vadd.scan.msk.s32 $0xffff, v4  }
0x92: {  	_ =	sdelay $0x1  }
0x93: {  	v4 =	vmov s30  }
0x94: {  	v4 =	vadd.s32 $0xFFFFFFFF, v4  }
0x95: {  	v4 =	vbroadcast v4, $0x0  }
0x96: {  	v5, _, _ =	vpop (xrf0)  }
0x97: {  	v4 =	vadd.s32 v5, v4;
	(v2sf) =	vpush v5, $0xF;
	_ =	sdelay $0x3  }
0x98: {  	v5 =	vor.u32 s26, v2  }
0x99: {  	[tilespmem:v4+s18+$0x0] =	vst.idx.msk vm1, v5  }
0x9a: {  	[tilespmem:s28+$0xFFFFFFF0] =	vst v1  }
0x9b: {  	v4 =	vld [tilespmem:s29+$0xFFFFFFF0];
	_ =	sdelay $0x4  }
0x9c: {  	vm1 =	vgt.s32 v4, $0x0  }
0x9d: {  	v4 =	vsel vm1, $0x1, v1  }
0x9e: {  	(xrf0) =	vadd.scan.msk.s32 $0xffff, v4  }
0x9f: {  	s2 =	spop (v2sf)  }
0xa0: {  	s2 =	sadd.s32 s30, s2  }
0xa1: {  	v4 =	vmov s2  }
0xa2: {  	v4 =	vadd.s32 $0xFFFFFFFF, v4  }
0xa3: {  	v4 =	vbroadcast v4, $0x0  }
0xa4: {  	v5, _, _ =	vpop (xrf0)  }
0xa5: {  	v4 =	vadd.s32 v5, v4;
	(v2sf) =	vpush v5, $0xF;
	_ =	sdelay $0x2  }
0xa6: {  	s15 =	sadd.s32 $0x10, s26  }
0xa7: {  	v5 =	vor.u32 s15, v2  }
0xa8: {  	[tilespmem:v4+s18+$0x0] =	vst.idx.msk vm1, v5  }
0xa9: {  	[tilespmem:s28+$0x0] =	vst v1  }
0xaa: {  	v4 =	vld [tilespmem:s29+$0x0];
	_ =	sdelay $0x4  }
0xab: {  	vm1 =	vgt.s32 v4, $0x0  }
0xac: {  	v4 =	vsel vm1, $0x1, v1  }
0xad: {  	(xrf0) =	vadd.scan.msk.s32 $0xffff, v4  }
0xae: {  	s15 =	spop (v2sf)  }
0xaf: {  	s2 =	sadd.s32 s2, s15  }
0xb0: {  	v4 =	vmov s2  }
0xb1: {  	v4 =	vadd.s32 $0xFFFFFFFF, v4  }
0xb2: {  	v4 =	vbroadcast v4, $0x0  }
0xb3: {  	v5, _, _ =	vpop (xrf0)  }
0xb4: {  	v4 =	vadd.s32 v5, v4;
	(v2sf) =	vpush v5, $0xF;
	_ =	sdelay $0x2  }
0xb5: {  	s15 =	sadd.s32 $0x20, s26  }
0xb6: {  	v5 =	vor.u32 s15, v2  }
0xb7: {  	[tilespmem:v4+s18+$0x0] =	vst.idx.msk vm1, v5  }
0xb8: {  	[tilespmem:s28+$0x10] =	vst v1  }
0xb9: {  	v4 =	vld [tilespmem:s29+$0x10];
	_ =	sdelay $0x4  }
0xba: {  	vm1 =	vgt.s32 v4, $0x0  }
0xbb: {  	v4 =	vsel vm1, $0x1, v1  }
0xbc: {  	(xrf0) =	vadd.scan.msk.s32 $0xffff, v4  }
0xbd: {  	s15 =	spop (v2sf)  }
0xbe: {  	s15 =	sadd.s32 s2, s15  }
0xbf: {  	v4 =	vmov s15  }
0xc0: {  	v4 =	vadd.s32 $0xFFFFFFFF, v4  }
0xc1: {  	v4 =	vbroadcast v4, $0x0  }
0xc2: {  	v5, _, _ =	vpop (xrf0)  }
0xc3: {  	(v2sf) =	vpush v5, $0xF;
	v4 =	vadd.s32 v5, v4;
	_ =	sdelay $0x2  }
0xc4: {  	s2 =	sadd.s32 $0x30, s26  }
0xc5: {  	v5 =	vor.u32 s2, v2  }
0xc6: {  	s28 =	sadd.s32 $0x40, s28;
	[tilespmem:v4+s18+$0x0] =	vst.idx.msk vm1, v5  }
0xc7: {  	s29 =	sadd.s32 $0x40, s29;
	[tilespmem:s28+$0xFFFFFFE0] =	vst v1  }
0xc8: {  	v4 =	vld [tilespmem:s29+$0xFFFFFFE0];
	_ =	sdelay $0x1  }
0xc9: {  	s14 =	sadd.s32 $0x4, s14  }
0xca: {  	p1 =	slt.u32 s14, $0x1FC  }
.Ltmp8:
0xcb: {  	_ = 	snop;
	(pc) =	sbr.rel @!p1 .LBB2_9-.Ltmp8, $4  }
0xcc: {  	vm1 =	vgt.s32 v4, $0x0  }
0xcd: {  	v4 =	vsel vm1, $0x1, v1  }
0xce: {  	(xrf0) =	vadd.scan.msk.s32 $0xffff, v4  }
0xcf: {  	p0 =	por $0x1, $0x1;
	s31 =	smov.u32 s26;
	s2 =	spop (v2sf)  }
.LBB2_10:
0xd0: {  	s14 =	sadd.s32 $0x4, s14;
	s2 =	sadd.s32 s15, s2;
	s31 =	sadd.s32 $0x40, s31  }
0xd1: {  	p1 =	slt.u32 s14, $0x1FC;
	v4 =	vmov s2  }
0xd2: {  	v4 =	vadd.s32 $0xFFFFFFFF, v4  }
0xd3: {  	v4 =	vbroadcast v4, $0x0  }
0xd4: {  	v5, _, _ =	vpop (xrf0)  }
0xd5: {  	v4 =	vadd.s32 v5, v4;
	(v2sf) =	vpush v5, $0xF;
	_ =	sdelay $0x3  }
0xd6: {  	v5 =	vor.u32 s31, v2  }
0xd7: {  	[tilespmem:v4+s18+$0x0] =	vst.idx.msk vm1, v5  }
0xd8: {  	[tilespmem:s28+$0xFFFFFFF0] =	vst v1  }
0xd9: {  	v4 =	vld [tilespmem:s29+$0xFFFFFFF0];
	_ =	sdelay $0x4  }
0xda: {  	vm1 =	vgt.s32 v4, $0x0  }
0xdb: {  	v4 =	vsel vm1, $0x1, v1  }
0xdc: {  	(xrf0) =	vadd.scan.msk.s32 $0xffff, v4  }
0xdd: {  	s15 =	spop (v2sf)  }
0xde: {  	s2 =	sadd.s32 s2, s15  }
0xdf: {  	v4 =	vmov s2  }
0xe0: {  	v4 =	vadd.s32 $0xFFFFFFFF, v4  }
0xe1: {  	v4 =	vbroadcast v4, $0x0  }
0xe2: {  	v5, _, _ =	vpop (xrf0)  }
0xe3: {  	v4 =	vadd.s32 v5, v4;
	(v2sf) =	vpush v5, $0xF;
	_ =	sdelay $0x2  }
0xe4: {  	s15 =	sadd.s32 $0x10, s31  }
0xe5: {  	v5 =	vor.u32 s15, v2  }
0xe6: {  	[tilespmem:v4+s18+$0x0] =	vst.idx.msk vm1, v5  }
0xe7: {  	[tilespmem:s28+$0x0] =	vst v1  }
0xe8: {  	v4 =	vld [tilespmem:s29+$0x0];
	_ =	sdelay $0x4  }
0xe9: {  	vm1 =	vgt.s32 v4, $0x0  }
0xea: {  	v4 =	vsel vm1, $0x1, v1  }
0xeb: {  	(xrf0) =	vadd.scan.msk.s32 $0xffff, v4  }
0xec: {  	s15 =	spop (v2sf)  }
0xed: {  	s2 =	sadd.s32 s2, s15  }
0xee: {  	v4 =	vmov s2  }
0xef: {  	v4 =	vadd.s32 $0xFFFFFFFF, v4  }
0xf0: {  	v4 =	vbroadcast v4, $0x0  }
0xf1: {  	v5, _, _ =	vpop (xrf0)  }
0xf2: {  	v4 =	vadd.s32 v5, v4;
	(v2sf) =	vpush v5, $0xF;
	_ =	sdelay $0x2  }
0xf3: {  	s15 =	sadd.s32 $0x20, s31  }
0xf4: {  	v5 =	vor.u32 s15, v2  }
0xf5: {  	[tilespmem:v4+s18+$0x0] =	vst.idx.msk vm1, v5  }
0xf6: {  	[tilespmem:s28+$0x10] =	vst v1  }
0xf7: {  	v4 =	vld [tilespmem:s29+$0x10];
	_ =	sdelay $0x4  }
0xf8: {  	vm1 =	vgt.s32 v4, $0x0  }
0xf9: {  	v4 =	vsel vm1, $0x1, v1  }
0xfa: {  	(xrf0) =	vadd.scan.msk.s32 $0xffff, v4  }
0xfb: {  	s15 =	spop (v2sf)  }
0xfc: {  	s15 =	sadd.s32 s2, s15  }
0xfd: {  	v4 =	vmov s15  }
0xfe: {  	v4 =	vadd.s32 $0xFFFFFFFF, v4  }
0xff: {  	v4 =	vbroadcast v4, $0x0  }
0x100: {  	v5, _, _ =	vpop (xrf0)  }
0x101: {  	v4 =	vadd.s32 v5, v4;
	(v2sf) =	vpush v5, $0xF;
	_ =	sdelay $0x2  }
0x102: {  	s2 =	sadd.s32 $0x30, s31  }
0x103: {  	v5 =	vor.u32 s2, v2  }
0x104: {  	s28 =	sadd.s32 $0x40, s28;
	[tilespmem:v4+s18+$0x0] =	vst.idx.msk vm1, v5  }
0x105: {  	s29 =	sadd.s32 $0x40, s29;
	[tilespmem:s28+$0xFFFFFFE0] =	vst v1  }
0x106: {  	v4 =	vld [tilespmem:s29+$0xFFFFFFE0];
	_ =	sdelay $0x3  }
.Ltmp9:
0x107: {  	(pc) =	sbr.rel @p1 .LBB2_10-.Ltmp9, $4  }
0x108: {  	vm1 =	vgt.s32 v4, $0x0  }
0x109: {  	v4 =	vsel vm1, $0x1, v1  }
0x10a: {  	(xrf0) =	vadd.scan.msk.s32 $0xffff, v4  }
0x10b: {  	s2 =	spop (v2sf)  }
.LBB2_11:
0x10c: {  	s2 =	sadd.s32 @p0 s15, s2  }
0x10d: {  	s30 =	smov.u32 @p0 s2  }
0x10e: {  	v4 =	vmov s30  }
0x10f: {  	v4 =	vadd.s32 $0xFFFFFFFF, v4  }
0x110: {  	v4 =	vbroadcast v4, $0x0  }
0x111: {  	v5, _, _ =	vpop (xrf0)  }
0x112: {  	(v2sf) =	vpush v5, $0xF;
	v4 =	vadd.s32 v5, v4;
	_ =	sdelay $0x1  }
0x113: {  	s2 =	sadd.s32 @p0 $0x40, s31  }
0x114: {  	s26 =	smov.u32 @p0 s2  }
0x115: {  	v5 =	vor.u32 s26, v2  }
0x116: {  	[tilespmem:v4+s18+$0x0] =	vst.idx.msk vm1, v5  }
0x117: {  	[tilespmem:s28+$0xFFFFFFF0] =	vst v1  }
0x118: {  	v4 =	vld [tilespmem:s29+$0xFFFFFFF0];
	_ =	sdelay $0x4  }
0x119: {  	vm1 =	vgt.s32 v4, $0x0  }
0x11a: {  	v4 =	vsel vm1, $0x1, v1  }
0x11b: {  	(xrf0) =	vadd.scan.msk.s32 $0xffff, v4  }
0x11c: {  	s15 =	spop (v2sf)  }
0x11d: {  	s2 =	sadd.s32 s30, s15  }
0x11e: {  	v4 =	vmov s2  }
0x11f: {  	v4 =	vadd.s32 $0xFFFFFFFF, v4  }
0x120: {  	v4 =	vbroadcast v4, $0x0  }
0x121: {  	v5, _, _ =	vpop (xrf0)  }
0x122: {  	v4 =	vadd.s32 v5, v4;
	(v2sf) =	vpush v5, $0xF;
	_ =	sdelay $0x2  }
0x123: {  	s14 =	sadd.s32 $0x10, s26  }
0x124: {  	v5 =	vor.u32 s14, v2  }
0x125: {  	[tilespmem:v4+s18+$0x0] =	vst.idx.msk vm1, v5  }
0x126: {  	[tilespmem:s28+$0x0] =	vst v1  }
0x127: {  	v4 =	vld [tilespmem:s29+$0x0];
	_ =	sdelay $0x4  }
0x128: {  	vm1 =	vgt.s32 v4, $0x0  }
0x129: {  	v4 =	vsel vm1, $0x1, v1  }
0x12a: {  	(xrf0) =	vadd.scan.msk.s32 $0xffff, v4  }
0x12b: {  	s31 =	spop (v2sf)  }
0x12c: {  	s2 =	sadd.s32 s2, s31  }
0x12d: {  	v4 =	vmov s2  }
0x12e: {  	v4 =	vadd.s32 $0xFFFFFFFF, v4  }
0x12f: {  	v4 =	vbroadcast v4, $0x0  }
0x130: {  	v5, _, _ =	vpop (xrf0)  }
0x131: {  	v4 =	vadd.s32 v5, v4;
	_ =	sdelay $0x2  }
0x132: {  	s15 =	sadd.s32 $0x20, s26  }
0x133: {  	v6 =	vor.u32 s15, v2  }
0x134: {  	[tilespmem:v4+s18+$0x0] =	vst.idx.msk vm1, v6  }
0x135: {  	[tilespmem:s28+$0x10] =	vst v1  }
0x136: {  	v4 =	vld [tilespmem:s29+$0x10];
	_ =	sdelay $0x3  }
0x137: {  	(v2sf) =	vpush v5, $0xF  }
0x138: {  	vm1 =	vgt.s32 v4, $0x0  }
0x139: {  	v4 =	vsel vm1, $0x1, v1  }
0x13a: {  	(xrf0) =	vadd.scan.msk.s32 $0xffff, v4;
	_ =	sdelay $0x5  }
0x13b: {  	v4, _, _ =	vpop (xrf0)  }
0x13c: {  	(v2sf) =	vpush v4, $0xF;
	_ =	sdelay $0x4  }
0x13d: {  	s29 =	spop (v2sf)  }
0x13e: {  	s2 =	sadd.s32 s2, s29  }
0x13f: {  	v5 =	vmov s2  }
0x140: {  	v5 =	vadd.s32 $0xFFFFFFFF, v5  }
0x141: {  	v5 =	vbroadcast v5, $0x0;
	_ =	sdelay $0x1  }
0x142: {  	v4 =	vadd.s32 v4, v5;
	_ =	sdelay $0x2  }
0x143: {  	s30 =	sadd.s32 $0x30, s26  }
0x144: {  	v5 =	vor.u32 s30, v2;
	s31 =	spop (v2sf)  }
0x145: {  	[tilespmem:v4+s18+$0x0] =	vst.idx.msk vm1, v5;
	s14 =	sadd.s32 s2, s31  }
0x146: {  	[tilespmem:s14+$0x12080] =	vst v1;
	s2 =	sadd.s32 $0x7F, s14  }
0x147: {  	[tilespmem:s14+$0x12090] =	vst v1;
	s15 =	sshra.s32 s2, $0x7  }
0x148: {  	[tilespmem:s14+$0x120A0] =	vst v1;
	p0 =	sgt.s32 s15, $0x0  }
.Ltmp10:
0x149: {  	[tilespmem:s14+$0x120B0] =	vst v1;
	(pc) =	sbr.rel @p0 .LBB2_19-.Ltmp10, $4  }
0x14a: {  	[tilespmem:s14+$0x120C0] =	vst v1  }
0x14b: {  	[tilespmem:s14+$0x120D0] =	vst v1  }
0x14c: {  	[tilespmem:s14+$0x120E0] =	vst v1  }
0x14d: {  	s26 =	simm.s32 $0x0;
	[tilespmem:s14+$0x120F0] =	vst v1;
	s28 =	smov.u32 s14  }
.LBB2_12:
0x14e: {  	s14 =	simm.s32 $0xE0A0  }
0x14f: {  	s15 =	simm.s32 $0x100A0;
	v9 =	vld [tilespmem:s14+$0xFFFFFFE0]  }
0x150: {  	v10 =	vld [tilespmem:s15+$0xFFFFFFE0];
	_ =	sdelay $0x4  }
0x151: {  	vm1 =	veq.s32 v9, $0x0;
	vm2 =	vgt.s32 v10, $0x0  }
0x152: {  	vm2 =	vmand vm2, vm1  }
0x153: {  	v9 =	vsel vm2, $0x1, v1  }
0x154: {  	v4 =	vmov s1;
	s1 =	simm.s32 $0x2020;
	[tilespmem:s15+$0xFFFFFFE0] =	vst v9  }
0x155: {  	s2 =	simm.s32 $0x20;
	v9 =	vld [tilespmem:s1+$0xFFFFFFE0]  }
0x156: {  	v10 =	vld [tilespmem:s2+$0xFFFFFFE0]  }
0x157: {  	s28 =	simm.s32 $0x4020  }
0x158: {  	v11 =	vld [tilespmem:s28+$0xFFFFFFE0];
	_ =	sdelay $0x1  }
0x159: {  	v5 =	vmov s13  }
0x15a: {  	v9 =	vsub.f32 v9, v5;
	v10 =	vsub.f32 v10, v4  }
0x15b: {  	v6 =	vmov s0  }
0x15c: {  	v11 =	vsub.f32 v11, v6;
	v9 =	vmul.f32 v9, v9;
	v10 =	vmul.f32 v10, v10;
	_ =	sdelay $0x1  }
0x15d: {  	v9 =	vadd.f32 v9, v10;
	v10 =	vmul.f32 v11, v11;
	_ =	sdelay $0x1  }
0x15e: {  	v9 =	vadd.f32 v10, v9;
	_ =	sdelay $0x1  }
0x15f: {  	v9 =	vmax.f32 v9, $1.000000000e-30  }
0x160: {  	v10 =	vshra.s32 v9, $0x1;
	v11 =	vmul.f32 $5.000000000e-01, v9  }
0x161: {  	v10 =	vsub.s32 $0x5F3759DF, v10  }
0x162: {  	v12 =	vmul.f32 v10, v11;
	_ =	sdelay $0x1  }
0x163: {  	v12 =	vmul.f32 v10, v12;
	_ =	sdelay $0x1  }
0x164: {  	v12 =	vsub.f32 $1.500000000e+00, v12;
	_ =	sdelay $0x1  }
0x165: {  	v10 =	vmul.f32 v10, v12;
	_ =	sdelay $0x1  }
0x166: {  	v12 =	vmul.f32 v10, v11;
	_ =	sdelay $0x1  }
0x167: {  	v12 =	vmul.f32 v12, v10;
	_ =	sdelay $0x1  }
0x168: {  	v12 =	vsub.f32 $1.500000000e+00, v12;
	_ =	sdelay $0x1  }
0x169: {  	v10 =	vmul.f32 v12, v10;
	_ =	sdelay $0x1  }
0x16a: {  	v11 =	vmul.f32 v10, v11;
	_ =	sdelay $0x1  }
0x16b: {  	v11 =	vmul.f32 v11, v10;
	_ =	sdelay $0x1  }
0x16c: {  	v11 =	vsub.f32 $1.500000000e+00, v11;
	_ =	sdelay $0x1  }
0x16d: {  	v10 =	vmul.f32 v11, v10;
	_ =	sdelay $0x1  }
0x16e: {  	v10 =	vmul.f32 v10, v9  }
0x16f: {  	s26 =	simm.s32 $0x8020  }
0x170: {  	[tilespmem:s26+$0xFFFFFFE0] =	vst v10  }
0x171: {  	v9 =	vld [tilespmem:s15+$0xFFFFFFF0]  }
0x172: {  	v11 =	vld [tilespmem:s14+$0xFFFFFFF0];
	_ =	sdelay $0x4  }
0x173: {  	vm1 =	vgt.s32 v9, $0x0;
	vm3 =	veq.s32 v11, $0x0  }
0x174: {  	vm3 =	vmand vm1, vm3  }
0x175: {  	v9 =	vsel vm3, $0x1, v1  }
0x176: {  	[tilespmem:s15+$0xFFFFFFF0] =	vst v9  }
0x177: {  	v9 =	vld [tilespmem:s2+$0xFFFFFFF0]  }
0x178: {  	v11 =	vld [tilespmem:s1+$0xFFFFFFF0];
	_ =	sdelay $0x1  }
0x179: {  	v12 =	vld [tilespmem:s28+$0xFFFFFFF0];
	_ =	sdelay $0x2  }
0x17a: {  	v9 =	vsub.f32 v9, v4;
	v11 =	vsub.f32 v11, v5;
	_ =	sdelay $0x1  }
0x17b: {  	v12 =	vsub.f32 v12, v6;
	v9 =	vmul.f32 v9, v9;
	v11 =	vmul.f32 v11, v11;
	_ =	sdelay $0x1  }
0x17c: {  	v9 =	vadd.f32 v11, v9;
	v11 =	vmul.f32 v12, v12;
	_ =	sdelay $0x1  }
0x17d: {  	v9 =	vadd.f32 v11, v9;
	_ =	sdelay $0x1  }
0x17e: {  	v9 =	vmax.f32 v9, $1.000000000e-30  }
0x17f: {  	v11 =	vshra.s32 v9, $0x1;
	v12 =	vmul.f32 $5.000000000e-01, v9  }
0x180: {  	v11 =	vsub.s32 $0x5F3759DF, v11  }
0x181: {  	v13 =	vmul.f32 v11, v12;
	_ =	sdelay $0x1  }
0x182: {  	v13 =	vmul.f32 v11, v13;
	_ =	sdelay $0x1  }
0x183: {  	v13 =	vsub.f32 $1.500000000e+00, v13;
	_ =	sdelay $0x1  }
0x184: {  	v11 =	vmul.f32 v11, v13;
	_ =	sdelay $0x1  }
0x185: {  	v13 =	vmul.f32 v11, v12;
	_ =	sdelay $0x1  }
0x186: {  	v13 =	vmul.f32 v13, v11;
	_ =	sdelay $0x1  }
0x187: {  	v13 =	vsub.f32 $1.500000000e+00, v13;
	_ =	sdelay $0x1  }
0x188: {  	v11 =	vmul.f32 v13, v11;
	_ =	sdelay $0x1  }
0x189: {  	v12 =	vmul.f32 v11, v12;
	_ =	sdelay $0x1  }
0x18a: {  	v12 =	vmul.f32 v12, v11;
	_ =	sdelay $0x1  }
0x18b: {  	v12 =	vsub.f32 $1.500000000e+00, v12;
	_ =	sdelay $0x1  }
0x18c: {  	v11 =	vmul.f32 v12, v11;
	_ =	sdelay $0x1  }
0x18d: {  	v12 =	vmul.f32 v11, v9;
	_ =	sdelay $0x1  }
0x18e: {  	[tilespmem:s26+$0xFFFFFFF0] =	vst v12  }
0x18f: {  	v9 =	vld [tilespmem:s15+$0x0]  }
0x190: {  	v11 =	vld [tilespmem:s14+$0x0];
	_ =	sdelay $0x4  }
0x191: {  	vm1 =	vgt.s32 v9, $0x0;
	vm4 =	veq.s32 v11, $0x0  }
0x192: {  	vm4 =	vmand vm1, vm4  }
0x193: {  	v9 =	vsel vm4, $0x1, v1  }
0x194: {  	[tilespmem:s15+$0x0] =	vst v9  }
0x195: {  	v9 =	vld [tilespmem:s2+$0x0]  }
0x196: {  	v11 =	vld [tilespmem:s1+$0x0];
	_ =	sdelay $0x1  }
0x197: {  	v13 =	vld [tilespmem:s28+$0x0];
	_ =	sdelay $0x2  }
0x198: {  	v9 =	vsub.f32 v9, v4;
	v11 =	vsub.f32 v11, v5;
	_ =	sdelay $0x1  }
0x199: {  	v13 =	vsub.f32 v13, v6;
	v9 =	vmul.f32 v9, v9;
	v11 =	vmul.f32 v11, v11;
	_ =	sdelay $0x1  }
0x19a: {  	v9 =	vadd.f32 v11, v9;
	v11 =	vmul.f32 v13, v13;
	_ =	sdelay $0x1  }
0x19b: {  	v9 =	vadd.f32 v11, v9;
	_ =	sdelay $0x1  }
0x19c: {  	v9 =	vmax.f32 v9, $1.000000000e-30  }
0x19d: {  	v11 =	vshra.s32 v9, $0x1;
	v13 =	vmul.f32 $5.000000000e-01, v9  }
0x19e: {  	v11 =	vsub.s32 $0x5F3759DF, v11  }
0x19f: {  	v14 =	vmul.f32 v11, v13;
	_ =	sdelay $0x1  }
0x1a0: {  	v14 =	vmul.f32 v11, v14;
	_ =	sdelay $0x1  }
0x1a1: {  	v14 =	vsub.f32 $1.500000000e+00, v14;
	_ =	sdelay $0x1  }
0x1a2: {  	v11 =	vmul.f32 v11, v14;
	_ =	sdelay $0x1  }
0x1a3: {  	v14 =	vmul.f32 v11, v13;
	_ =	sdelay $0x1  }
0x1a4: {  	v14 =	vmul.f32 v14, v11;
	_ =	sdelay $0x1  }
0x1a5: {  	v14 =	vsub.f32 $1.500000000e+00, v14;
	_ =	sdelay $0x1  }
0x1a6: {  	v11 =	vmul.f32 v14, v11;
	_ =	sdelay $0x1  }
0x1a7: {  	v13 =	vmul.f32 v11, v13;
	_ =	sdelay $0x1  }
0x1a8: {  	v13 =	vmul.f32 v13, v11;
	_ =	sdelay $0x1  }
0x1a9: {  	v13 =	vsub.f32 $1.500000000e+00, v13;
	_ =	sdelay $0x1  }
0x1aa: {  	v11 =	vmul.f32 v13, v11;
	_ =	sdelay $0x1  }
0x1ab: {  	v13 =	vmul.f32 v11, v9;
	_ =	sdelay $0x1  }
0x1ac: {  	[tilespmem:s26+$0x0] =	vst v13  }
0x1ad: {  	v9 =	vld [tilespmem:s15+$0x10]  }
0x1ae: {  	v11 =	vld [tilespmem:s14+$0x10];
	_ =	sdelay $0x4  }
0x1af: {  	vm1 =	vgt.s32 v9, $0x0;
	vm5 =	veq.s32 v11, $0x0  }
0x1b0: {  	vm1 =	vmand vm1, vm5  }
0x1b1: {  	v9 =	vsel vm1, $0x1, v1  }
0x1b2: {  	[tilespmem:s15+$0x10] =	vst v9  }
0x1b3: {  	v9 =	vld [tilespmem:s2+$0x10]  }
0x1b4: {  	v11 =	vld [tilespmem:s1+$0x10];
	_ =	sdelay $0x1  }
0x1b5: {  	v14 =	vld [tilespmem:s28+$0x10];
	_ =	sdelay $0x2  }
0x1b6: {  	v9 =	vsub.f32 v9, v4;
	v11 =	vsub.f32 v11, v5;
	_ =	sdelay $0x1  }
0x1b7: {  	v14 =	vsub.f32 v14, v6;
	v9 =	vmul.f32 v9, v9;
	v11 =	vmul.f32 v11, v11;
	_ =	sdelay $0x1  }
0x1b8: {  	v14 =	vmul.f32 v14, v14;
	v9 =	vadd.f32 v11, v9;
	_ =	sdelay $0x1  }
0x1b9: {  	v9 =	vadd.f32 v14, v9;
	_ =	sdelay $0x1  }
0x1ba: {  	v15 =	vmax.f32 v9, $1.000000000e-30  }
0x1bb: {  	v9 =	vshra.s32 v15, $0x1;
	v11 =	vmul.f32 $5.000000000e-01, v15  }
0x1bc: {  	v9 =	vsub.s32 $0x5F3759DF, v9  }
0x1bd: {  	v14 =	vmul.f32 v9, v11;
	_ =	sdelay $0x1  }
0x1be: {  	v14 =	vmul.f32 v9, v14;
	_ =	sdelay $0x1  }
0x1bf: {  	v14 =	vsub.f32 $1.500000000e+00, v14;
	_ =	sdelay $0x1  }
0x1c0: {  	v9 =	vmul.f32 v9, v14;
	_ =	sdelay $0x1  }
0x1c1: {  	v14 =	vmul.f32 v9, v11;
	_ =	sdelay $0x1  }
0x1c2: {  	v14 =	vmul.f32 v14, v9;
	_ =	sdelay $0x1  }
0x1c3: {  	v14 =	vsub.f32 $1.500000000e+00, v14;
	_ =	sdelay $0x1  }
0x1c4: {  	v16 =	vmul.f32 v14, v9  }
0x1c5: {  	v8 =	vimm.f32 $1.000000020e+30  }
0x1c6: {  	v7 =	vimm.f32 $-1.000000020e+30;
	v9 =	vnsel vm2, $0x7149F2CA, v10;
	v17 =	vmul.f32 v16, v11  }
0x1c7: {  	s30 =	simm.s32 $0x0;
	s31 =	simm.s32 $0x100E0;
	s13 =	simm.s32 $0xE0E0;
	v10 =	vnsel vm2, $0xF149F2CA, v10;
	v14 =	vnsel vm4, $0x7149F2CA, v13;
	v13 =	vnsel vm4, $0xF149F2CA, v13  }
0x1c8: {  	s0 =	simm.s32 $0x60;
	s29 =	simm.s32 $0x8020;
	s1 =	simm.s32 $0x2060;
	v11 =	vnsel vm3, $0x7149F2CA, v12;
	v12 =	vnsel vm3, $0xF149F2CA, v12;
	v17 =	vmul.f32 v17, v16  }
.LBB2_13:
0x1c9: {  	s30 =	sadd.s32 $0x4, s30;
	s26 =	sadd.s32 $0x40, s26;
	s28 =	sadd.s32 $0x40, s28  }
0x1ca: {  	p0 =	slt.u32 s30, $0x1FC;
	v17 =	vsub.f32 $1.500000000e+00, v17;
	_ =	sdelay $0x1  }
0x1cb: {  	v16 =	vmul.f32 v17, v16  }
0x1cc: {  	v8 =	vmin.f32 v8, v9;
	v7 =	vmax.f32 v7, v10  }
0x1cd: {  	v8 =	vmin.f32 v8, v11;
	v7 =	vmax.f32 v7, v12;
	v9 =	vmul.f32 v16, v15  }
0x1ce: {  	v8 =	vmin.f32 v8, v14;
	v7 =	vmax.f32 v7, v13  }
0x1cf: {  	[tilespmem:s29+$0x10] =	vst v9;
	v10 =	vnsel vm1, $0x7149F2CA, v9;
	v9 =	vnsel vm1, $0xF149F2CA, v9;
	s29 =	smov.u32 s26  }
0x1d0: {  	v11 =	vld [tilespmem:s13+$0xFFFFFFE0];
	v8 =	vmin.f32 v8, v10;
	v7 =	vmax.f32 v7, v9  }
0x1d1: {  	v9 =	vld [tilespmem:s31+$0xFFFFFFE0];
	_ =	sdelay $0x3  }
0x1d2: {  	vm1 =	veq.s32 v11, $0x0  }
0x1d3: {  	vm2 =	vgt.s32 v9, $0x0  }
0x1d4: {  	vm1 =	vmand vm2, vm1  }
0x1d5: {  	v9 =	vsel vm1, $0x1, v1  }
0x1d6: {  	[tilespmem:s31+$0xFFFFFFE0] =	vst v9  }
0x1d7: {  	v9 =	vld [tilespmem:s1+$0xFFFFFFE0]  }
0x1d8: {  	v10 =	vld [tilespmem:s0+$0xFFFFFFE0];
	_ =	sdelay $0x1  }
0x1d9: {  	v11 =	vld [tilespmem:s28+$0xFFFFFFE0];
	_ =	sdelay $0x1  }
0x1da: {  	v9 =	vsub.f32 v9, v5  }
0x1db: {  	v10 =	vsub.f32 v10, v4  }
0x1dc: {  	v9 =	vmul.f32 v9, v9  }
0x1dd: {  	v11 =	vsub.f32 v11, v6;
	v10 =	vmul.f32 v10, v10;
	_ =	sdelay $0x1  }
0x1de: {  	v9 =	vadd.f32 v9, v10;
	v10 =	vmul.f32 v11, v11;
	_ =	sdelay $0x1  }
0x1df: {  	v9 =	vadd.f32 v10, v9;
	_ =	sdelay $0x1  }
0x1e0: {  	v9 =	vmax.f32 v9, $1.000000000e-30  }
0x1e1: {  	v10 =	vshra.s32 v9, $0x1;
	v11 =	vmul.f32 $5.000000000e-01, v9  }
0x1e2: {  	v10 =	vsub.s32 $0x5F3759DF, v10  }
0x1e3: {  	v12 =	vmul.f32 v10, v11;
	_ =	sdelay $0x1  }
0x1e4: {  	v12 =	vmul.f32 v10, v12;
	_ =	sdelay $0x1  }
0x1e5: {  	v12 =	vsub.f32 $1.500000000e+00, v12;
	_ =	sdelay $0x1  }
0x1e6: {  	v10 =	vmul.f32 v10, v12;
	_ =	sdelay $0x1  }
0x1e7: {  	v12 =	vmul.f32 v10, v11;
	_ =	sdelay $0x1  }
0x1e8: {  	v12 =	vmul.f32 v12, v10;
	_ =	sdelay $0x1  }
0x1e9: {  	v12 =	vsub.f32 $1.500000000e+00, v12;
	_ =	sdelay $0x1  }
0x1ea: {  	v10 =	vmul.f32 v12, v10;
	_ =	sdelay $0x1  }
0x1eb: {  	v11 =	vmul.f32 v10, v11;
	_ =	sdelay $0x1  }
0x1ec: {  	v11 =	vmul.f32 v11, v10;
	_ =	sdelay $0x1  }
0x1ed: {  	v11 =	vsub.f32 $1.500000000e+00, v11;
	_ =	sdelay $0x1  }
0x1ee: {  	v10 =	vmul.f32 v11, v10;
	_ =	sdelay $0x1  }
0x1ef: {  	v10 =	vmul.f32 v10, v9;
	_ =	sdelay $0x1  }
0x1f0: {  	[tilespmem:s26+$0xFFFFFFE0] =	vst v10;
	v9 =	vnsel vm1, $0x7149F2CA, v10;
	v10 =	vnsel vm1, $0xF149F2CA, v10  }
0x1f1: {  	v11 =	vld [tilespmem:s31+$0xFFFFFFF0]  }
0x1f2: {  	v12 =	vld [tilespmem:s13+$0xFFFFFFF0];
	_ =	sdelay $0x4  }
0x1f3: {  	vm1 =	vgt.s32 v11, $0x0;
	vm2 =	veq.s32 v12, $0x0  }
0x1f4: {  	vm1 =	vmand vm1, vm2  }
0x1f5: {  	v11 =	vsel vm1, $0x1, v1  }
0x1f6: {  	[tilespmem:s31+$0xFFFFFFF0] =	vst v11  }
0x1f7: {  	v11 =	vld [tilespmem:s0+$0xFFFFFFF0]  }
0x1f8: {  	v12 =	vld [tilespmem:s1+$0xFFFFFFF0];
	_ =	sdelay $0x1  }
0x1f9: {  	v13 =	vld [tilespmem:s28+$0xFFFFFFF0];
	_ =	sdelay $0x1  }
0x1fa: {  	v11 =	vsub.f32 v11, v4  }
0x1fb: {  	v12 =	vsub.f32 v12, v5;
	_ =	sdelay $0x1  }
0x1fc: {  	v11 =	vmul.f32 v11, v11;
	v13 =	vsub.f32 v13, v6;
	v12 =	vmul.f32 v12, v12;
	_ =	sdelay $0x1  }
0x1fd: {  	v11 =	vadd.f32 v12, v11;
	v12 =	vmul.f32 v13, v13;
	_ =	sdelay $0x1  }
0x1fe: {  	v11 =	vadd.f32 v12, v11;
	_ =	sdelay $0x1  }
0x1ff: {  	v11 =	vmax.f32 v11, $1.000000000e-30  }
0x200: {  	v12 =	vshra.s32 v11, $0x1;
	v13 =	vmul.f32 $5.000000000e-01, v11  }
0x201: {  	v12 =	vsub.s32 $0x5F3759DF, v12  }
0x202: {  	v14 =	vmul.f32 v12, v13;
	_ =	sdelay $0x1  }
0x203: {  	v14 =	vmul.f32 v12, v14;
	_ =	sdelay $0x1  }
0x204: {  	v14 =	vsub.f32 $1.500000000e+00, v14;
	_ =	sdelay $0x1  }
0x205: {  	v12 =	vmul.f32 v12, v14;
	_ =	sdelay $0x1  }
0x206: {  	v14 =	vmul.f32 v12, v13;
	_ =	sdelay $0x1  }
0x207: {  	v14 =	vmul.f32 v14, v12;
	_ =	sdelay $0x1  }
0x208: {  	v14 =	vsub.f32 $1.500000000e+00, v14;
	_ =	sdelay $0x1  }
0x209: {  	v12 =	vmul.f32 v14, v12;
	_ =	sdelay $0x1  }
0x20a: {  	v13 =	vmul.f32 v12, v13;
	_ =	sdelay $0x1  }
0x20b: {  	v13 =	vmul.f32 v13, v12;
	_ =	sdelay $0x1  }
0x20c: {  	v13 =	vsub.f32 $1.500000000e+00, v13;
	_ =	sdelay $0x1  }
0x20d: {  	v12 =	vmul.f32 v13, v12;
	_ =	sdelay $0x1  }
0x20e: {  	v12 =	vmul.f32 v12, v11;
	_ =	sdelay $0x1  }
0x20f: {  	[tilespmem:s26+$0xFFFFFFF0] =	vst v12;
	v11 =	vnsel vm1, $0x7149F2CA, v12;
	v12 =	vnsel vm1, $0xF149F2CA, v12  }
0x210: {  	v13 =	vld [tilespmem:s31+$0x0]  }
0x211: {  	v14 =	vld [tilespmem:s13+$0x0];
	_ =	sdelay $0x4  }
0x212: {  	vm1 =	vgt.s32 v13, $0x0;
	vm2 =	veq.s32 v14, $0x0  }
0x213: {  	vm1 =	vmand vm1, vm2  }
0x214: {  	v13 =	vsel vm1, $0x1, v1  }
0x215: {  	[tilespmem:s31+$0x0] =	vst v13  }
0x216: {  	v13 =	vld [tilespmem:s0+$0x0]  }
0x217: {  	v14 =	vld [tilespmem:s1+$0x0]  }
0x218: {  	v15 =	vld [tilespmem:s28+$0x0];
	_ =	sdelay $0x2  }
0x219: {  	v13 =	vsub.f32 v13, v4  }
0x21a: {  	v14 =	vsub.f32 v14, v5  }
0x21b: {  	v15 =	vsub.f32 v15, v6  }
0x21c: {  	v13 =	vmul.f32 v13, v13;
	v14 =	vmul.f32 v14, v14;
	_ =	sdelay $0x1  }
0x21d: {  	v13 =	vadd.f32 v14, v13;
	v14 =	vmul.f32 v15, v15;
	_ =	sdelay $0x1  }
0x21e: {  	v13 =	vadd.f32 v14, v13;
	_ =	sdelay $0x1  }
0x21f: {  	v13 =	vmax.f32 v13, $1.000000000e-30  }
0x220: {  	v14 =	vshra.s32 v13, $0x1;
	v15 =	vmul.f32 $5.000000000e-01, v13  }
0x221: {  	v14 =	vsub.s32 $0x5F3759DF, v14  }
0x222: {  	v16 =	vmul.f32 v14, v15;
	_ =	sdelay $0x1  }
0x223: {  	v16 =	vmul.f32 v14, v16;
	_ =	sdelay $0x1  }
0x224: {  	v16 =	vsub.f32 $1.500000000e+00, v16;
	_ =	sdelay $0x1  }
0x225: {  	v14 =	vmul.f32 v14, v16;
	_ =	sdelay $0x1  }
0x226: {  	v16 =	vmul.f32 v14, v15;
	_ =	sdelay $0x1  }
0x227: {  	v16 =	vmul.f32 v16, v14;
	_ =	sdelay $0x1  }
0x228: {  	v16 =	vsub.f32 $1.500000000e+00, v16;
	_ =	sdelay $0x1  }
0x229: {  	v14 =	vmul.f32 v16, v14;
	_ =	sdelay $0x1  }
0x22a: {  	v15 =	vmul.f32 v14, v15;
	_ =	sdelay $0x1  }
0x22b: {  	v15 =	vmul.f32 v15, v14;
	_ =	sdelay $0x1  }
0x22c: {  	v15 =	vsub.f32 $1.500000000e+00, v15;
	_ =	sdelay $0x1  }
0x22d: {  	v14 =	vmul.f32 v15, v14;
	_ =	sdelay $0x1  }
0x22e: {  	v13 =	vmul.f32 v14, v13;
	_ =	sdelay $0x1  }
0x22f: {  	[tilespmem:s26+$0x0] =	vst v13;
	v14 =	vnsel vm1, $0x7149F2CA, v13;
	v13 =	vnsel vm1, $0xF149F2CA, v13  }
0x230: {  	v15 =	vld [tilespmem:s31+$0x10]  }
0x231: {  	v16 =	vld [tilespmem:s13+$0x10];
	_ =	sdelay $0x3  }
0x232: {  	vm1 =	vgt.s32 v15, $0x0  }
0x233: {  	vm2 =	veq.s32 v16, $0x0  }
0x234: {  	vm1 =	vmand vm1, vm2  }
0x235: {  	v15 =	vsel vm1, $0x1, v1  }
0x236: {  	[tilespmem:s31+$0x10] =	vst v15  }
0x237: {  	v15 =	vld [tilespmem:s0+$0x10]  }
0x238: {  	v16 =	vld [tilespmem:s1+$0x10]  }
0x239: {  	v17 =	vld [tilespmem:s28+$0x10];
	_ =	sdelay $0x2  }
0x23a: {  	v15 =	vsub.f32 v15, v4  }
0x23b: {  	v16 =	vsub.f32 v16, v5  }
0x23c: {  	v17 =	vsub.f32 v17, v6  }
0x23d: {  	v15 =	vmul.f32 v15, v15;
	v16 =	vmul.f32 v16, v16  }
0x23e: {  	v17 =	vmul.f32 v17, v17  }
0x23f: {  	v15 =	vadd.f32 v16, v15;
	_ =	sdelay $0x1  }
0x240: {  	v15 =	vadd.f32 v17, v15;
	_ =	sdelay $0x1  }
0x241: {  	v15 =	vmax.f32 v15, $1.000000000e-30  }
0x242: {  	v16 =	vshra.s32 v15, $0x1;
	v17 =	vmul.f32 $5.000000000e-01, v15  }
0x243: {  	v16 =	vsub.s32 $0x5F3759DF, v16  }
0x244: {  	v18 =	vmul.f32 v16, v17;
	_ =	sdelay $0x1  }
0x245: {  	v18 =	vmul.f32 v16, v18;
	_ =	sdelay $0x1  }
0x246: {  	v18 =	vsub.f32 $1.500000000e+00, v18;
	_ =	sdelay $0x1  }
0x247: {  	v16 =	vmul.f32 v16, v18;
	_ =	sdelay $0x1  }
0x248: {  	v18 =	vmul.f32 v16, v17;
	_ =	sdelay $0x1  }
0x249: {  	v18 =	vmul.f32 v18, v16;
	_ =	sdelay $0x1  }
0x24a: {  	v18 =	vsub.f32 $1.500000000e+00, v18;
	_ =	sdelay $0x1  }
.Ltmp11:
0x24b: {  	v16 =	vmul.f32 v18, v16;
	(pc) =	sbr.rel @p0 .LBB2_13-.Ltmp11, $4  }
0x24c: {  	_ = 	snop  }
0x24d: {  	v17 =	vmul.f32 v16, v17  }
0x24e: {  	s31 =	sadd.s32 $0x40, s31  }
0x24f: {  	s13 =	sadd.s32 $0x40, s13;
	s0 =	sadd.s32 $0x40, s0;
	s1 =	sadd.s32 $0x40, s1;
	v17 =	vmul.f32 v17, v16  }
0x250: {  	_ = 	snop  }
0x251: {  	v4 =	vsub.f32 $1.500000000e+00, v17;
	_ =	sdelay $0x1  }
0x252: {  	v4 =	vmul.f32 v4, v16;
	_ =	sdelay $0x1  }
0x253: {  	v5 =	vmin.f32 v8, v9;
	v4 =	vmul.f32 v4, v15  }
0x254: {  	v6 =	vmax.f32 v7, v10;
	v5 =	vmin.f32 v5, v11  }
0x255: {  	v6 =	vmax.f32 v6, v12;
	v5 =	vmin.f32 v5, v14;
	v7 =	vnsel vm1, $0x7149F2CA, v4  }
0x256: {  	v6 =	vmax.f32 v6, v13;
	v8 =	vnsel vm1, $0xF149F2CA, v4;
	v5 =	vmin.f32 v5, v7  }
0x257: {  	v6 =	vmax.f32 v6, v8;
	(xrf0) =	vmin.scan.msk.f32 $0xffff, v5  }
0x258: {  	(xrf0) =	vmax.scan.msk.f32 $0xffff, v6;
	_ =	sdelay $0x4  }
0x259: {  	v5, _, _ =	vpop (xrf0)  }
0x25a: {  	(v2sf) =	vpush v5, $0xF;
	v6, _, _ =	vpop (xrf0)  }
0x25b: {  	(v2sf) =	vpush v6, $0xF;
	_ =	sdelay $0xd  }
0x25c: {  	s13 =	simm.s32 $0x6020;
	[tilespmem:s29+$0x10] =	vst v4;
	s0 =	spop (v2sf)  }
0x25d: {  	v6 =	vld [tilespmem:s13+$0xFFFFFFE0];
	s1 =	spop (v2sf)  }
0x25e: {  	s0 =	ssub.f32 s1, s0;
	_ =	sdelay $0x1  }
0x25f: {  	s0 =	sadd.f32 $1.000000050e-03, s0  }
0x260: {  	v4 =	vmov s25  }
0x261: {  	v6 =	vsub.f32 v6, v4;
	v7 =	vmov s0  }
0x262: {  	(erf) = vrcp.f32 v7  }
0x263: {  	v6 =	vand.u32 $0x7FFFFFFF, v6  }
0x264: {  	s14 =	simm.s32 $0x100A0;
	v6 =	vsub.f32 $0.0e+00, v6  }
0x265: {  	v7 =	vld [tilespmem:s14+$0xFFFFFFE0]  }
0x266: {  	v6 =	vmul.f32 $1.442695020e+00, v6;
	s0 =	simm.s32 $0x8020  }
0x267: {  	v8 =	vld [tilespmem:s0+$0xFFFFFFE0]  }
0x268: {  	(erf) = vpow2.f32 v6;
	_ =	sdelay $0x1  }
0x269: {  	v5 =	vbroadcast v5, $0xF;
	vm1 =	vgt.s32 v7, $0x0  }
0x26a: {  	v7 =	vsel vm1, $0x1, v1;
	v6 =	vpop (erf)  }
0x26b: {  	v8 =	vsub.f32 v8, v5;
	(xrf0) =	vadd.scan.msk.s32 $0xffff, v7;
	v6 =	vbroadcast v6, $0x0;
	_ =	sdelay $0x1  }
0x26c: {  	s30 =	simm.s32 $0x0;
	v7 =	vmul.f32 v8, v6  }
0x26d: {  	v8 =	vmov s30  }
0x26e: {  	v8 =	vadd.s32 $0xFFFFFFFF, v8;
	v7 =	vsub.f32 $1.000000000e+00, v7  }
0x26f: {  	v9 =	vpop (erf);
	v8 =	vbroadcast v8, $0x0  }
0x270: {  	v9 =	vmul.f32 $6.000000240e-01, v9;
	v10, _, _ =	vpop (xrf0);
	v7 =	vmul.f32 $4.000000060e-01, v7  }
0x271: {  	v8 =	vadd.s32 v10, v8  }
0x272: {  	v7 =	vadd.f32 v9, v7;
	_ =	sdelay $0x1  }
0x273: {  	s1 =	simm.s32 $0xA020;
	v7 =	vnsel vm1, $0x0, v7  }
0x274: {  	[tilespmem:s1+$0xFFFFFFE0] =	vst v7  }
0x275: {  	[tilespmem:v8+s17+$0x0] =	vst.idx.msk vm1, v7  }
0x276: {  	v7 =	vld [tilespmem:s13+$0xFFFFFFF0];
	_ =	sdelay $0x1  }
0x277: {  	(v2sf) =	vpush v10, $0xF;
	_ =	sdelay $0x2  }
0x278: {  	v7 =	vsub.f32 v7, v4;
	_ =	sdelay $0x1  }
0x279: {  	v7 =	vand.u32 $0x7FFFFFFF, v7  }
0x27a: {  	v7 =	vsub.f32 $0.0e+00, v7  }
0x27b: {  	v8 =	vld [tilespmem:s14+$0xFFFFFFF0]  }
0x27c: {  	v7 =	vmul.f32 $1.442695020e+00, v7  }
0x27d: {  	v9 =	vld [tilespmem:s0+$0xFFFFFFF0]  }
0x27e: {  	(erf) = vpow2.f32 v7;
	_ =	sdelay $0x1  }
0x27f: {  	vm1 =	vgt.s32 v8, $0x0  }
0x280: {  	v7 =	vsel vm1, $0x1, v1  }
0x281: {  	v8 =	vsub.f32 v9, v5;
	(xrf0) =	vadd.scan.msk.s32 $0xffff, v7  }
0x282: {  	s2 =	spop (v2sf)  }
0x283: {  	s2 =	sadd.s32 $0x0, s2;
	v7 =	vmul.f32 v8, v6  }
0x284: {  	v8 =	vmov s2  }
0x285: {  	v8 =	vadd.s32 $0xFFFFFFFF, v8;
	v7 =	vsub.f32 $1.000000000e+00, v7  }
0x286: {  	v8 =	vbroadcast v8, $0x0;
	v9 =	vpop (erf)  }
0x287: {  	v7 =	vmul.f32 $4.000000060e-01, v7;
	v10, _, _ =	vpop (xrf0);
	v9 =	vmul.f32 $6.000000240e-01, v9  }
0x288: {  	v8 =	vadd.s32 v10, v8  }
0x289: {  	v7 =	vadd.f32 v9, v7;
	_ =	sdelay $0x1  }
0x28a: {  	v7 =	vnsel vm1, $0x0, v7  }
0x28b: {  	[tilespmem:s1+$0xFFFFFFF0] =	vst v7  }
0x28c: {  	[tilespmem:v8+s17+$0x0] =	vst.idx.msk vm1, v7  }
0x28d: {  	v7 =	vld [tilespmem:s13+$0x0];
	_ =	sdelay $0x1  }
0x28e: {  	(v2sf) =	vpush v10, $0xF;
	_ =	sdelay $0x2  }
0x28f: {  	v7 =	vsub.f32 v7, v4;
	_ =	sdelay $0x1  }
0x290: {  	v7 =	vand.u32 $0x7FFFFFFF, v7  }
0x291: {  	v7 =	vsub.f32 $0.0e+00, v7  }
0x292: {  	v8 =	vld [tilespmem:s14+$0x0]  }
0x293: {  	v7 =	vmul.f32 $1.442695020e+00, v7  }
0x294: {  	v9 =	vld [tilespmem:s0+$0x0]  }
0x295: {  	(erf) = vpow2.f32 v7;
	_ =	sdelay $0x1  }
0x296: {  	vm1 =	vgt.s32 v8, $0x0  }
0x297: {  	v7 =	vsel vm1, $0x1, v1  }
0x298: {  	v8 =	vsub.f32 v9, v5;
	(xrf0) =	vadd.scan.msk.s32 $0xffff, v7  }
0x299: {  	s15 =	spop (v2sf)  }
0x29a: {  	s2 =	sadd.s32 s2, s15;
	v7 =	vmul.f32 v8, v6  }
0x29b: {  	v8 =	vmov s2  }
0x29c: {  	v8 =	vadd.s32 $0xFFFFFFFF, v8;
	v7 =	vsub.f32 $1.000000000e+00, v7  }
0x29d: {  	v8 =	vbroadcast v8, $0x0;
	v9 =	vpop (erf)  }
0x29e: {  	v7 =	vmul.f32 $4.000000060e-01, v7;
	v10, _, _ =	vpop (xrf0);
	v9 =	vmul.f32 $6.000000240e-01, v9  }
0x29f: {  	v8 =	vadd.s32 v10, v8  }
0x2a0: {  	v7 =	vadd.f32 v9, v7;
	_ =	sdelay $0x1  }
0x2a1: {  	v7 =	vnsel vm1, $0x0, v7  }
0x2a2: {  	[tilespmem:s1+$0x0] =	vst v7  }
0x2a3: {  	(v2sf) =	vpush v10, $0xF;
	[tilespmem:v8+s17+$0x0] =	vst.idx.msk vm1, v7  }
0x2a4: {  	v8 =	vld [tilespmem:s13+$0x10]  }
0x2a5: {  	v7 =	vld [tilespmem:s14+$0x10];
	_ =	sdelay $0x3  }
0x2a6: {  	v8 =	vsub.f32 v8, v4  }
0x2a7: {  	vm1 =	vgt.s32 v7, $0x0  }
0x2a8: {  	v7 =	vsel vm1, $0x1, v1;
	v8 =	vand.u32 $0x7FFFFFFF, v8  }
0x2a9: {  	v9 =	vld [tilespmem:s0+$0x10];
	(xrf0) =	vadd.scan.msk.s32 $0xffff, v7;
	v8 =	vsub.f32 $0.0e+00, v8;
	_ =	sdelay $0x1  }
0x2aa: {  	v10 =	vmul.f32 $1.442695020e+00, v8;
	_ =	sdelay $0x1  }
0x2ab: {  	(erf) = vpow2.f32 v10  }
0x2ac: {  	v7 =	vsub.f32 v9, v5  }
0x2ad: {  	s31 =	spop (v2sf);
	v8, _, _ =	vpop (xrf0)  }
0x2ae: {  	s14 =	sadd.s32 s2, s31;
	v7 =	vmul.f32 v7, v6;
	(v2sf) =	vpush v8, $0xF  }
0x2af: {  	s26 =	simm.s32 $0x4;
	v9 =	vmov s14  }
0x2b0: {  	s28 =	simm.s32 $0xA020;
	s25 =	simm.s32 $0x100E0;
	s13 =	simm.s32 $0x6060;
	v9 =	vadd.s32 $0xFFFFFFFF, v9;
	v7 =	vsub.f32 $1.000000000e+00, v7  }
.LBB2_15:
0x2b1: {  	s26 =	sadd.s32 $0x4, s26;
	s1 =	sadd.s32 $0x40, s1;
	s0 =	sadd.s32 $0x40, s0  }
0x2b2: {  	p0 =	slt.u32 s26, $0x1FC;
	_ =	sdelay $0x1  }
0x2b3: {  	v9 =	vbroadcast v9, $0x0;
	v10 =	vpop (erf)  }
0x2b4: {  	v7 =	vmul.f32 $4.000000060e-01, v7;
	v10 =	vmul.f32 $6.000000240e-01, v10  }
0x2b5: {  	v8 =	vadd.s32 v8, v9  }
0x2b6: {  	v7 =	vadd.f32 v10, v7;
	_ =	sdelay $0x1  }
0x2b7: {  	v7 =	vnsel vm1, $0x0, v7  }
0x2b8: {  	[tilespmem:s28+$0x10] =	vst v7;
	s28 =	smov.u32 s1  }
0x2b9: {  	[tilespmem:v8+s17+$0x0] =	vst.idx.msk vm1, v7  }
0x2ba: {  	v7 =	vld [tilespmem:s13+$0xFFFFFFE0]  }
0x2bb: {  	s2 =	spop (v2sf)  }
0x2bc: {  	s14 =	sadd.s32 s14, s2  }
0x2bd: {  	v8 =	vmov s14  }
0x2be: {  	v8 =	vadd.s32 $0xFFFFFFFF, v8  }
0x2bf: {  	v7 =	vsub.f32 v7, v4;
	_ =	sdelay $0x1  }
0x2c0: {  	v7 =	vand.u32 $0x7FFFFFFF, v7  }
0x2c1: {  	v7 =	vsub.f32 $0.0e+00, v7  }
0x2c2: {  	v9 =	vld [tilespmem:s25+$0xFFFFFFE0]  }
0x2c3: {  	v7 =	vmul.f32 $1.442695020e+00, v7  }
0x2c4: {  	v10 =	vld [tilespmem:s0+$0xFFFFFFE0]  }
0x2c5: {  	(erf) = vpow2.f32 v7;
	_ =	sdelay $0x1  }
0x2c6: {  	vm1 =	vgt.s32 v9, $0x0  }
0x2c7: {  	v7 =	vsel vm1, $0x1, v1  }
0x2c8: {  	v9 =	vsub.f32 v10, v5;
	(xrf0) =	vadd.scan.msk.s32 $0xffff, v7;
	_ =	sdelay $0x1  }
0x2c9: {  	v7 =	vmul.f32 v9, v6;
	_ =	sdelay $0x1  }
0x2ca: {  	v7 =	vsub.f32 $1.000000000e+00, v7  }
0x2cb: {  	v8 =	vbroadcast v8, $0x0;
	v9 =	vpop (erf)  }
0x2cc: {  	v7 =	vmul.f32 $4.000000060e-01, v7;
	v9 =	vmul.f32 $6.000000240e-01, v9;
	v10, _, _ =	vpop (xrf0)  }
0x2cd: {  	v8 =	vadd.s32 v10, v8;
	(v2sf) =	vpush v10, $0xF  }
0x2ce: {  	v7 =	vadd.f32 v9, v7;
	_ =	sdelay $0x1  }
0x2cf: {  	v7 =	vnsel vm1, $0x0, v7  }
0x2d0: {  	[tilespmem:s1+$0xFFFFFFE0] =	vst v7  }
0x2d1: {  	[tilespmem:v8+s17+$0x0] =	vst.idx.msk vm1, v7  }
0x2d2: {  	v7 =	vld [tilespmem:s13+$0xFFFFFFF0];
	_ =	sdelay $0x4  }
0x2d3: {  	v7 =	vsub.f32 v7, v4;
	_ =	sdelay $0x1  }
0x2d4: {  	v7 =	vand.u32 $0x7FFFFFFF, v7  }
0x2d5: {  	v7 =	vsub.f32 $0.0e+00, v7  }
0x2d6: {  	v8 =	vld [tilespmem:s25+$0xFFFFFFF0];
	s2 =	spop (v2sf)  }
0x2d7: {  	s2 =	sadd.s32 s14, s2;
	v7 =	vmul.f32 $1.442695020e+00, v7  }
0x2d8: {  	v9 =	vld [tilespmem:s0+$0xFFFFFFF0];
	v10 =	vmov s2  }
0x2d9: {  	v10 =	vadd.s32 $0xFFFFFFFF, v10;
	(erf) = vpow2.f32 v7  }
0x2da: {  	v7 =	vbroadcast v10, $0x0  }
0x2db: {  	vm1 =	vgt.s32 v8, $0x0  }
0x2dc: {  	v8 =	vsel vm1, $0x1, v1  }
0x2dd: {  	v9 =	vsub.f32 v9, v5;
	(xrf0) =	vadd.scan.msk.s32 $0xffff, v8;
	_ =	sdelay $0x1  }
0x2de: {  	v8 =	vmul.f32 v9, v6;
	_ =	sdelay $0x1  }
0x2df: {  	v8 =	vsub.f32 $1.000000000e+00, v8  }
0x2e0: {  	v9 =	vpop (erf)  }
0x2e1: {  	v8 =	vmul.f32 $4.000000060e-01, v8;
	v9 =	vmul.f32 $6.000000240e-01, v9;
	v10, _, _ =	vpop (xrf0)  }
0x2e2: {  	v7 =	vadd.s32 v10, v7;
	(v2sf) =	vpush v10, $0xF  }
0x2e3: {  	v8 =	vadd.f32 v9, v8;
	_ =	sdelay $0x1  }
0x2e4: {  	v8 =	vnsel vm1, $0x0, v8  }
0x2e5: {  	[tilespmem:s1+$0xFFFFFFF0] =	vst v8  }
0x2e6: {  	[tilespmem:v7+s17+$0x0] =	vst.idx.msk vm1, v8  }
0x2e7: {  	v7 =	vld [tilespmem:s13+$0x0]  }
0x2e8: {  	v8 =	vld [tilespmem:s25+$0x0];
	_ =	sdelay $0x3  }
0x2e9: {  	v7 =	vsub.f32 v7, v4;
	_ =	sdelay $0x1  }
0x2ea: {  	v7 =	vand.u32 $0x7FFFFFFF, v7  }
0x2eb: {  	v7 =	vsub.f32 $0.0e+00, v7  }
0x2ec: {  	s14 =	spop (v2sf)  }
0x2ed: {  	s14 =	sadd.s32 s2, s14;
	v7 =	vmul.f32 $1.442695020e+00, v7  }
0x2ee: {  	v9 =	vld [tilespmem:s0+$0x0];
	v10 =	vmov s14  }
0x2ef: {  	(erf) = vpow2.f32 v7;
	_ =	sdelay $0x1  }
0x2f0: {  	vm1 =	vgt.s32 v8, $0x0  }
0x2f1: {  	v7 =	vsel vm1, $0x1, v1  }
0x2f2: {  	v8 =	vsub.f32 v9, v5;
	(xrf0) =	vadd.scan.msk.s32 $0xffff, v7;
	_ =	sdelay $0x1  }
0x2f3: {  	v7 =	vmul.f32 v8, v6;
	_ =	sdelay $0x1  }
0x2f4: {  	v8 =	vadd.s32 $0xFFFFFFFF, v10;
	v7 =	vsub.f32 $1.000000000e+00, v7  }
0x2f5: {  	v8 =	vbroadcast v8, $0x0;
	v9 =	vpop (erf)  }
0x2f6: {  	v7 =	vmul.f32 $4.000000060e-01, v7;
	v9 =	vmul.f32 $6.000000240e-01, v9;
	v10, _, _ =	vpop (xrf0)  }
0x2f7: {  	v8 =	vadd.s32 v10, v8;
	(v2sf) =	vpush v10, $0xF  }
0x2f8: {  	v7 =	vadd.f32 v9, v7;
	_ =	sdelay $0x1  }
0x2f9: {  	v7 =	vnsel vm1, $0x0, v7  }
0x2fa: {  	[tilespmem:s1+$0x0] =	vst v7  }
0x2fb: {  	[tilespmem:v8+s17+$0x0] =	vst.idx.msk vm1, v7  }
0x2fc: {  	v7 =	vld [tilespmem:s13+$0x10]  }
0x2fd: {  	v8 =	vld [tilespmem:s25+$0x10]  }
0x2fe: {  	v9 =	vld [tilespmem:s0+$0x10];
	_ =	sdelay $0x2  }
0x2ff: {  	v7 =	vsub.f32 v7, v4  }
0x300: {  	vm1 =	vgt.s32 v8, $0x0  }
0x301: {  	v8 =	vsub.f32 v9, v5;
	v7 =	vand.u32 $0x7FFFFFFF, v7;
	v9 =	vsel vm1, $0x1, v1  }
0x302: {  	v7 =	vsub.f32 $0.0e+00, v7;
	(xrf0) =	vadd.scan.msk.s32 $0xffff, v9  }
0x303: {  	v8 =	vmul.f32 v8, v6;
	s2 =	spop (v2sf)  }
0x304: {  	s14 =	sadd.s32 s14, s2;
	v10 =	vmul.f32 $1.442695020e+00, v7  }
0x305: {  	v7 =	vsub.f32 $1.000000000e+00, v8;
	v8 =	vmov s14  }
0x306: {  	v9 =	vadd.s32 $0xFFFFFFFF, v8;
	(erf) = vpow2.f32 v10  }
.Ltmp12:
0x307: {  	(pc) =	sbr.rel @p0 .LBB2_15-.Ltmp12, $4  }
0x308: {  	v8, _, _ =	vpop (xrf0)  }
0x309: {  	(v2sf) =	vpush v8, $0xF  }
0x30a: {  	s13 =	sadd.s32 $0x40, s13  }
0x30b: {  	s25 =	sadd.s32 $0x40, s25  }
0x30c: {  	_ =	sdelay $0x2  }
0x30d: {  	v9 =	vbroadcast v9, $0x0;
	v10 =	vpop (erf)  }
0x30e: {  	v7 =	vmul.f32 $4.000000060e-01, v7;
	v10 =	vmul.f32 $6.000000240e-01, v10  }
0x30f: {  	v8 =	vadd.s32 v8, v9  }
0x310: {  	v7 =	vadd.f32 v10, v7;
	_ =	sdelay $0x1  }
0x311: {  	v7 =	vnsel vm1, $0x0, v7  }
0x312: {  	[tilespmem:s28+$0x10] =	vst v7  }
0x313: {  	[tilespmem:v8+s17+$0x0] =	vst.idx.msk vm1, v7  }
0x314: {  	v7 =	vld [tilespmem:s13+$0xFFFFFFE0];
	_ =	sdelay $0x4  }
0x315: {  	v7 =	vsub.f32 v7, v4;
	_ =	sdelay $0x1  }
0x316: {  	v7 =	vand.u32 $0x7FFFFFFF, v7  }
0x317: {  	v7 =	vsub.f32 $0.0e+00, v7  }
0x318: {  	v8 =	vld [tilespmem:s25+$0xFFFFFFE0]  }
0x319: {  	s0 =	sadd.s32 $0x40, s0;
	v7 =	vmul.f32 $1.442695020e+00, v7  }
0x31a: {  	v41 =	vld [tilespmem:s0+$0xFFFFFFE0]  }
0x31b: {  	(erf) = vpow2.f32 v7;
	_ =	sdelay $0x1  }
0x31c: {  	vm1 =	vgt.s32 v8, $0x0  }
0x31d: {  	v42 =	vsel vm1, $0x1, v1  }
0x31e: {  	v43 =	vsub.f32 v41, v5;
	(xrf0) =	vadd.scan.msk.s32 $0xffff, v42  }
0x31f: {  	s2 =	spop (v2sf)  }
0x320: {  	s2 =	sadd.s32 s14, s2;
	v44 =	vmul.f32 v43, v6  }
0x321: {  	v45 =	vmov s2  }
0x322: {  	v8 =	vadd.s32 $0xFFFFFFFF, v45;
	v7 =	vsub.f32 $1.000000000e+00, v44  }
0x323: {  	v8 =	vbroadcast v8, $0x0;
	v46 =	vpop (erf)  }
0x324: {  	v47, _, _ =	vpop (xrf0);
	v7 =	vmul.f32 $4.000000060e-01, v7;
	v9 =	vmul.f32 $6.000000240e-01, v46  }
0x325: {  	v8 =	vadd.s32 v47, v8  }
0x326: {  	v7 =	vadd.f32 v9, v7;
	_ =	sdelay $0x1  }
0x327: {  	s1 =	sadd.s32 $0x40, s1;
	v7 =	vnsel vm1, $0x0, v7  }
0x328: {  	[tilespmem:s1+$0xFFFFFFE0] =	vst v7  }
0x329: {  	[tilespmem:v8+s17+$0x0] =	vst.idx.msk vm1, v7  }
0x32a: {  	v7 =	vld [tilespmem:s13+$0xFFFFFFF0];
	_ =	sdelay $0x1  }
0x32b: {  	(v2sf) =	vpush v47, $0xF;
	_ =	sdelay $0x2  }
0x32c: {  	v7 =	vsub.f32 v7, v4;
	_ =	sdelay $0x1  }
0x32d: {  	v7 =	vand.u32 $0x7FFFFFFF, v7  }
0x32e: {  	v7 =	vsub.f32 $0.0e+00, v7  }
0x32f: {  	v8 =	vld [tilespmem:s25+$0xFFFFFFF0]  }
0x330: {  	v7 =	vmul.f32 $1.442695020e+00, v7  }
0x331: {  	v48 =	vld [tilespmem:s0+$0xFFFFFFF0]  }
0x332: {  	(erf) = vpow2.f32 v7;
	_ =	sdelay $0x1  }
0x333: {  	vm1 =	vgt.s32 v8, $0x0  }
0x334: {  	v49 =	vsel vm1, $0x1, v1  }
0x335: {  	v50 =	vsub.f32 v48, v5;
	(xrf0) =	vadd.scan.msk.s32 $0xffff, v49  }
0x336: {  	s26 =	spop (v2sf)  }
0x337: {  	s2 =	sadd.s32 s2, s26;
	v51 =	vmul.f32 v50, v6  }
0x338: {  	v52 =	vmov s2  }
0x339: {  	v8 =	vadd.s32 $0xFFFFFFFF, v52;
	v7 =	vsub.f32 $1.000000000e+00, v51  }
0x33a: {  	v8 =	vbroadcast v8, $0x0;
	v53 =	vpop (erf)  }
0x33b: {  	v54, _, _ =	vpop (xrf0);
	v7 =	vmul.f32 $4.000000060e-01, v7;
	v9 =	vmul.f32 $6.000000240e-01, v53  }
0x33c: {  	v8 =	vadd.s32 v54, v8  }
0x33d: {  	v7 =	vadd.f32 v9, v7;
	_ =	sdelay $0x1  }
0x33e: {  	v7 =	vnsel vm1, $0x0, v7  }
0x33f: {  	[tilespmem:s1+$0xFFFFFFF0] =	vst v7  }
0x340: {  	[tilespmem:v8+s17+$0x0] =	vst.idx.msk vm1, v7  }
0x341: {  	v7 =	vld [tilespmem:s13+$0x0];
	_ =	sdelay $0x1  }
0x342: {  	(v2sf) =	vpush v54, $0xF;
	_ =	sdelay $0x2  }
0x343: {  	v7 =	vsub.f32 v7, v4;
	_ =	sdelay $0x1  }
0x344: {  	v7 =	vand.u32 $0x7FFFFFFF, v7  }
0x345: {  	v7 =	vsub.f32 $0.0e+00, v7  }
0x346: {  	v8 =	vld [tilespmem:s25+$0x0]  }
0x347: {  	v7 =	vmul.f32 $1.442695020e+00, v7  }
0x348: {  	v55 =	vld [tilespmem:s0+$0x0]  }
0x349: {  	(erf) = vpow2.f32 v7;
	_ =	sdelay $0x1  }
0x34a: {  	vm1 =	vgt.s32 v8, $0x0  }
0x34b: {  	v56 =	vsel vm1, $0x1, v1  }
0x34c: {  	v57 =	vsub.f32 v55, v5;
	(xrf0) =	vadd.scan.msk.s32 $0xffff, v56  }
0x34d: {  	s28 =	spop (v2sf)  }
0x34e: {  	s2 =	sadd.s32 s2, s28;
	v58 =	vmul.f32 v57, v6  }
0x34f: {  	v59 =	vmov s2  }
0x350: {  	v8 =	vadd.s32 $0xFFFFFFFF, v59;
	v7 =	vsub.f32 $1.000000000e+00, v58  }
0x351: {  	v8 =	vbroadcast v8, $0x0;
	v60 =	vpop (erf)  }
0x352: {  	v61, _, _ =	vpop (xrf0);
	v7 =	vmul.f32 $4.000000060e-01, v7;
	v9 =	vmul.f32 $6.000000240e-01, v60  }
0x353: {  	v8 =	vadd.s32 v61, v8  }
0x354: {  	v7 =	vadd.f32 v9, v7;
	_ =	sdelay $0x1  }
0x355: {  	v7 =	vnsel vm1, $0x0, v7  }
0x356: {  	[tilespmem:s1+$0x0] =	vst v7  }
0x357: {  	[tilespmem:v8+s17+$0x0] =	vst.idx.msk vm1, v7  }
0x358: {  	v7 =	vld [tilespmem:s25+$0x10];
	_ =	sdelay $0x4  }
0x359: {  	vm1 =	vgt.s32 v7, $0x0  }
0x35a: {  	v7 =	vsel vm1, $0x1, v1  }
0x35b: {  	v8 =	vld [tilespmem:s13+$0x10];
	(xrf0) =	vadd.scan.msk.s32 $0xffff, v7;
	_ =	sdelay $0x1  }
0x35c: {  	(v2sf) =	vpush v61, $0xF;
	_ =	sdelay $0x2  }
0x35d: {  	v4 =	vsub.f32 v8, v4  }
0x35e: {  	v7, _, _ =	vpop (xrf0)  }
0x35f: {  	v4 =	vand.u32 $0x7FFFFFFF, v4;
	(v2sf) =	vpush v7, $0xF  }
0x360: {  	v4 =	vsub.f32 $0.0e+00, v4;
	_ =	sdelay $0x1  }
0x361: {  	v4 =	vmul.f32 $1.442695020e+00, v4  }
0x362: {  	v62 =	vld [tilespmem:s0+$0x10]  }
0x363: {  	(erf) = vpow2.f32 v4;
	_ =	sdelay $0x3  }
0x364: {  	v4 =	vsub.f32 v62, v5  }
0x365: {  	s29 =	spop (v2sf)  }
0x366: {  	s0 =	sadd.s32 s2, s29;
	v4 =	vmul.f32 v4, v6  }
0x367: {  	v5 =	vmov s0  }
0x368: {  	v5 =	vadd.s32 $0xFFFFFFFF, v5;
	v4 =	vsub.f32 $1.000000000e+00, v4  }
0x369: {  	v5 =	vbroadcast v5, $0x0;
	v63 =	vpop (erf)  }
0x36a: {  	v4 =	vmul.f32 $4.000000060e-01, v4;
	v6 =	vmul.f32 $6.000000240e-01, v63;
	s30 =	spop (v2sf)  }
0x36b: {  	v5 =	vadd.s32 v7, v5;
	s2 =	sadd.s32 s0, s30  }
0x36c: {  	v4 =	vadd.f32 v6, v4;
	s0 =	scvt.s32.f32 s2  }
.Ltmp13:
0x36d: {  	_ = 	snop;
	(pc) =	sbr.rel .LBB2_17-.Ltmp13, $4  }
0x36e: {  	v4 =	vnsel vm1, $0x0, v4;
	s0 =	smul.f32 $4.000000060e-01, s0  }
0x36f: {  	[tilespmem:s1+$0x10] =	vst v4;
	s31 =	sadd.s32 $0xF, s2  }
0x370: {  	s15 =	simm.s32 $0x0;
	[tilespmem:v5+s17+$0x0] =	vst.idx.msk vm1, v4;
	s13 =	scvt.f32.s32 s0;
	s0 =	sshra.s32 s31, $0x4  }
0x371: {  	s14 =	simm.s32 $0x0;
	s1 =	simm.s32 $0x3F800001;
	[tilespmem:s2+$0xC000] =	vst v0;
	p0 =	slt.s32 s0, $0x1  }
.LBB2_22:
0x372: {  	vm1 =	vgt.s32 v4, $0xFFFFFFFF;
	vm2 =	vgt.s32 v4, $0x0  }
0x373: {  	v4 =	vnsel vm2, $0x0, v4;
	_ =	sdelay $0x4  }
0x374: {  	[tilespmem:v4+s21+$0x0] =	vst.idx.msk vm1, v3  }
.LBB2_23:
0x375: {  	s26 =	sadd.s32 $0x1, s26  }
0x376: {  	p0 =	seq.s32 s26, s15  }
.Ltmp14:
0x377: {  	_ = 	snop;
	(pc) =	sbr.rel @p0 .LBB2_12-.Ltmp14, $2  }
0x378: {  	_ =	sdelay $0x2  }
0x379: {  	s28 =	sadd.s32 $0xFFFFFF80, s28  }
.LBB2_19:
0x37a: {  	s30 =	sshll.u32 s26, $0x7  }
0x37b: {  	s2 =	sshll.u32 s26, $0x9;
	s31 =	ssub.s32 s14, s30  }
0x37c: {  	s2 =	sshra.s32 s2, $0x2;
	p0 =	slt.s32 s31, $0x1  }
.Ltmp15:
0x37d: {  	s29 =	simm.s32 $0x14100;
	s2 =	sadd.s32 $0x12080, s2;
	(pc) =	sbr.rel @p0 .LBB2_23-.Ltmp15, $4  }
0x37e: {  	[tilespmem:s29], [sflag:$0x1] =	stream.indirect.gather [hbm4b:s7+s19], $0x80, s2, s19, $0xb8;
	[tilespmem:$0x18100] =	vst v63  }
0x37f: {  	_ =	swait.ge [sflag:s20], $0x4000  }
0x380: {  	[sflag:s20] =	ssyncset.done $0x0  }
0x381: {  	[sflag:s20] =	ssyncadd.s32 $0xFFFFC000  }
0x382: {  	p0 =	sgt.s32 s28, $0x1;
	s2 =	smov.u32 s28  }
0x383: {  	s2 =	simm.s32 @!p0 $0x1  }
0x384: {  	s2 =	smin.u32 s2, $0x80  }
0x385: {  	p0 =	sne.s32 s2, $0x1  }
.Ltmp16:
0x386: {  	v4 =	vld [tilespmem:s29+$0x0];
	(pc) =	sbr.rel @!p0 .LBB2_22-.Ltmp16, $2  }
0x387: {  	_ =	sdelay $0x2  }
0x388: {  	s30 =	sadd.s32 $0xFFFFFFFF, s2  }
.LBB2_21:
0x389: {  	p0 =	sne.s32 s30, $0x1;
	_ =	sdelay $0x3  }
0x38a: {  	vm1 =	vgt.s32 v4, $0xFFFFFFFF;
	vm2 =	vgt.s32 v4, $0x0  }
0x38b: {  	v4 =	vnsel vm2, $0x0, v4;
	_ =	sdelay $0x1  }
.Ltmp17:
0x38c: {  	(pc) =	sbr.rel @p0 .LBB2_21-.Ltmp17, $3  }
0x38d: {  	_ =	sdelay $0x1  }
0x38e: {  	s29 =	sadd.s32 $0x80, s29;
	[tilespmem:v4+s21+$0x0] =	vst.idx.msk vm1, v3  }
0x38f: {  	s30 =	sadd.s32 $0xFFFFFFFF, s30;
	v4 =	vld [tilespmem:s29+$0x0]  }
.Ltmp18:
0x390: {  	_ = 	snop;
	(pc) =	sbr.rel .LBB2_22-.Ltmp18, $1  }
0x391: {  	_ =	sdelay $0x3  }
.LBB2_18:
0x392: {  	v4 =	vimm.s32 $0x0  }
.LBB2_27:
0x393: {  	(xrf0) =	vadd.scan.msk.s32 $0xffff, v4;
	_ =	sdelay $0x5  }
0x394: {  	v4, _, _ =	vpop (xrf0)  }
0x395: {  	(v2sf) =	vpush v4, $0xF;
	_ =	sdelay $0xb  }
0x396: {  	s15 =	sadd.s32 $0x1, s15  }
0x397: {  	p2 =	sne.s32 s15, $0x1F  }
.Ltmp19:
0x398: {  	_ = 	snop;
	(pc) =	sbr.rel @!p2 .LBB2_28-.Ltmp19, $4  }
0x399: {  	s2 =	spop (v2sf)  }
0x39a: {  	p1 =	slt.s32 s2, s13;
	s2 =	smov.u32 s25  }
0x39b: {  	s2 =	smov.u32 @p1 s14  }
0x39c: {  	s1 =	smov.u32 @p1 s25;
	s14 =	smov.u32 s2  }
.LBB2_17:
.Ltmp20:
0x39d: {  	(pc) =	sbr.rel @p0 .LBB2_18-.Ltmp20, $3  }
0x39e: {  	_ =	sdelay $0x1  }
0x39f: {  	s2 =	sadd.s32 s14, s1  }
0x3a0: {  	s25 =	sshra.s32 s2, $0x1  }
0x3a1: {  	s2 =	simm.s32 $0xC000  }
0x3a2: {  	p1 =	sne.s32 s0, $0x1;
	v6 =	vld [tilespmem:s2+$0x0]  }
.Ltmp21:
0x3a3: {  	_ = 	snop;
	(pc) =	sbr.rel @!p1 .LBB2_26-.Ltmp21, $3  }
0x3a4: {  	v4 =	vmov s25  }
0x3a5: {  	v5 =	vbroadcast v4, $0x0;
	_ =	sdelay $0x1  }
0x3a6: {  	s26 =	sadd.s32 $0xFFFFFFFF, s0;
	s28 =	simm.s32 $0xC010;
	v4 =	vimm.s32 $0x0;
	vm1 =	vge.f32 v6, v5  }
.LBB2_25:
0x3a7: {  	v6 =	vld [tilespmem:s28+$0x0];
	p1 =	sne.s32 s26, $0x1;
	s26 =	sadd.s32 $0xFFFFFFFF, s26;
	v7 =	vsel vm1, $0x1, v1  }
.Ltmp22:
0x3a8: {  	v4 =	vadd.s32 v7, v4;
	(pc) =	sbr.rel @p1 .LBB2_25-.Ltmp22, $2  }
0x3a9: {  	_ =	sdelay $0x2  }
0x3aa: {  	s28 =	sadd.s32 $0x10, s28;
	vm1 =	vge.f32 v6, v5  }
.LBB2_26:
.Ltmp23:
0x3ab: {  	(pc) =	sbr.rel .LBB2_27-.Ltmp23, $3  }
0x3ac: {  	_ =	sdelay $0x1  }
0x3ad: {  	v5 =	vsel vm1, $0x1, v1  }
0x3ae: {  	v4 =	vadd.s32 v5, v4  }
.LBB2_28:
0x3af: {  	s14 =	simm.s32 $0x100A0  }
0x3b0: {  	s0 =	simm.s32 $0xA020;
	v5 =	vld [tilespmem:s14+$0xFFFFFFE0]  }
0x3b1: {  	v6 =	vld [tilespmem:s0+$0xFFFFFFE0];
	_ =	sdelay $0x1  }
0x3b2: {  	v4 =	vmov s2;
	s1 =	simm.s32 $0xE0A0  }
0x3b3: {  	v4 =	vbroadcast v4, $0x0;
	v7 =	vld [tilespmem:s1+$0xFFFFFFE0];
	_ =	sdelay $0x1  }
0x3b4: {  	p0 =	sgt.s32 s13, $0x0;
	vm1 =	vmmov vm0;
	vm2 =	vgt.s32 v5, $0x0;
	vm3 =	vge.f32 v6, v4  }
0x3b5: {  	vm1 =	vmneg @p0 vm1;
	vm2 =	vmand vm2, vm3  }
0x3b6: {  	vm2 =	vmand vm1, vm2  }
0x3b7: {  	v5 =	vsel vm2, $0x1, v7  }
0x3b8: {  	[tilespmem:s1+$0xFFFFFFE0] =	vst v5  }
0x3b9: {  	v5 =	vld [tilespmem:s0+$0xFFFFFFF0]  }
0x3ba: {  	v6 =	vld [tilespmem:s14+$0xFFFFFFF0];
	_ =	sdelay $0x2  }
0x3bb: {  	v7 =	vld [tilespmem:s1+$0xFFFFFFF0];
	_ =	sdelay $0x1  }
0x3bc: {  	vm2 =	vge.f32 v5, v4;
	vm3 =	vgt.s32 v6, $0x0  }
0x3bd: {  	vm2 =	vmand vm3, vm2  }
0x3be: {  	vm2 =	vmand vm1, vm2  }
0x3bf: {  	v5 =	vsel vm2, $0x1, v7  }
0x3c0: {  	[tilespmem:s1+$0xFFFFFFF0] =	vst v5  }
0x3c1: {  	v5 =	vld [tilespmem:s14+$0x0]  }
0x3c2: {  	v6 =	vld [tilespmem:s0+$0x0];
	_ =	sdelay $0x2  }
0x3c3: {  	v7 =	vld [tilespmem:s1+$0x0];
	_ =	sdelay $0x1  }
0x3c4: {  	vm2 =	vgt.s32 v5, $0x0;
	vm3 =	vge.f32 v6, v4  }
0x3c5: {  	vm2 =	vmand vm2, vm3  }
0x3c6: {  	vm2 =	vmand vm1, vm2  }
0x3c7: {  	v5 =	vsel vm2, $0x1, v7  }
0x3c8: {  	[tilespmem:s1+$0x0] =	vst v5  }
0x3c9: {  	v6 =	vld [tilespmem:s14+$0x10]  }
0x3ca: {  	v7 =	vld [tilespmem:s0+$0x10];
	_ =	sdelay $0x2  }
0x3cb: {  	v5 =	vld [tilespmem:s1+$0x10];
	_ =	sdelay $0x1  }
0x3cc: {  	s13 =	simm.s32 $0x0;
	s25 =	simm.s32 $0x100E0;
	s14 =	simm.s32 $0xE0A0;
	vm2 =	vgt.s32 v6, $0x0;
	vm3 =	vge.f32 v7, v4  }
.LBB2_29:
0x3cd: {  	s13 =	sadd.s32 $0x4, s13;
	vm2 =	vmand vm2, vm3;
	s1 =	sadd.s32 $0x40, s1;
	s0 =	sadd.s32 $0x40, s0  }
0x3ce: {  	p0 =	slt.u32 s13, $0x1FC;
	vm2 =	vmand vm1, vm2  }
0x3cf: {  	v5 =	vsel vm2, $0x1, v5  }
0x3d0: {  	[tilespmem:s14+$0x10] =	vst v5;
	s14 =	smov.u32 s1  }
0x3d1: {  	v5 =	vld [tilespmem:s25+$0xFFFFFFE0]  }
0x3d2: {  	v6 =	vld [tilespmem:s0+$0xFFFFFFE0];
	_ =	sdelay $0x2  }
0x3d3: {  	v7 =	vld [tilespmem:s1+$0xFFFFFFE0];
	_ =	sdelay $0x1  }
0x3d4: {  	vm2 =	vgt.s32 v5, $0x0;
	vm3 =	vge.f32 v6, v4  }
0x3d5: {  	vm2 =	vmand vm2, vm3  }
0x3d6: {  	vm2 =	vmand vm1, vm2  }
0x3d7: {  	v5 =	vsel vm2, $0x1, v7  }
0x3d8: {  	[tilespmem:s1+$0xFFFFFFE0] =	vst v5  }
0x3d9: {  	v5 =	vld [tilespmem:s0+$0xFFFFFFF0]  }
0x3da: {  	v6 =	vld [tilespmem:s25+$0xFFFFFFF0];
	_ =	sdelay $0x1  }
0x3db: {  	v7 =	vld [tilespmem:s1+$0xFFFFFFF0];
	_ =	sdelay $0x1  }
0x3dc: {  	vm2 =	vge.f32 v5, v4  }
0x3dd: {  	vm3 =	vgt.s32 v6, $0x0  }
0x3de: {  	vm2 =	vmand vm3, vm2  }
0x3df: {  	vm2 =	vmand vm1, vm2  }
0x3e0: {  	v5 =	vsel vm2, $0x1, v7  }
0x3e1: {  	[tilespmem:s1+$0xFFFFFFF0] =	vst v5  }
0x3e2: {  	v5 =	vld [tilespmem:s25+$0x0]  }
0x3e3: {  	v6 =	vld [tilespmem:s0+$0x0]  }
0x3e4: {  	v7 =	vld [tilespmem:s1+$0x0];
	_ =	sdelay $0x2  }
0x3e5: {  	vm2 =	vgt.s32 v5, $0x0  }
0x3e6: {  	vm3 =	vge.f32 v6, v4  }
0x3e7: {  	vm2 =	vmand vm2, vm3  }
0x3e8: {  	vm2 =	vmand vm1, vm2  }
0x3e9: {  	v5 =	vsel vm2, $0x1, v7  }
0x3ea: {  	[tilespmem:s1+$0x0] =	vst v5;
	v5 =	vld [tilespmem:s1+$0x10]  }
0x3eb: {  	v6 =	vld [tilespmem:s25+$0x10]  }
0x3ec: {  	v7 =	vld [tilespmem:s0+$0x10]  }
.Ltmp24:
0x3ed: {  	(pc) =	sbr.rel @p0 .LBB2_29-.Ltmp24, $3  }
0x3ee: {  	_ =	sdelay $0x1  }
0x3ef: {  	vm2 =	vgt.s32 v6, $0x0  }
0x3f0: {  	s25 =	sadd.s32 $0x40, s25;
	vm3 =	vge.f32 v7, v4  }
.Ltmp25:
0x3f1: {  	(pc) =	sbr.rel .LBB2_31-.Ltmp25, $4  }
0x3f2: {  	vm2 =	vmand vm2, vm3  }
0x3f3: {  	vm1 =	vmand vm1, vm2  }
0x3f4: {  	v4 =	vsel vm1, $0x1, v5  }
0x3f5: {  	[tilespmem:s14+$0x10] =	vst v4  }
.LBB2_7:
.Ltmp26:
0x3f6: {  	(pc) =	sbr.rel .LBB2_11-.Ltmp26, $2  }
0x3f7: {  	_ =	sdelay $0x2  }
0x3f8: {  	s31 =	smov.u32 s26  }
.LBB2_9:
.Ltmp27:
0x3f9: {  	(pc) =	sbr.rel .LBB2_11-.Ltmp27, $2  }
0x3fa: {  	_ =	sdelay $0x2  }
0x3fb: {  	s31 =	smov.u32 s26  }
.Lfunc_end2:
_tile_overlayer_lowered:
.L_overlay_start_2:
0x3fc: {  	(tag) =	ssettag $0x2  }
0x3fd: {  	s0 =	rddreg [dreg:$0x0];
	s2 =	stileid.u32  }
0x3fe: {  	s1 =	rddreg [dreg:$0x1];
	p0 =	sne.s32 s2, $0x0  }
0x3ff: {  	s3 =	rddreg [dreg:$0x2];
	[bflag:$0x3] =	sbarrier.arrive $0xFFFF;
	s2 =	simm.s32 @!p0 $0x1C02  }
0x400: {  	[timem:s3], [sflag:s2] =	dma.local @!p0 [hbm:s0], s1  }
0x401: {  	s0 =	simm.s32 @!p0 $0x2  }
0x402: {  	_ =	swait.ge @!p0 [sflag:s0], s1  }
0x403: {  	s1 =	ssub.s32 @!p0 $0x0, s1;
	[sflag:s0] =	ssyncset.done @!p0 $0x0  }
0x404: {  	[sflag:s0] =	ssyncadd.s32 @!p0 s1  }
0x405: {  	[bflag:$0x3] =	sbarrier.arrive $0xFFFF  }
0x406: {  	_ =	shalt  }

</sc_bundles>
